<compile_context>
chip_gen: v7x
topology: tpu7x:2x2x1
jax: 0.10.2.dev20260603
libtpu: 0.0.44.dev20260713+nightly
codegen_flags: <defaults>
</compile_context>

<pallas_src>
import jax
import jax.numpy as jnp
from jax import lax
from jax.experimental import pallas as pl
from jax.experimental.pallas import tpu as pltpu
from jax.experimental.pallas import tpu_sc as plsc

VOCAB = 30522
HIDDEN = 768
NUM_LABELS = 2
BATCH = 4096
SEQ = 200

L = 16
NC = 2
NS = 16
NW = NC * NS
ROWS_PER_W = BATCH // NW
LG = ROWS_PER_W // L
VP = VOCAB + 6
ZCOL = VOCAB
TROWS = 2
CHUNK = 16
NFULL = SEQ // CHUNK
TAIL = SEQ - NFULL * CHUNK

_PROJ_BLK = 4096


def _rne_bf16_bits(x_f32):
    u = lax.bitcast_convert_type(x_f32, jnp.uint32)
    return (u + 0x7FFF + ((u >> 16) & 1)) >> 16


def _proj_body(w_ref, emb_ref, out_ref):
    res = lax.dot_general(w_ref[...], emb_ref[...],
                          (((0,), (1,)), ((), ())),
                          preferred_element_type=jnp.float32)
    lo = _rne_bf16_bits(res[0:1, :])
    hi = _rne_bf16_bits(res[1:2, :]) << 16
    out_ref[...] = (lo | hi).astype(jnp.int32)


def _project_table(emb_table, W):
    grid = (pl.cdiv(VOCAB, _PROJ_BLK),)
    return pl.pallas_call(
        _proj_body,
        grid=grid,
        in_specs=[
            pl.BlockSpec((HIDDEN, NUM_LABELS), lambda i: (0, 0)),
            pl.BlockSpec((_PROJ_BLK, HIDDEN), lambda i: (i, 0)),
        ],
        out_specs=pl.BlockSpec((1, _PROJ_BLK), lambda i: (0, i)),
        out_shape=jax.ShapeDtypeStruct((1, VOCAB), jnp.int32),
    )(W, emb_table)


def _lane_bcast(vec, lane):
    idx = jnp.full((L, 1), lane, jnp.int32)
    dnums = lax.GatherDimensionNumbers(
        offset_dims=(), collapsed_slice_dims=(0,), start_index_map=(0,))
    return lax.gather(vec, idx, dnums, slice_sizes=(1,),
                      mode=lax.GatherScatterMode.PROMISE_IN_BOUNDS)


def _sc_body(ids_hbm, mask_hbm, tab_hbm, out_hbm,
             tabv, idsv, maskv, outv, sem_tab, sem_io):
    wid = lax.axis_index("s") * NC + lax.axis_index("c")
    row0 = wid * ROWS_PER_W

    half = ROWS_PER_W // 2
    tab_dma = pltpu.async_copy(tab_hbm, tabv, sem_tab)
    io_dmas = []
    for h in range(2):
        io_dmas.append(pltpu.async_copy(
            ids_hbm.at[pl.ds(row0 + h * half, half)],
            idsv.at[pl.ds(h * half, half)], sem_io))
        io_dmas.append(pltpu.async_copy(
            mask_hbm.at[pl.ds(row0 + h * half, half)],
            maskv.at[pl.ds(h * half, half)], sem_io))

    zcol = jnp.full((L,), ZCOL, jnp.int32)
    himask = jnp.full((L,), -65536, jnp.int32)
    iota = lax.iota(jnp.int32, L)
    rbase = [iota + lg * L for lg in range(LG)]
    col0 = jnp.zeros((L,), jnp.int32)
    col1 = jnp.ones((L,), jnp.int32)
    zero = jnp.zeros((L,), jnp.float32)

    tab_dma.wait()
    io_dmas[0].wait()
    io_dmas[1].wait()

    b0 = plsc.bitcast(plsc.load_gather(tabv, [jnp.full((L,), VP, jnp.int32)]),
                      jnp.float32)
    b1 = plsc.bitcast(
        plsc.load_gather(tabv, [jnp.full((L,), VP + 1, jnp.int32)]),
        jnp.float32)

    for lg in range(LG):
        if lg == LG // 2:
            io_dmas[2].wait()
            io_dmas[3].wait()
        def body(si, accs):
            a0, a1, a2 = accs
            csi = jnp.full((L,), si, jnp.int32)
            ids16 = plsc.load_gather(idsv, [rbase[lg], csi])
            m16 = plsc.load_gather(maskv, [rbase[lg], csi])
            sel = jnp.where(m16 != 0, ids16, zcol)
            g = plsc.load_gather(tabv, [sel])
            g0 = plsc.bitcast(g << 16, jnp.float32)
            g1 = plsc.bitcast(g & himask, jnp.float32)
            return (a0 + g0, a1 + g1, a2 + m16.astype(jnp.float32))
        a0, a1, a2 = lax.fori_loop(0, SEQ, body, (zero, zero, zero),
                                   unroll=8)
        plsc.store_scatter(outv, [rbase[lg], col0], a0 / a2 + b0)
        plsc.store_scatter(outv, [rbase[lg], col1], a1 / a2 + b1)
    pltpu.sync_copy(outv, out_hbm.at[pl.ds(row0, ROWS_PER_W)])


def _sc_pool(ids, mask, tab_flat):
    mesh = plsc.VectorSubcoreMesh(core_axis_name="c", subcore_axis_name="s",
                                  num_cores=NC, num_subcores=NS)
    f = pl.kernel(
        _sc_body,
        out_type=jax.ShapeDtypeStruct((BATCH, NUM_LABELS), jnp.float32),
        mesh=mesh,
        scratch_types=[
            pltpu.VMEM((VP + 8,), jnp.int32),
            pltpu.VMEM((ROWS_PER_W, SEQ), jnp.int32),
            pltpu.VMEM((ROWS_PER_W, SEQ), jnp.int32),
            pltpu.VMEM((ROWS_PER_W, NUM_LABELS), jnp.float32),
            pltpu.SemaphoreType.DMA,
            pltpu.SemaphoreType.DMA,
        ],
        compiler_params=pltpu.CompilerParams(use_tc_tiling_on_sc=False,
                                             needs_layout_passes=False),
    )
    return f(ids, mask, tab_flat)


@jax.jit
def kernel(input_ids, attention_mask, emb_table, W, b):
    proj = _project_table(emb_table.astype(jnp.float32),
                          W.astype(jnp.float32))
    bias_bits = lax.bitcast_convert_type(
        jnp.pad(b.astype(jnp.float32), (0, 8 - NUM_LABELS)), jnp.int32)
    tab_flat = jnp.concatenate(
        [jnp.pad(proj, ((0, 0), (0, VP - VOCAB))).reshape(-1), bias_bits])

    return _sc_pool(input_ids.astype(jnp.int32),
                    attention_mask.astype(jnp.int32), tab_flat)

# --- scband reference (transcript-rebuilt; emitter-appended) ---
"""Pipeline reference for scband-simple-bert-model-73237782332024 (READ-ONLY COPY).

The authoritative reference and input builder live on the scoring server;
editing this copy changes nothing except your own understanding.
"""

import jax, jax.numpy as jnp
import numpy as np

VOCAB = 30522
HIDDEN = 768
NUM_LABELS = 2
BATCH = 4096
SEQ = 200

def setup_inputs(seed: int = 0) -> dict:
    key = jax.random.key(seed)
    k1, k2, k3, k4 = jax.random.split(key, 4)
    input_ids = jax.random.randint(k1, (BATCH, SEQ), 0, VOCAB, dtype=jnp.int64 if jax.config.jax_enable_x64 else jnp.int32)
    attention_mask = jnp.ones((BATCH, SEQ), dtype=jnp.int32)
    emb_table = jax.random.normal(k2, (VOCAB, HIDDEN), dtype=jnp.float32) * 0.02
    W = jax.random.normal(k3, (HIDDEN, NUM_LABELS), dtype=jnp.float32) * 0.02
    b = jnp.zeros((NUM_LABELS,), dtype=jnp.float32)
    return {"input_ids": input_ids, "attention_mask": attention_mask, "emb_table": emb_table, "W": W, "b": b}

def reference(input_ids, attention_mask, emb_table, W, b):
    # embeddings = nn.Embedding(input_ids)
    embeddings = jnp.take(emb_table, input_ids, axis=0)  # [B, S, H]
    # masked mean pooling
    mask = attention_mask[..., None].astype(jnp.float32)  # [B, S, 1]
    embeddings = embeddings * mask
    pooled = embeddings.sum(axis=1) / mask.sum(axis=1)  # [B, H]
    # classifier
    logits = pooled @ W + b  # [B, num_labels]
    return logits

if __name__ == "__main__":
    import jax
    _d = setup_inputs()
    print(jax.jit(kernel)(*tuple(_d.values())))

</pallas_src>

<mosaic_0001>
#map = affine_map<(d0, d1) -> (0, 0)>
#map1 = affine_map<(d0, d1) -> (0)>
module attributes {stable_mosaic.version = 14 : i64} {
  func.func @_sc_body(%arg0: i32, %arg1: i32, %arg2: memref<4096x200xi32, #tpu.memory_space<hbm>>, %arg3: memref<4096x200xi32, #tpu.memory_space<hbm>>, %arg4: memref<30536xi32, #tpu.memory_space<hbm>>, %arg5: memref<4096x2xf32, #tpu.memory_space<hbm>>, %arg6: memref<30536xi32, #tpu.memory_space<vmem>>, %arg7: memref<128x200xi32, #tpu.memory_space<vmem>>, %arg8: memref<128x200xi32, #tpu.memory_space<vmem>>, %arg9: memref<128x2xf32, #tpu.memory_space<vmem>>, %arg10: memref<!tpu.dma_semaphore, #tpu.memory_space<semaphore_mem>>, %arg11: memref<!tpu.dma_semaphore, #tpu.memory_space<semaphore_mem>>) attributes {dimension_semantics = [#tpu.dimension_semantics<core_parallel>, #tpu.dimension_semantics<subcore_parallel>], iteration_bounds = array<i64: 2, 16>, scalar_prefetch = 0 : i64, scratch_operands = 6 : i64, tpu.core_type = #tpu.core_type<sc_vector_subcore>, window_params = [{transform_indices = #map}, {transform_indices = #map}, {transform_indices = #map1}, {transform_indices = #map}]} {
    %mul3A = arith.constant 2 : i32
    %mul3A_0 = arith.muli %arg1, %mul3A : i32
    %add3A = arith.addi %mul3A_0, %arg0 : i32
    %mul3A_1 = arith.constant 128 : i32
    %mul3A_2 = arith.muli %add3A, %mul3A_1 : i32
    tpu.enqueue_dma source(%arg4 : memref<30536xi32, #tpu.memory_space<hbm>>) target(%arg6 : memref<30536xi32, #tpu.memory_space<vmem>>) target_semaphore(%arg10 : memref<!tpu.dma_semaphore, #tpu.memory_space<semaphore_mem>>)
    %add3A_3 = arith.constant 0 : i32
    %add3A_4 = arith.addi %mul3A_2, %add3A_3 : i32
    %dma_start3A = arith.constant 0 : i32
    %dma_start3A_5 = arith.constant 0 : i32
    %dma_start3A_6 = tpu.memref_slice %arg7[%dma_start3A, %dma_start3A_5] : memref<128x200xi32, #tpu.memory_space<vmem>> -> memref<64x200xi32, #tpu.memory_space<vmem>>
    %dma_start3A_7 = arith.constant 0 : i32
    %dma_start3A_8 = tpu.memref_slice %arg2[%add3A_4, %dma_start3A_7] : memref<4096x200xi32, #tpu.memory_space<hbm>> -> memref<64x200xi32, #tpu.memory_space<hbm>>
    %dma_start3A_9 = arith.constant 0 : i32
    %dma_start3A_10 = arith.constant 0 : i32
    %dma_start3A_11 = tpu.memref_slice %arg7[%dma_start3A_9, %dma_start3A_10] : memref<128x200xi32, #tpu.memory_space<vmem>> -> memref<64x200xi32, #tpu.memory_space<vmem>>
    %dma_start3A_12 = arith.constant 0 : i32
    %dma_start3A_13 = tpu.memref_slice %arg2[%add3A_4, %dma_start3A_12] : memref<4096x200xi32, #tpu.memory_space<hbm>> -> memref<64x200xi32, #tpu.memory_space<hbm>>
    tpu.enqueue_dma source(%dma_start3A_13 : memref<64x200xi32, #tpu.memory_space<hbm>>) target(%dma_start3A_11 : memref<64x200xi32, #tpu.memory_space<vmem>>) target_semaphore(%arg11 : memref<!tpu.dma_semaphore, #tpu.memory_space<semaphore_mem>>)
    %add3A_14 = arith.constant 0 : i32
    %add3A_15 = arith.addi %mul3A_2, %add3A_14 : i32
    %dma_start3A_16 = arith.constant 0 : i32
    %dma_start3A_17 = arith.constant 0 : i32
    %dma_start3A_18 = tpu.memref_slice %arg8[%dma_start3A_16, %dma_start3A_17] : memref<128x200xi32, #tpu.memory_space<vmem>> -> memref<64x200xi32, #tpu.memory_space<vmem>>
    %dma_start3A_19 = arith.constant 0 : i32
    %dma_start3A_20 = tpu.memref_slice %arg3[%add3A_15, %dma_start3A_19] : memref<4096x200xi32, #tpu.memory_space<hbm>> -> memref<64x200xi32, #tpu.memory_space<hbm>>
    %dma_start3A_21 = arith.constant 0 : i32
    %dma_start3A_22 = arith.constant 0 : i32
    %dma_start3A_23 = tpu.memref_slice %arg8[%dma_start3A_21, %dma_start3A_22] : memref<128x200xi32, #tpu.memory_space<vmem>> -> memref<64x200xi32, #tpu.memory_space<vmem>>
    %dma_start3A_24 = arith.constant 0 : i32
    %dma_start3A_25 = tpu.memref_slice %arg3[%add3A_15, %dma_start3A_24] : memref<4096x200xi32, #tpu.memory_space<hbm>> -> memref<64x200xi32, #tpu.memory_space<hbm>>
    tpu.enqueue_dma source(%dma_start3A_25 : memref<64x200xi32, #tpu.memory_space<hbm>>) target(%dma_start3A_23 : memref<64x200xi32, #tpu.memory_space<vmem>>) target_semaphore(%arg11 : memref<!tpu.dma_semaphore, #tpu.memory_space<semaphore_mem>>)
    %add3A_26 = arith.constant 64 : i32
    %add3A_27 = arith.addi %mul3A_2, %add3A_26 : i32
    %dma_start3A_28 = arith.constant 64 : i32
    %dma_start3A_29 = arith.constant 0 : i32
    %dma_start3A_30 = tpu.memref_slice %arg7[%dma_start3A_28, %dma_start3A_29] : memref<128x200xi32, #tpu.memory_space<vmem>> -> memref<64x200xi32, #tpu.memory_space<vmem>>
    %dma_start3A_31 = arith.constant 0 : i32
    %dma_start3A_32 = tpu.memref_slice %arg2[%add3A_27, %dma_start3A_31] : memref<4096x200xi32, #tpu.memory_space<hbm>> -> memref<64x200xi32, #tpu.memory_space<hbm>>
    %dma_start3A_33 = arith.constant 64 : i32
    %dma_start3A_34 = arith.constant 0 : i32
    %dma_start3A_35 = tpu.memref_slice %arg7[%dma_start3A_33, %dma_start3A_34] : memref<128x200xi32, #tpu.memory_space<vmem>> -> memref<64x200xi32, #tpu.memory_space<vmem>>
    %dma_start3A_36 = arith.constant 0 : i32
    %dma_start3A_37 = tpu.memref_slice %arg2[%add3A_27, %dma_start3A_36] : memref<4096x200xi32, #tpu.memory_space<hbm>> -> memref<64x200xi32, #tpu.memory_space<hbm>>
    tpu.enqueue_dma source(%dma_start3A_37 : memref<64x200xi32, #tpu.memory_space<hbm>>) target(%dma_start3A_35 : memref<64x200xi32, #tpu.memory_space<vmem>>) target_semaphore(%arg11 : memref<!tpu.dma_semaphore, #tpu.memory_space<semaphore_mem>>)
    %add3A_38 = arith.constant 64 : i32
    %add3A_39 = arith.addi %mul3A_2, %add3A_38 : i32
    %dma_start3A_40 = arith.constant 64 : i32
    %dma_start3A_41 = arith.constant 0 : i32
    %dma_start3A_42 = tpu.memref_slice %arg8[%dma_start3A_40, %dma_start3A_41] : memref<128x200xi32, #tpu.memory_space<vmem>> -> memref<64x200xi32, #tpu.memory_space<vmem>>
    %dma_start3A_43 = arith.constant 0 : i32
    %dma_start3A_44 = tpu.memref_slice %arg3[%add3A_39, %dma_start3A_43] : memref<4096x200xi32, #tpu.memory_space<hbm>> -> memref<64x200xi32, #tpu.memory_space<hbm>>
    %dma_start3A_45 = arith.constant 64 : i32
    %dma_start3A_46 = arith.constant 0 : i32
    %dma_start3A_47 = tpu.memref_slice %arg8[%dma_start3A_45, %dma_start3A_46] : memref<128x200xi32, #tpu.memory_space<vmem>> -> memref<64x200xi32, #tpu.memory_space<vmem>>
    %dma_start3A_48 = arith.constant 0 : i32
    %dma_start3A_49 = tpu.memref_slice %arg3[%add3A_39, %dma_start3A_48] : memref<4096x200xi32, #tpu.memory_space<hbm>> -> memref<64x200xi32, #tpu.memory_space<hbm>>
    tpu.enqueue_dma source(%dma_start3A_49 : memref<64x200xi32, #tpu.memory_space<hbm>>) target(%dma_start3A_47 : memref<64x200xi32, #tpu.memory_space<vmem>>) target_semaphore(%arg11 : memref<!tpu.dma_semaphore, #tpu.memory_space<semaphore_mem>>)
    %broadcast_in_dim3A = arith.constant 30522 : i32
    %broadcast_in_dim3A_50 = vector.broadcast %broadcast_in_dim3A : i32 to vector<16xi32>
    %broadcast_in_dim3A_51 = arith.constant -65536 : i32
    %broadcast_in_dim3A_52 = vector.broadcast %broadcast_in_dim3A_51 : i32 to vector<16xi32>
    %iota3A = tpu.iota {dimensions = array<i32: 0>} : vector<16xi32>
    %add3A_53 = arith.constant 0 : i32
    %add3A_54 = vector.broadcast %add3A_53 : i32 to vector<16xi32>
    %add3A_55 = arith.addi %iota3A, %add3A_54 : vector<16xi32>
    %add3A_56 = arith.constant 16 : i32
    %add3A_57 = vector.broadcast %add3A_56 : i32 to vector<16xi32>
    %add3A_58 = arith.addi %iota3A, %add3A_57 : vector<16xi32>
    %add3A_59 = arith.constant 32 : i32
    %add3A_60 = vector.broadcast %add3A_59 : i32 to vector<16xi32>
    %add3A_61 = arith.addi %iota3A, %add3A_60 : vector<16xi32>
    %add3A_62 = arith.constant 48 : i32
    %add3A_63 = vector.broadcast %add3A_62 : i32 to vector<16xi32>
    %add3A_64 = arith.addi %iota3A, %add3A_63 : vector<16xi32>
    %add3A_65 = arith.constant 64 : i32
    %add3A_66 = vector.broadcast %add3A_65 : i32 to vector<16xi32>
    %add3A_67 = arith.addi %iota3A, %add3A_66 : vector<16xi32>
    %add3A_68 = arith.constant 80 : i32
    %add3A_69 = vector.broadcast %add3A_68 : i32 to vector<16xi32>
    %add3A_70 = arith.addi %iota3A, %add3A_69 : vector<16xi32>
    %add3A_71 = arith.constant 96 : i32
    %add3A_72 = vector.broadcast %add3A_71 : i32 to vector<16xi32>
    %add3A_73 = arith.addi %iota3A, %add3A_72 : vector<16xi32>
    %add3A_74 = arith.constant 112 : i32
    %add3A_75 = vector.broadcast %add3A_74 : i32 to vector<16xi32>
    %add3A_76 = arith.addi %iota3A, %add3A_75 : vector<16xi32>
    %broadcast_in_dim3A_77 = arith.constant 0 : i32
    %broadcast_in_dim3A_78 = vector.broadcast %broadcast_in_dim3A_77 : i32 to vector<16xi32>
    %broadcast_in_dim3A_79 = arith.constant 1 : i32
    %broadcast_in_dim3A_80 = vector.broadcast %broadcast_in_dim3A_79 : i32 to vector<16xi32>
    %broadcast_in_dim3A_81 = arith.constant 0.000000e+00 : f32
    %broadcast_in_dim3A_82 = vector.broadcast %broadcast_in_dim3A_81 : f32 to vector<16xf32>
    tpu.wait_dma2 semaphore(%arg10 : memref<!tpu.dma_semaphore, #tpu.memory_space<semaphore_mem>>) src(%arg4 : memref<30536xi32, #tpu.memory_space<hbm>>) dst(%arg6 : memref<30536xi32, #tpu.memory_space<vmem>>)
    %dma_wait3A = arith.constant 0 : i32
    %dma_wait3A_83 = arith.constant 0 : i32
    %dma_wait3A_84 = tpu.memref_slice %arg7[%dma_wait3A, %dma_wait3A_83] : memref<128x200xi32, #tpu.memory_space<vmem>> -> memref<64x200xi32, #tpu.memory_space<vmem>>
    %dma_wait3A_85 = arith.constant 0 : i32
    %dma_wait3A_86 = tpu.memref_slice %arg2[%add3A_4, %dma_wait3A_85] : memref<4096x200xi32, #tpu.memory_space<hbm>> -> memref<64x200xi32, #tpu.memory_space<hbm>>
    %dma_wait3A_87 = arith.constant 0 : i32
    %dma_wait3A_88 = arith.constant 0 : i32
    %dma_wait3A_89 = tpu.memref_slice %arg7[%dma_wait3A_87, %dma_wait3A_88] : memref<128x200xi32, #tpu.memory_space<vmem>> -> memref<64x200xi32, #tpu.memory_space<vmem>>
    %dma_wait3A_90 = arith.constant 0 : i32
    %dma_wait3A_91 = tpu.memref_slice %arg2[%add3A_4, %dma_wait3A_90] : memref<4096x200xi32, #tpu.memory_space<hbm>> -> memref<64x200xi32, #tpu.memory_space<hbm>>
    tpu.wait_dma2 semaphore(%arg11 : memref<!tpu.dma_semaphore, #tpu.memory_space<semaphore_mem>>) src(%dma_wait3A_91 : memref<64x200xi32, #tpu.memory_space<hbm>>) dst(%dma_wait3A_89 : memref<64x200xi32, #tpu.memory_space<vmem>>)
    %dma_wait3A_92 = arith.constant 0 : i32
    %dma_wait3A_93 = arith.constant 0 : i32
    %dma_wait3A_94 = tpu.memref_slice %arg8[%dma_wait3A_92, %dma_wait3A_93] : memref<128x200xi32, #tpu.memory_space<vmem>> -> memref<64x200xi32, #tpu.memory_space<vmem>>
    %dma_wait3A_95 = arith.constant 0 : i32
    %dma_wait3A_96 = tpu.memref_slice %arg3[%add3A_15, %dma_wait3A_95] : memref<4096x200xi32, #tpu.memory_space<hbm>> -> memref<64x200xi32, #tpu.memory_space<hbm>>
    %dma_wait3A_97 = arith.constant 0 : i32
    %dma_wait3A_98 = arith.constant 0 : i32
    %dma_wait3A_99 = tpu.memref_slice %arg8[%dma_wait3A_97, %dma_wait3A_98] : memref<128x200xi32, #tpu.memory_space<vmem>> -> memref<64x200xi32, #tpu.memory_space<vmem>>
    %dma_wait3A_100 = arith.constant 0 : i32
    %dma_wait3A_101 = tpu.memref_slice %arg3[%add3A_15, %dma_wait3A_100] : memref<4096x200xi32, #tpu.memory_space<hbm>> -> memref<64x200xi32, #tpu.memory_space<hbm>>
    tpu.wait_dma2 semaphore(%arg11 : memref<!tpu.dma_semaphore, #tpu.memory_space<semaphore_mem>>) src(%dma_wait3A_101 : memref<64x200xi32, #tpu.memory_space<hbm>>) dst(%dma_wait3A_99 : memref<64x200xi32, #tpu.memory_space<vmem>>)
    %broadcast_in_dim3A_102 = arith.constant 30528 : i32
    %broadcast_in_dim3A_103 = vector.broadcast %broadcast_in_dim3A_102 : i32 to vector<16xi32>
    %gather3A = tpu.vector_load_idx %arg6[%broadcast_in_dim3A_103] : memref<30536xi32, #tpu.memory_space<vmem>>[vector<16xi32>], vector<16xi32>,
    %bitcast3A = vector.bitcast %gather3A : vector<16xi32> to vector<16xf32>
    %broadcast_in_dim3A_104 = arith.constant 30529 : i32
    %broadcast_in_dim3A_105 = vector.broadcast %broadcast_in_dim3A_104 : i32 to vector<16xi32>
    %gather3A_106 = tpu.vector_load_idx %arg6[%broadcast_in_dim3A_105] : memref<30536xi32, #tpu.memory_space<vmem>>[vector<16xi32>], vector<16xi32>,
    %bitcast3A_107 = vector.bitcast %gather3A_106 : vector<16xi32> to vector<16xf32>
    %scan3A = arith.constant 0 : i32
    %scan3A_108 = arith.constant 200 : i32
    %scan3A_109 = arith.addi %scan3A, %scan3A_108 : i32
    %scan3A_110 = arith.constant 8 : i32
    %scan3A_111:3 = scf.for %scan3A_206 = %scan3A to %scan3A_109 step %scan3A_110 iter_args(%scan3A_207 = %broadcast_in_dim3A_82, %scan3A_208 = %broadcast_in_dim3A_82, %scan3A_209 = %broadcast_in_dim3A_82) -> (vector<16xf32>, vector<16xf32>, vector<16xf32>)  : i32 {
      %broadcast_in_dim3A_210 = vector.broadcast %scan3A_206 : i32 to vector<16xi32>
      %gather3A_211 = tpu.vector_load_idx %arg7[%add3A_55, %broadcast_in_dim3A_210] : memref<128x200xi32, #tpu.memory_space<vmem>>[vector<16xi32>, vector<16xi32>], vector<16xi32>,
      %gather3A_212 = tpu.vector_load_idx %arg8[%add3A_55, %broadcast_in_dim3A_210] : memref<128x200xi32, #tpu.memory_space<vmem>>[vector<16xi32>, vector<16xi32>], vector<16xi32>,
      %ne3A = arith.constant 0 : i32
      %ne3A_213 = vector.broadcast %ne3A : i32 to vector<16xi32>
      %ne3A_214 = arith.cmpi ne, %gather3A_212, %ne3A_213 : vector<16xi32>
      %select_n3A = arith.select %ne3A_214, %gather3A_211, %broadcast_in_dim3A_50 : vector<16xi1>, vector<16xi32>
      %gather3A_215 = tpu.vector_load_idx %arg6[%select_n3A] : memref<30536xi32, #tpu.memory_space<vmem>>[vector<16xi32>], vector<16xi32>,
      %shift_left3A = arith.constant 16 : i32
      %shift_left3A_216 = vector.broadcast %shift_left3A : i32 to vector<16xi32>
      %shift_left3A_217 = arith.shli %gather3A_215, %shift_left3A_216 : vector<16xi32>
      %bitcast3A_218 = vector.bitcast %shift_left3A_217 : vector<16xi32> to vector<16xf32>
      %and3A = arith.andi %gather3A_215, %broadcast_in_dim3A_52 : vector<16xi32>
      %bitcast3A_219 = vector.bitcast %and3A : vector<16xi32> to vector<16xf32>
      %add3A_220 = arith.addf %scan3A_207, %bitcast3A_218 : vector<16xf32>
      %add3A_221 = arith.addf %scan3A_208, %bitcast3A_219 : vector<16xf32>
      %convert_element_type3A = arith.sitofp %gather3A_212 : vector<16xi32> to vector<16xf32>
      %add3A_222 = arith.addf %scan3A_209, %convert_element_type3A : vector<16xf32>
      %scan3A_223 = arith.constant 1 : i32
      %scan3A_224 = arith.addi %scan3A_206, %scan3A_223 : i32
      %broadcast_in_dim3A_225 = vector.broadcast %scan3A_224 : i32 to vector<16xi32>
      %gather3A_226 = tpu.vector_load_idx %arg7[%add3A_55, %broadcast_in_dim3A_225] : memref<128x200xi32, #tpu.memory_space<vmem>>[vector<16xi32>, vector<16xi32>], vector<16xi32>,
      %gather3A_227 = tpu.vector_load_idx %arg8[%add3A_55, %broadcast_in_dim3A_225] : memref<128x200xi32, #tpu.memory_space<vmem>>[vector<16xi32>, vector<16xi32>], vector<16xi32>,
      %ne3A_228 = arith.constant 0 : i32
      %ne3A_229 = vector.broadcast %ne3A_228 : i32 to vector<16xi32>
      %ne3A_230 = arith.cmpi ne, %gather3A_227, %ne3A_229 : vector<16xi32>
      %select_n3A_231 = arith.select %ne3A_230, %gather3A_226, %broadcast_in_dim3A_50 : vector<16xi1>, vector<16xi32>
      %gather3A_232 = tpu.vector_load_idx %arg6[%select_n3A_231] : memref<30536xi32, #tpu.memory_space<vmem>>[vector<16xi32>], vector<16xi32>,
      %shift_left3A_233 = arith.constant 16 : i32
      %shift_left3A_234 = vector.broadcast %shift_left3A_233 : i32 to vector<16xi32>
      %shift_left3A_235 = arith.shli %gather3A_232, %shift_left3A_234 : vector<16xi32>
      %bitcast3A_236 = vector.bitcast %shift_left3A_235 : vector<16xi32> to vector<16xf32>
      %and3A_237 = arith.andi %gather3A_232, %broadcast_in_dim3A_52 : vector<16xi32>
      %bitcast3A_238 = vector.bitcast %and3A_237 : vector<16xi32> to vector<16xf32>
      %add3A_239 = arith.addf %add3A_220, %bitcast3A_236 : vector<16xf32>
      %add3A_240 = arith.addf %add3A_221, %bitcast3A_238 : vector<16xf32>
      %convert_element_type3A_241 = arith.sitofp %gather3A_227 : vector<16xi32> to vector<16xf32>
      %add3A_242 = arith.addf %add3A_222, %convert_element_type3A_241 : vector<16xf32>
      %scan3A_243 = arith.constant 2 : i32
      %scan3A_244 = arith.addi %scan3A_206, %scan3A_243 : i32
      %broadcast_in_dim3A_245 = vector.broadcast %scan3A_244 : i32 to vector<16xi32>
      %gather3A_246 = tpu.vector_load_idx %arg7[%add3A_55, %broadcast_in_dim3A_245] : memref<128x200xi32, #tpu.memory_space<vmem>>[vector<16xi32>, vector<16xi32>], vector<16xi32>,
      %gather3A_247 = tpu.vector_load_idx %arg8[%add3A_55, %broadcast_in_dim3A_245] : memref<128x200xi32, #tpu.memory_space<vmem>>[vector<16xi32>, vector<16xi32>], vector<16xi32>,
      %ne3A_248 = arith.constant 0 : i32
      %ne3A_249 = vector.broadcast %ne3A_248 : i32 to vector<16xi32>
      %ne3A_250 = arith.cmpi ne, %gather3A_247, %ne3A_249 : vector<16xi32>
      %select_n3A_251 = arith.select %ne3A_250, %gather3A_246, %broadcast_in_dim3A_50 : vector<16xi1>, vector<16xi32>
      %gather3A_252 = tpu.vector_load_idx %arg6[%select_n3A_251] : memref<30536xi32, #tpu.memory_space<vmem>>[vector<16xi32>], vector<16xi32>,
      %shift_left3A_253 = arith.constant 16 : i32
      %shift_left3A_254 = vector.broadcast %shift_left3A_253 : i32 to vector<16xi32>
      %shift_left3A_255 = arith.shli %gather3A_252, %shift_left3A_254 : vector<16xi32>
      %bitcast3A_256 = vector.bitcast %shift_left3A_255 : vector<16xi32> to vector<16xf32>
      %and3A_257 = arith.andi %gather3A_252, %broadcast_in_dim3A_52 : vector<16xi32>
      %bitcast3A_258 = vector.bitcast %and3A_257 : vector<16xi32> to vector<16xf32>
      %add3A_259 = arith.addf %add3A_239, %bitcast3A_256 : vector<16xf32>
      %add3A_260 = arith.addf %add3A_240, %bitcast3A_258 : vector<16xf32>
      %convert_element_type3A_261 = arith.sitofp %gather3A_247 : vector<16xi32> to vector<16xf32>
      %add3A_262 = arith.addf %add3A_242, %convert_element_type3A_261 : vector<16xf32>
      %scan3A_263 = arith.constant 3 : i32
      %scan3A_264 = arith.addi %scan3A_206, %scan3A_263 : i32
      %broadcast_in_dim3A_265 = vector.broadcast %scan3A_264 : i32 to vector<16xi32>
      %gather3A_266 = tpu.vector_load_idx %arg7[%add3A_55, %broadcast_in_dim3A_265] : memref<128x200xi32, #tpu.memory_space<vmem>>[vector<16xi32>, vector<16xi32>], vector<16xi32>,
      %gather3A_267 = tpu.vector_load_idx %arg8[%add3A_55, %broadcast_in_dim3A_265] : memref<128x200xi32, #tpu.memory_space<vmem>>[vector<16xi32>, vector<16xi32>], vector<16xi32>,
      %ne3A_268 = arith.constant 0 : i32
      %ne3A_269 = vector.broadcast %ne3A_268 : i32 to vector<16xi32>
      %ne3A_270 = arith.cmpi ne, %gather3A_267, %ne3A_269 : vector<16xi32>
      %select_n3A_271 = arith.select %ne3A_270, %gather3A_266, %broadcast_in_dim3A_50 : vector<16xi1>, vector<16xi32>
      %gather3A_272 = tpu.vector_load_idx %arg6[%select_n3A_271] : memref<30536xi32, #tpu.memory_space<vmem>>[vector<16xi32>], vector<16xi32>,
      %shift_left3A_273 = arith.constant 16 : i32
      %shift_left3A_274 = vector.broadcast %shift_left3A_273 : i32 to vector<16xi32>
      %shift_left3A_275 = arith.shli %gather3A_272, %shift_left3A_274 : vector<16xi32>
      %bitcast3A_276 = vector.bitcast %shift_left3A_275 : vector<16xi32> to vector<16xf32>
      %and3A_277 = arith.andi %gather3A_272, %broadcast_in_dim3A_52 : vector<16xi32>
      %bitcast3A_278 = vector.bitcast %and3A_277 : vector<16xi32> to vector<16xf32>
      %add3A_279 = arith.addf %add3A_259, %bitcast3A_276 : vector<16xf32>
      %add3A_280 = arith.addf %add3A_260, %bitcast3A_278 : vector<16xf32>
      %convert_element_type3A_281 = arith.sitofp %gather3A_267 : vector<16xi32> to vector<16xf32>
      %add3A_282 = arith.addf %add3A_262, %convert_element_type3A_281 : vector<16xf32>
      %scan3A_283 = arith.constant 4 : i32
      %scan3A_284 = arith.addi %scan3A_206, %scan3A_283 : i32
      %broadcast_in_dim3A_285 = vector.broadcast %scan3A_284 : i32 to vector<16xi32>
      %gather3A_286 = tpu.vector_load_idx %arg7[%add3A_55, %broadcast_in_dim3A_285] : memref<128x200xi32, #tpu.memory_space<vmem>>[vector<16xi32>, vector<16xi32>], vector<16xi32>,
      %gather3A_287 = tpu.vector_load_idx %arg8[%add3A_55, %broadcast_in_dim3A_285] : memref<128x200xi32, #tpu.memory_space<vmem>>[vector<16xi32>, vector<16xi32>], vector<16xi32>,
      %ne3A_288 = arith.constant 0 : i32
      %ne3A_289 = vector.broadcast %ne3A_288 : i32 to vector<16xi32>
      %ne3A_290 = arith.cmpi ne, %gather3A_287, %ne3A_289 : vector<16xi32>
      %select_n3A_291 = arith.select %ne3A_290, %gather3A_286, %broadcast_in_dim3A_50 : vector<16xi1>, vector<16xi32>
      %gather3A_292 = tpu.vector_load_idx %arg6[%select_n3A_291] : memref<30536xi32, #tpu.memory_space<vmem>>[vector<16xi32>], vector<16xi32>,
      %shift_left3A_293 = arith.constant 16 : i32
      %shift_left3A_294 = vector.broadcast %shift_left3A_293 : i32 to vector<16xi32>
      %shift_left3A_295 = arith.shli %gather3A_292, %shift_left3A_294 : vector<16xi32>
      %bitcast3A_296 = vector.bitcast %shift_left3A_295 : vector<16xi32> to vector<16xf32>
      %and3A_297 = arith.andi %gather3A_292, %broadcast_in_dim3A_52 : vector<16xi32>
      %bitcast3A_298 = vector.bitcast %and3A_297 : vector<16xi32> to vector<16xf32>
      %add3A_299 = arith.addf %add3A_279, %bitcast3A_296 : vector<16xf32>
      %add3A_300 = arith.addf %add3A_280, %bitcast3A_298 : vector<16xf32>
      %convert_element_type3A_301 = arith.sitofp %gather3A_287 : vector<16xi32> to vector<16xf32>
      %add3A_302 = arith.addf %add3A_282, %convert_element_type3A_301 : vector<16xf32>
      %scan3A_303 = arith.constant 5 : i32
      %scan3A_304 = arith.addi %scan3A_206, %scan3A_303 : i32
      %broadcast_in_dim3A_305 = vector.broadcast %scan3A_304 : i32 to vector<16xi32>
      %gather3A_306 = tpu.vector_load_idx %arg7[%add3A_55, %broadcast_in_dim3A_305] : memref<128x200xi32, #tpu.memory_space<vmem>>[vector<16xi32>, vector<16xi32>], vector<16xi32>,
      %gather3A_307 = tpu.vector_load_idx %arg8[%add3A_55, %broadcast_in_dim3A_305] : memref<128x200xi32, #tpu.memory_space<vmem>>[vector<16xi32>, vector<16xi32>], vector<16xi32>,
      %ne3A_308 = arith.constant 0 : i32
      %ne3A_309 = vector.broadcast %ne3A_308 : i32 to vector<16xi32>
      %ne3A_310 = arith.cmpi ne, %gather3A_307, %ne3A_309 : vector<16xi32>
      %select_n3A_311 = arith.select %ne3A_310, %gather3A_306, %broadcast_in_dim3A_50 : vector<16xi1>, vector<16xi32>
      %gather3A_312 = tpu.vector_load_idx %arg6[%select_n3A_311] : memref<30536xi32, #tpu.memory_space<vmem>>[vector<16xi32>], vector<16xi32>,
      %shift_left3A_313 = arith.constant 16 : i32
      %shift_left3A_314 = vector.broadcast %shift_left3A_313 : i32 to vector<16xi32>
      %shift_left3A_315 = arith.shli %gather3A_312, %shift_left3A_314 : vector<16xi32>
      %bitcast3A_316 = vector.bitcast %shift_left3A_315 : vector<16xi32> to vector<16xf32>
      %and3A_317 = arith.andi %gather3A_312, %broadcast_in_dim3A_52 : vector<16xi32>
      %bitcast3A_318 = vector.bitcast %and3A_317 : vector<16xi32> to vector<16xf32>
      %add3A_319 = arith.addf %add3A_299, %bitcast3A_316 : vector<16xf32>
      %add3A_320 = arith.addf %add3A_300, %bitcast3A_318 : vector<16xf32>
      %convert_element_type3A_321 = arith.sitofp %gather3A_307 : vector<16xi32> to vector<16xf32>
      %add3A_322 = arith.addf %add3A_302, %convert_element_type3A_321 : vector<16xf32>
      %scan3A_323 = arith.constant 6 : i32
      %scan3A_324 = arith.addi %scan3A_206, %scan3A_323 : i32
      %broadcast_in_dim3A_325 = vector.broadcast %scan3A_324 : i32 to vector<16xi32>
      %gather3A_326 = tpu.vector_load_idx %arg7[%add3A_55, %broadcast_in_dim3A_325] : memref<128x200xi32, #tpu.memory_space<vmem>>[vector<16xi32>, vector<16xi32>], vector<16xi32>,
      %gather3A_327 = tpu.vector_load_idx %arg8[%add3A_55, %broadcast_in_dim3A_325] : memref<128x200xi32, #tpu.memory_space<vmem>>[vector<16xi32>, vector<16xi32>], vector<16xi32>,
      %ne3A_328 = arith.constant 0 : i32
      %ne3A_329 = vector.broadcast %ne3A_328 : i32 to vector<16xi32>
      %ne3A_330 = arith.cmpi ne, %gather3A_327, %ne3A_329 : vector<16xi32>
      %select_n3A_331 = arith.select %ne3A_330, %gather3A_326, %broadcast_in_dim3A_50 : vector<16xi1>, vector<16xi32>
      %gather3A_332 = tpu.vector_load_idx %arg6[%select_n3A_331] : memref<30536xi32, #tpu.memory_space<vmem>>[vector<16xi32>], vector<16xi32>,
      %shift_left3A_333 = arith.constant 16 : i32
      %shift_left3A_334 = vector.broadcast %shift_left3A_333 : i32 to vector<16xi32>
      %shift_left3A_335 = arith.shli %gather3A_332, %shift_left3A_334 : vector<16xi32>
      %bitcast3A_336 = vector.bitcast %shift_left3A_335 : vector<16xi32> to vector<16xf32>
      %and3A_337 = arith.andi %gather3A_332, %broadcast_in_dim3A_52 : vector<16xi32>
      %bitcast3A_338 = vector.bitcast %and3A_337 : vector<16xi32> to vector<16xf32>
      %add3A_339 = arith.addf %add3A_319, %bitcast3A_336 : vector<16xf32>
      %add3A_340 = arith.addf %add3A_320, %bitcast3A_338 : vector<16xf32>
      %convert_element_type3A_341 = arith.sitofp %gather3A_327 : vector<16xi32> to vector<16xf32>
      %add3A_342 = arith.addf %add3A_322, %convert_element_type3A_341 : vector<16xf32>
      %scan3A_343 = arith.constant 7 : i32
      %scan3A_344 = arith.addi %scan3A_206, %scan3A_343 : i32
      %broadcast_in_dim3A_345 = vector.broadcast %scan3A_344 : i32 to vector<16xi32>
      %gather3A_346 = tpu.vector_load_idx %arg7[%add3A_55, %broadcast_in_dim3A_345] : memref<128x200xi32, #tpu.memory_space<vmem>>[vector<16xi32>, vector<16xi32>], vector<16xi32>,
      %gather3A_347 = tpu.vector_load_idx %arg8[%add3A_55, %broadcast_in_dim3A_345] : memref<128x200xi32, #tpu.memory_space<vmem>>[vector<16xi32>, vector<16xi32>], vector<16xi32>,
      %ne3A_348 = arith.constant 0 : i32
      %ne3A_349 = vector.broadcast %ne3A_348 : i32 to vector<16xi32>
      %ne3A_350 = arith.cmpi ne, %gather3A_347, %ne3A_349 : vector<16xi32>
      %select_n3A_351 = arith.select %ne3A_350, %gather3A_346, %broadcast_in_dim3A_50 : vector<16xi1>, vector<16xi32>
      %gather3A_352 = tpu.vector_load_idx %arg6[%select_n3A_351] : memref<30536xi32, #tpu.memory_space<vmem>>[vector<16xi32>], vector<16xi32>,
      %shift_left3A_353 = arith.constant 16 : i32
      %shift_left3A_354 = vector.broadcast %shift_left3A_353 : i32 to vector<16xi32>
      %shift_left3A_355 = arith.shli %gather3A_352, %shift_left3A_354 : vector<16xi32>
      %bitcast3A_356 = vector.bitcast %shift_left3A_355 : vector<16xi32> to vector<16xf32>
      %and3A_357 = arith.andi %gather3A_352, %broadcast_in_dim3A_52 : vector<16xi32>
      %bitcast3A_358 = vector.bitcast %and3A_357 : vector<16xi32> to vector<16xf32>
      %add3A_359 = arith.addf %add3A_339, %bitcast3A_356 : vector<16xf32>
      %add3A_360 = arith.addf %add3A_340, %bitcast3A_358 : vector<16xf32>
      %convert_element_type3A_361 = arith.sitofp %gather3A_347 : vector<16xi32> to vector<16xf32>
      %add3A_362 = arith.addf %add3A_342, %convert_element_type3A_361 : vector<16xf32>
      scf.yield %add3A_359, %add3A_360, %add3A_362 : vector<16xf32>, vector<16xf32>, vector<16xf32>
    }
    %scan3A_112 = arith.constant 200 : i32
    %div3A = arith.divf %scan3A_111#0, %scan3A_111#2 : vector<16xf32>
    %add3A_113 = arith.addf %div3A, %bitcast3A : vector<16xf32>
    tpu.vector_store_idx %arg9[%add3A_55, %broadcast_in_dim3A_78], %add3A_113 : memref<128x2xf32, #tpu.memory_space<vmem>>[vector<16xi32>, vector<16xi32>], vector<16xf32>,
    %div3A_114 = arith.divf %scan3A_111#1, %scan3A_111#2 : vector<16xf32>
    %add3A_115 = arith.addf %div3A_114, %bitcast3A_107 : vector<16xf32>
    tpu.vector_store_idx %arg9[%add3A_55, %broadcast_in_dim3A_80], %add3A_115 : memref<128x2xf32, #tpu.memory_space<vmem>>[vector<16xi32>, vector<16xi32>], vector<16xf32>,
    %scan3A_116 = arith.constant 0 : i32
    %scan3A_117 = arith.constant 200 : i32
    %scan3A_118 = arith.addi %scan3A_116, %scan3A_117 : i32
    %scan3A_119 = arith.constant 8 : i32
    %scan3A_120:3 = scf.for %scan3A_206 = %scan3A_116 to %scan3A_118 step %scan3A_119 iter_args(%scan3A_207 = %broadcast_in_dim3A_82, %scan3A_208 = %broadcast_in_dim3A_82, %scan3A_209 = %broadcast_in_dim3A_82) -> (vector<16xf32>, vector<16xf32>, vector<16xf32>)  : i32 {
      %broadcast_in_dim3A_210 = vector.broadcast %scan3A_206 : i32 to vector<16xi32>
      %gather3A_211 = tpu.vector_load_idx %arg7[%add3A_58, %broadcast_in_dim3A_210] : memref<128x200xi32, #tpu.memory_space<vmem>>[vector<16xi32>, vector<16xi32>], vector<16xi32>,
      %gather3A_212 = tpu.vector_load_idx %arg8[%add3A_58, %broadcast_in_dim3A_210] : memref<128x200xi32, #tpu.memory_space<vmem>>[vector<16xi32>, vector<16xi32>], vector<16xi32>,
      %ne3A = arith.constant 0 : i32
      %ne3A_213 = vector.broadcast %ne3A : i32 to vector<16xi32>
      %ne3A_214 = arith.cmpi ne, %gather3A_212, %ne3A_213 : vector<16xi32>
      %select_n3A = arith.select %ne3A_214, %gather3A_211, %broadcast_in_dim3A_50 : vector<16xi1>, vector<16xi32>
      %gather3A_215 = tpu.vector_load_idx %arg6[%select_n3A] : memref<30536xi32, #tpu.memory_space<vmem>>[vector<16xi32>], vector<16xi32>,
      %shift_left3A = arith.constant 16 : i32
      %shift_left3A_216 = vector.broadcast %shift_left3A : i32 to vector<16xi32>
      %shift_left3A_217 = arith.shli %gather3A_215, %shift_left3A_216 : vector<16xi32>
      %bitcast3A_218 = vector.bitcast %shift_left3A_217 : vector<16xi32> to vector<16xf32>
      %and3A = arith.andi %gather3A_215, %broadcast_in_dim3A_52 : vector<16xi32>
      %bitcast3A_219 = vector.bitcast %and3A : vector<16xi32> to vector<16xf32>
      %add3A_220 = arith.addf %scan3A_207, %bitcast3A_218 : vector<16xf32>
      %add3A_221 = arith.addf %scan3A_208, %bitcast3A_219 : vector<16xf32>
      %convert_element_type3A = arith.sitofp %gather3A_212 : vector<16xi32> to vector<16xf32>
      %add3A_222 = arith.addf %scan3A_209, %convert_element_type3A : vector<16xf32>
      %scan3A_223 = arith.constant 1 : i32
      %scan3A_224 = arith.addi %scan3A_206, %scan3A_223 : i32
      %broadcast_in_dim3A_225 = vector.broadcast %scan3A_224 : i32 to vector<16xi32>
      %gather3A_226 = tpu.vector_load_idx %arg7[%add3A_58, %broadcast_in_dim3A_225] : memref<128x200xi32, #tpu.memory_space<vmem>>[vector<16xi32>, vector<16xi32>], vector<16xi32>,
      %gather3A_227 = tpu.vector_load_idx %arg8[%add3A_58, %broadcast_in_dim3A_225] : memref<128x200xi32, #tpu.memory_space<vmem>>[vector<16xi32>, vector<16xi32>], vector<16xi32>,
      %ne3A_228 = arith.constant 0 : i32
      %ne3A_229 = vector.broadcast %ne3A_228 : i32 to vector<16xi32>
      %ne3A_230 = arith.cmpi ne, %gather3A_227, %ne3A_229 : vector<16xi32>
      %select_n3A_231 = arith.select %ne3A_230, %gather3A_226, %broadcast_in_dim3A_50 : vector<16xi1>, vector<16xi32>
      %gather3A_232 = tpu.vector_load_idx %arg6[%select_n3A_231] : memref<30536xi32, #tpu.memory_space<vmem>>[vector<16xi32>], vector<16xi32>,
      %shift_left3A_233 = arith.constant 16 : i32
      %shift_left3A_234 = vector.broadcast %shift_left3A_233 : i32 to vector<16xi32>
      %shift_left3A_235 = arith.shli %gather3A_232, %shift_left3A_234 : vector<16xi32>
      %bitcast3A_236 = vector.bitcast %shift_left3A_235 : vector<16xi32> to vector<16xf32>
      %and3A_237 = arith.andi %gather3A_232, %broadcast_in_dim3A_52 : vector<16xi32>
      %bitcast3A_238 = vector.bitcast %and3A_237 : vector<16xi32> to vector<16xf32>
      %add3A_239 = arith.addf %add3A_220, %bitcast3A_236 : vector<16xf32>
      %add3A_240 = arith.addf %add3A_221, %bitcast3A_238 : vector<16xf32>
      %convert_element_type3A_241 = arith.sitofp %gather3A_227 : vector<16xi32> to vector<16xf32>
      %add3A_242 = arith.addf %add3A_222, %convert_element_type3A_241 : vector<16xf32>
      %scan3A_243 = arith.constant 2 : i32
      %scan3A_244 = arith.addi %scan3A_206, %scan3A_243 : i32
      %broadcast_in_dim3A_245 = vector.broadcast %scan3A_244 : i32 to vector<16xi32>
      %gather3A_246 = tpu.vector_load_idx %arg7[%add3A_58, %broadcast_in_dim3A_245] : memref<128x200xi32, #tpu.memory_space<vmem>>[vector<16xi32>, vector<16xi32>], vector<16xi32>,
      %gather3A_247 = tpu.vector_load_idx %arg8[%add3A_58, %broadcast_in_dim3A_245] : memref<128x200xi32, #tpu.memory_space<vmem>>[vector<16xi32>, vector<16xi32>], vector<16xi32>,
      %ne3A_248 = arith.constant 0 : i32
      %ne3A_249 = vector.broadcast %ne3A_248 : i32 to vector<16xi32>
      %ne3A_250 = arith.cmpi ne, %gather3A_247, %ne3A_249 : vector<16xi32>
      %select_n3A_251 = arith.select %ne3A_250, %gather3A_246, %broadcast_in_dim3A_50 : vector<16xi1>, vector<16xi32>
      %gather3A_252 = tpu.vector_load_idx %arg6[%select_n3A_251] : memref<30536xi32, #tpu.memory_space<vmem>>[vector<16xi32>], vector<16xi32>,
      %shift_left3A_253 = arith.constant 16 : i32
      %shift_left3A_254 = vector.broadcast %shift_left3A_253 : i32 to vector<16xi32>
      %shift_left3A_255 = arith.shli %gather3A_252, %shift_left3A_254 : vector<16xi32>
      %bitcast3A_256 = vector.bitcast %shift_left3A_255 : vector<16xi32> to vector<16xf32>
      %and3A_257 = arith.andi %gather3A_252, %broadcast_in_dim3A_52 : vector<16xi32>
      %bitcast3A_258 = vector.bitcast %and3A_257 : vector<16xi32> to vector<16xf32>
      %add3A_259 = arith.addf %add3A_239, %bitcast3A_256 : vector<16xf32>
      %add3A_260 = arith.addf %add3A_240, %bitcast3A_258 : vector<16xf32>
      %convert_element_type3A_261 = arith.sitofp %gather3A_247 : vector<16xi32> to vector<16xf32>
      %add3A_262 = arith.addf %add3A_242, %convert_element_type3A_261 : vector<16xf32>
      %scan3A_263 = arith.constant 3 : i32
      %scan3A_264 = arith.addi %scan3A_206, %scan3A_263 : i32
      %broadcast_in_dim3A_265 = vector.broadcast %scan3A_264 : i32 to vector<16xi32>
      %gather3A_266 = tpu.vector_load_idx %arg7[%add3A_58, %broadcast_in_dim3A_265] : memref<128x200xi32, #tpu.memory_space<vmem>>[vector<16xi32>, vector<16xi32>], vector<16xi32>,
      %gather3A_267 = tpu.vector_load_idx %arg8[%add3A_58, %broadcast_in_dim3A_265] : memref<128x200xi32, #tpu.memory_space<vmem>>[vector<16xi32>, vector<16xi32>], vector<16xi32>,
      %ne3A_268 = arith.constant 0 : i32
      %ne3A_269 = vector.broadcast %ne3A_268 : i32 to vector<16xi32>
      %ne3A_270 = arith.cmpi ne, %gather3A_267, %ne3A_269 : vector<16xi32>
      %select_n3A_271 = arith.select %ne3A_270, %gather3A_266, %broadcast_in_dim3A_50 : vector<16xi1>, vector<16xi32>
      %gather3A_272 = tpu.vector_load_idx %arg6[%select_n3A_271] : memref<30536xi32, #tpu.memory_space<vmem>>[vector<16xi32>], vector<16xi32>,
      %shift_left3A_273 = arith.constant 16 : i32
      %shift_left3A_274 = vector.broadcast %shift_left3A_273 : i32 to vector<16xi32>
      %shift_left3A_275 = arith.shli %gather3A_272, %shift_left3A_274 : vector<16xi32>
      %bitcast3A_276 = vector.bitcast %shift_left3A_275 : vector<16xi32> to vector<16xf32>
      %and3A_277 = arith.andi %gather3A_272, %broadcast_in_dim3A_52 : vector<16xi32>
      %bitcast3A_278 = vector.bitcast %and3A_277 : vector<16xi32> to vector<16xf32>
      %add3A_279 = arith.addf %add3A_259, %bitcast3A_276 : vector<16xf32>
      %add3A_280 = arith.addf %add3A_260, %bitcast3A_278 : vector<16xf32>
      %convert_element_type3A_281 = arith.sitofp %gather3A_267 : vector<16xi32> to vector<16xf32>
      %add3A_282 = arith.addf %add3A_262, %convert_element_type3A_281 : vector<16xf32>
      %scan3A_283 = arith.constant 4 : i32
      %scan3A_284 = arith.addi %scan3A_206, %scan3A_283 : i32
      %broadcast_in_dim3A_285 = vector.broadcast %scan3A_284 : i32 to vector<16xi32>
      %gather3A_286 = tpu.vector_load_idx %arg7[%add3A_58, %broadcast_in_dim3A_285] : memref<128x200xi32, #tpu.memory_space<vmem>>[vector<16xi32>, vector<16xi32>], vector<16xi32>,
      %gather3A_287 = tpu.vector_load_idx %arg8[%add3A_58, %broadcast_in_dim3A_285] : memref<128x200xi32, #tpu.memory_space<vmem>>[vector<16xi32>, vector<16xi32>], vector<16xi32>,
      %ne3A_288 = arith.constant 0 : i32
      %ne3A_289 = vector.broadcast %ne3A_288 : i32 to vector<16xi32>
      %ne3A_290 = arith.cmpi ne, %gather3A_287, %ne3A_289 : vector<16xi32>
      %select_n3A_291 = arith.select %ne3A_290, %gather3A_286, %broadcast_in_dim3A_50 : vector<16xi1>, vector<16xi32>
      %gather3A_292 = tpu.vector_load_idx %arg6[%select_n3A_291] : memref<30536xi32, #tpu.memory_space<vmem>>[vector<16xi32>], vector<16xi32>,
      %shift_left3A_293 = arith.constant 16 : i32
      %shift_left3A_294 = vector.broadcast %shift_left3A_293 : i32 to vector<16xi32>
      %shift_left3A_295 = arith.shli %gather3A_292, %shift_left3A_294 : vector<16xi32>
      %bitcast3A_296 = vector.bitcast %shift_left3A_295 : vector<16xi32> to vector<16xf32>
      %and3A_297 = arith.andi %gather3A_292, %broadcast_in_dim3A_52 : vector<16xi32>
      %bitcast3A_298 = vector.bitcast %and3A_297 : vector<16xi32> to vector<16xf32>
      %add3A_299 = arith.addf %add3A_279, %bitcast3A_296 : vector<16xf32>
      %add3A_300 = arith.addf %add3A_280, %bitcast3A_298 : vector<16xf32>
      %convert_element_type3A_301 = arith.sitofp %gather3A_287 : vector<16xi32> to vector<16xf32>
      %add3A_302 = arith.addf %add3A_282, %convert_element_type3A_301 : vector<16xf32>
      %scan3A_303 = arith.constant 5 : i32
      %scan3A_304 = arith.addi %scan3A_206, %scan3A_303 : i32
      %broadcast_in_dim3A_305 = vector.broadcast %scan3A_304 : i32 to vector<16xi32>
      %gather3A_306 = tpu.vector_load_idx %arg7[%add3A_58, %broadcast_in_dim3A_305] : memref<128x200xi32, #tpu.memory_space<vmem>>[vector<16xi32>, vector<16xi32>], vector<16xi32>,
      %gather3A_307 = tpu.vector_load_idx %arg8[%add3A_58, %broadcast_in_dim3A_305] : memref<128x200xi32, #tpu.memory_space<vmem>>[vector<16xi32>, vector<16xi32>], vector<16xi32>,
      %ne3A_308 = arith.constant 0 : i32
      %ne3A_309 = vector.broadcast %ne3A_308 : i32 to vector<16xi32>
      %ne3A_310 = arith.cmpi ne, %gather3A_307, %ne3A_309 : vector<16xi32>
      %select_n3A_311 = arith.select %ne3A_310, %gather3A_306, %broadcast_in_dim3A_50 : vector<16xi1>, vector<16xi32>
      %gather3A_312 = tpu.vector_load_idx %arg6[%select_n3A_311] : memref<30536xi32, #tpu.memory_space<vmem>>[vector<16xi32>], vector<16xi32>,
      %shift_left3A_313 = arith.constant 16 : i32
      %shift_left3A_314 = vector.broadcast %shift_left3A_313 : i32 to vector<16xi32>
      %shift_left3A_315 = arith.shli %gather3A_312, %shift_left3A_314 : vector<16xi32>
      %bitcast3A_316 = vector.bitcast %shift_left3A_315 : vector<16xi32> to vector<16xf32>
      %and3A_317 = arith.andi %gather3A_312, %broadcast_in_dim3A_52 : vector<16xi32>
      %bitcast3A_318 = vector.bitcast %and3A_317 : vector<16xi32> to vector<16xf32>
      %add3A_319 = arith.addf %add3A_299, %bitcast3A_316 : vector<16xf32>
      %add3A_320 = arith.addf %add3A_300, %bitcast3A_318 : vector<16xf32>
      %convert_element_type3A_321 = arith.sitofp %gather3A_307 : vector<16xi32> to vector<16xf32>
      %add3A_322 = arith.addf %add3A_302, %convert_element_type3A_321 : vector<16xf32>
      %scan3A_323 = arith.constant 6 : i32
      %scan3A_324 = arith.addi %scan3A_206, %scan3A_323 : i32
      %broadcast_in_dim3A_325 = vector.broadcast %scan3A_324 : i32 to vector<16xi32>
      %gather3A_326 = tpu.vector_load_idx %arg7[%add3A_58, %broadcast_in_dim3A_325] : memref<128x200xi32, #tpu.memory_space<vmem>>[vector<16xi32>, vector<16xi32>], vector<16xi32>,
      %gather3A_327 = tpu.vector_load_idx %arg8[%add3A_58, %broadcast_in_dim3A_325] : memref<128x200xi32, #tpu.memory_space<vmem>>[vector<16xi32>, vector<16xi32>], vector<16xi32>,
      %ne3A_328 = arith.constant 0 : i32
      %ne3A_329 = vector.broadcast %ne3A_328 : i32 to vector<16xi32>
      %ne3A_330 = arith.cmpi ne, %gather3A_327, %ne3A_329 : vector<16xi32>
      %select_n3A_331 = arith.select %ne3A_330, %gather3A_326, %broadcast_in_dim3A_50 : vector<16xi1>, vector<16xi32>
      %gather3A_332 = tpu.vector_load_idx %arg6[%select_n3A_331] : memref<30536xi32, #tpu.memory_space<vmem>>[vector<16xi32>], vector<16xi32>,
      %shift_left3A_333 = arith.constant 16 : i32
      %shift_left3A_334 = vector.broadcast %shift_left3A_333 : i32 to vector<16xi32>
      %shift_left3A_335 = arith.shli %gather3A_332, %shift_left3A_334 : vector<16xi32>
      %bitcast3A_336 = vector.bitcast %shift_left3A_335 : vector<16xi32> to vector<16xf32>
      %and3A_337 = arith.andi %gather3A_332, %broadcast_in_dim3A_52 : vector<16xi32>
      %bitcast3A_338 = vector.bitcast %and3A_337 : vector<16xi32> to vector<16xf32>
      %add3A_339 = arith.addf %add3A_319, %bitcast3A_336 : vector<16xf32>
      %add3A_340 = arith.addf %add3A_320, %bitcast3A_338 : vector<16xf32>
      %convert_element_type3A_341 = arith.sitofp %gather3A_327 : vector<16xi32> to vector<16xf32>
      %add3A_342 = arith.addf %add3A_322, %convert_element_type3A_341 : vector<16xf32>
      %scan3A_343 = arith.constant 7 : i32
      %scan3A_344 = arith.addi %scan3A_206, %scan3A_343 : i32
      %broadcast_in_dim3A_345 = vector.broadcast %scan3A_344 : i32 to vector<16xi32>
      %gather3A_346 = tpu.vector_load_idx %arg7[%add3A_58, %broadcast_in_dim3A_345] : memref<128x200xi32, #tpu.memory_space<vmem>>[vector<16xi32>, vector<16xi32>], vector<16xi32>,
      %gather3A_347 = tpu.vector_load_idx %arg8[%add3A_58, %broadcast_in_dim3A_345] : memref<128x200xi32, #tpu.memory_space<vmem>>[vector<16xi32>, vector<16xi32>], vector<16xi32>,
      %ne3A_348 = arith.constant 0 : i32
      %ne3A_349 = vector.broadcast %ne3A_348 : i32 to vector<16xi32>
      %ne3A_350 = arith.cmpi ne, %gather3A_347, %ne3A_349 : vector<16xi32>
      %select_n3A_351 = arith.select %ne3A_350, %gather3A_346, %broadcast_in_dim3A_50 : vector<16xi1>, vector<16xi32>
      %gather3A_352 = tpu.vector_load_idx %arg6[%select_n3A_351] : memref<30536xi32, #tpu.memory_space<vmem>>[vector<16xi32>], vector<16xi32>,
      %shift_left3A_353 = arith.constant 16 : i32
      %shift_left3A_354 = vector.broadcast %shift_left3A_353 : i32 to vector<16xi32>
      %shift_left3A_355 = arith.shli %gather3A_352, %shift_left3A_354 : vector<16xi32>
      %bitcast3A_356 = vector.bitcast %shift_left3A_355 : vector<16xi32> to vector<16xf32>
      %and3A_357 = arith.andi %gather3A_352, %broadcast_in_dim3A_52 : vector<16xi32>
      %bitcast3A_358 = vector.bitcast %and3A_357 : vector<16xi32> to vector<16xf32>
      %add3A_359 = arith.addf %add3A_339, %bitcast3A_356 : vector<16xf32>
      %add3A_360 = arith.addf %add3A_340, %bitcast3A_358 : vector<16xf32>
      %convert_element_type3A_361 = arith.sitofp %gather3A_347 : vector<16xi32> to vector<16xf32>
      %add3A_362 = arith.addf %add3A_342, %convert_element_type3A_361 : vector<16xf32>
      scf.yield %add3A_359, %add3A_360, %add3A_362 : vector<16xf32>, vector<16xf32>, vector<16xf32>
    }
    %scan3A_121 = arith.constant 200 : i32
    %div3A_122 = arith.divf %scan3A_120#0, %scan3A_120#2 : vector<16xf32>
    %add3A_123 = arith.addf %div3A_122, %bitcast3A : vector<16xf32>
    tpu.vector_store_idx %arg9[%add3A_58, %broadcast_in_dim3A_78], %add3A_123 : memref<128x2xf32, #tpu.memory_space<vmem>>[vector<16xi32>, vector<16xi32>], vector<16xf32>,
    %div3A_124 = arith.divf %scan3A_120#1, %scan3A_120#2 : vector<16xf32>
    %add3A_125 = arith.addf %div3A_124, %bitcast3A_107 : vector<16xf32>
    tpu.vector_store_idx %arg9[%add3A_58, %broadcast_in_dim3A_80], %add3A_125 : memref<128x2xf32, #tpu.memory_space<vmem>>[vector<16xi32>, vector<16xi32>], vector<16xf32>,
    %scan3A_126 = arith.constant 0 : i32
    %scan3A_127 = arith.constant 200 : i32
    %scan3A_128 = arith.addi %scan3A_126, %scan3A_127 : i32
    %scan3A_129 = arith.constant 8 : i32
    %scan3A_130:3 = scf.for %scan3A_206 = %scan3A_126 to %scan3A_128 step %scan3A_129 iter_args(%scan3A_207 = %broadcast_in_dim3A_82, %scan3A_208 = %broadcast_in_dim3A_82, %scan3A_209 = %broadcast_in_dim3A_82) -> (vector<16xf32>, vector<16xf32>, vector<16xf32>)  : i32 {
      %broadcast_in_dim3A_210 = vector.broadcast %scan3A_206 : i32 to vector<16xi32>
      %gather3A_211 = tpu.vector_load_idx %arg7[%add3A_61, %broadcast_in_dim3A_210] : memref<128x200xi32, #tpu.memory_space<vmem>>[vector<16xi32>, vector<16xi32>], vector<16xi32>,
      %gather3A_212 = tpu.vector_load_idx %arg8[%add3A_61, %broadcast_in_dim3A_210] : memref<128x200xi32, #tpu.memory_space<vmem>>[vector<16xi32>, vector<16xi32>], vector<16xi32>,
      %ne3A = arith.constant 0 : i32
      %ne3A_213 = vector.broadcast %ne3A : i32 to vector<16xi32>
      %ne3A_214 = arith.cmpi ne, %gather3A_212, %ne3A_213 : vector<16xi32>
      %select_n3A = arith.select %ne3A_214, %gather3A_211, %broadcast_in_dim3A_50 : vector<16xi1>, vector<16xi32>
      %gather3A_215 = tpu.vector_load_idx %arg6[%select_n3A] : memref<30536xi32, #tpu.memory_space<vmem>>[vector<16xi32>], vector<16xi32>,
      %shift_left3A = arith.constant 16 : i32
      %shift_left3A_216 = vector.broadcast %shift_left3A : i32 to vector<16xi32>
      %shift_left3A_217 = arith.shli %gather3A_215, %shift_left3A_216 : vector<16xi32>
      %bitcast3A_218 = vector.bitcast %shift_left3A_217 : vector<16xi32> to vector<16xf32>
      %and3A = arith.andi %gather3A_215, %broadcast_in_dim3A_52 : vector<16xi32>
      %bitcast3A_219 = vector.bitcast %and3A : vector<16xi32> to vector<16xf32>
      %add3A_220 = arith.addf %scan3A_207, %bitcast3A_218 : vector<16xf32>
      %add3A_221 = arith.addf %scan3A_208, %bitcast3A_219 : vector<16xf32>
      %convert_element_type3A = arith.sitofp %gather3A_212 : vector<16xi32> to vector<16xf32>
      %add3A_222 = arith.addf %scan3A_209, %convert_element_type3A : vector<16xf32>
      %scan3A_223 = arith.constant 1 : i32
      %scan3A_224 = arith.addi %scan3A_206, %scan3A_223 : i32
      %broadcast_in_dim3A_225 = vector.broadcast %scan3A_224 : i32 to vector<16xi32>
      %gather3A_226 = tpu.vector_load_idx %arg7[%add3A_61, %broadcast_in_dim3A_225] : memref<128x200xi32, #tpu.memory_space<vmem>>[vector<16xi32>, vector<16xi32>], vector<16xi32>,
      %gather3A_227 = tpu.vector_load_idx %arg8[%add3A_61, %broadcast_in_dim3A_225] : memref<128x200xi32, #tpu.memory_space<vmem>>[vector<16xi32>, vector<16xi32>], vector<16xi32>,
      %ne3A_228 = arith.constant 0 : i32
      %ne3A_229 = vector.broadcast %ne3A_228 : i32 to vector<16xi32>
      %ne3A_230 = arith.cmpi ne, %gather3A_227, %ne3A_229 : vector<16xi32>
      %select_n3A_231 = arith.select %ne3A_230, %gather3A_226, %broadcast_in_dim3A_50 : vector<16xi1>, vector<16xi32>
      %gather3A_232 = tpu.vector_load_idx %arg6[%select_n3A_231] : memref<30536xi32, #tpu.memory_space<vmem>>[vector<16xi32>], vector<16xi32>,
      %shift_left3A_233 = arith.constant 16 : i32
      %shift_left3A_234 = vector.broadcast %shift_left3A_233 : i32 to vector<16xi32>
      %shift_left3A_235 = arith.shli %gather3A_232, %shift_left3A_234 : vector<16xi32>
      %bitcast3A_236 = vector.bitcast %shift_left3A_235 : vector<16xi32> to vector<16xf32>
      %and3A_237 = arith.andi %gather3A_232, %broadcast_in_dim3A_52 : vector<16xi32>
      %bitcast3A_238 = vector.bitcast %and3A_237 : vector<16xi32> to vector<16xf32>
      %add3A_239 = arith.addf %add3A_220, %bitcast3A_236 : vector<16xf32>
      %add3A_240 = arith.addf %add3A_221, %bitcast3A_238 : vector<16xf32>
      %convert_element_type3A_241 = arith.sitofp %gather3A_227 : vector<16xi32> to vector<16xf32>
      %add3A_242 = arith.addf %add3A_222, %convert_element_type3A_241 : vector<16xf32>
      %scan3A_243 = arith.constant 2 : i32
      %scan3A_244 = arith.addi %scan3A_206, %scan3A_243 : i32
      %broadcast_in_dim3A_245 = vector.broadcast %scan3A_244 : i32 to vector<16xi32>
      %gather3A_246 = tpu.vector_load_idx %arg7[%add3A_61, %broadcast_in_dim3A_245] : memref<128x200xi32, #tpu.memory_space<vmem>>[vector<16xi32>, vector<16xi32>], vector<16xi32>,
      %gather3A_247 = tpu.vector_load_idx %arg8[%add3A_61, %broadcast_in_dim3A_245] : memref<128x200xi32, #tpu.memory_space<vmem>>[vector<16xi32>, vector<16xi32>], vector<16xi32>,
      %ne3A_248 = arith.constant 0 : i32
      %ne3A_249 = vector.broadcast %ne3A_248 : i32 to vector<16xi32>
      %ne3A_250 = arith.cmpi ne, %gather3A_247, %ne3A_249 : vector<16xi32>
      %select_n3A_251 = arith.select %ne3A_250, %gather3A_246, %broadcast_in_dim3A_50 : vector<16xi1>, vector<16xi32>
      %gather3A_252 = tpu.vector_load_idx %arg6[%select_n3A_251] : memref<30536xi32, #tpu.memory_space<vmem>>[vector<16xi32>], vector<16xi32>,
      %shift_left3A_253 = arith.constant 16 : i32
      %shift_left3A_254 = vector.broadcast %shift_left3A_253 : i32 to vector<16xi32>
      %shift_left3A_255 = arith.shli %gather3A_252, %shift_left3A_254 : vector<16xi32>
      %bitcast3A_256 = vector.bitcast %shift_left3A_255 : vector<16xi32> to vector<16xf32>
      %and3A_257 = arith.andi %gather3A_252, %broadcast_in_dim3A_52 : vector<16xi32>
      %bitcast3A_258 = vector.bitcast %and3A_257 : vector<16xi32> to vector<16xf32>
      %add3A_259 = arith.addf %add3A_239, %bitcast3A_256 : vector<16xf32>
      %add3A_260 = arith.addf %add3A_240, %bitcast3A_258 : vector<16xf32>
      %convert_element_type3A_261 = arith.sitofp %gather3A_247 : vector<16xi32> to vector<16xf32>
      %add3A_262 = arith.addf %add3A_242, %convert_element_type3A_261 : vector<16xf32>
      %scan3A_263 = arith.constant 3 : i32
      %scan3A_264 = arith.addi %scan3A_206, %scan3A_263 : i32
      %broadcast_in_dim3A_265 = vector.broadcast %scan3A_264 : i32 to vector<16xi32>
      %gather3A_266 = tpu.vector_load_idx %arg7[%add3A_61, %broadcast_in_dim3A_265] : memref<128x200xi32, #tpu.memory_space<vmem>>[vector<16xi32>, vector<16xi32>], vector<16xi32>,
      %gather3A_267 = tpu.vector_load_idx %arg8[%add3A_61, %broadcast_in_dim3A_265] : memref<128x200xi32, #tpu.memory_space<vmem>>[vector<16xi32>, vector<16xi32>], vector<16xi32>,
      %ne3A_268 = arith.constant 0 : i32
      %ne3A_269 = vector.broadcast %ne3A_268 : i32 to vector<16xi32>
      %ne3A_270 = arith.cmpi ne, %gather3A_267, %ne3A_269 : vector<16xi32>
      %select_n3A_271 = arith.select %ne3A_270, %gather3A_266, %broadcast_in_dim3A_50 : vector<16xi1>, vector<16xi32>
      %gather3A_272 = tpu.vector_load_idx %arg6[%select_n3A_271] : memref<30536xi32, #tpu.memory_space<vmem>>[vector<16xi32>], vector<16xi32>,
      %shift_left3A_273 = arith.constant 16 : i32
      %shift_left3A_274 = vector.broadcast %shift_left3A_273 : i32 to vector<16xi32>
      %shift_left3A_275 = arith.shli %gather3A_272, %shift_left3A_274 : vector<16xi32>
      %bitcast3A_276 = vector.bitcast %shift_left3A_275 : vector<16xi32> to vector<16xf32>
      %and3A_277 = arith.andi %gather3A_272, %broadcast_in_dim3A_52 : vector<16xi32>
      %bitcast3A_278 = vector.bitcast %and3A_277 : vector<16xi32> to vector<16xf32>
      %add3A_279 = arith.addf %add3A_259, %bitcast3A_276 : vector<16xf32>
      %add3A_280 = arith.addf %add3A_260, %bitcast3A_278 : vector<16xf32>
      %convert_element_type3A_281 = arith.sitofp %gather3A_267 : vector<16xi32> to vector<16xf32>
      %add3A_282 = arith.addf %add3A_262, %convert_element_type3A_281 : vector<16xf32>
      %scan3A_283 = arith.constant 4 : i32
      %scan3A_284 = arith.addi %scan3A_206, %scan3A_283 : i32
      %broadcast_in_dim3A_285 = vector.broadcast %scan3A_284 : i32 to vector<16xi32>
      %gather3A_286 = tpu.vector_load_idx %arg7[%add3A_61, %broadcast_in_dim3A_285] : memref<128x200xi32, #tpu.memory_space<vmem>>[vector<16xi32>, vector<16xi32>], vector<16xi32>,
      %gather3A_287 = tpu.vector_load_idx %arg8[%add3A_61, %broadcast_in_dim3A_285] : memref<128x200xi32, #tpu.memory_space<vmem>>[vector<16xi32>, vector<16xi32>], vector<16xi32>,
      %ne3A_288 = arith.constant 0 : i32
      %ne3A_289 = vector.broadcast %ne3A_288 : i32 to vector<16xi32>
      %ne3A_290 = arith.cmpi ne, %gather3A_287, %ne3A_289 : vector<16xi32>
      %select_n3A_291 = arith.select %ne3A_290, %gather3A_286, %broadcast_in_dim3A_50 : vector<16xi1>, vector<16xi32>
      %gather3A_292 = tpu.vector_load_idx %arg6[%select_n3A_291] : memref<30536xi32, #tpu.memory_space<vmem>>[vector<16xi32>], vector<16xi32>,
      %shift_left3A_293 = arith.constant 16 : i32
      %shift_left3A_294 = vector.broadcast %shift_left3A_293 : i32 to vector<16xi32>
      %shift_left3A_295 = arith.shli %gather3A_292, %shift_left3A_294 : vector<16xi32>
      %bitcast3A_296 = vector.bitcast %shift_left3A_295 : vector<16xi32> to vector<16xf32>
      %and3A_297 = arith.andi %gather3A_292, %broadcast_in_dim3A_52 : vector<16xi32>
      %bitcast3A_298 = vector.bitcast %and3A_297 : vector<16xi32> to vector<16xf32>
      %add3A_299 = arith.addf %add3A_279, %bitcast3A_296 : vector<16xf32>
      %add3A_300 = arith.addf %add3A_280, %bitcast3A_298 : vector<16xf32>
      %convert_element_type3A_301 = arith.sitofp %gather3A_287 : vector<16xi32> to vector<16xf32>
      %add3A_302 = arith.addf %add3A_282, %convert_element_type3A_301 : vector<16xf32>
      %scan3A_303 = arith.constant 5 : i32
      %scan3A_304 = arith.addi %scan3A_206, %scan3A_303 : i32
      %broadcast_in_dim3A_305 = vector.broadcast %scan3A_304 : i32 to vector<16xi32>
      %gather3A_306 = tpu.vector_load_idx %arg7[%add3A_61, %broadcast_in_dim3A_305] : memref<128x200xi32, #tpu.memory_space<vmem>>[vector<16xi32>, vector<16xi32>], vector<16xi32>,
      %gather3A_307 = tpu.vector_load_idx %arg8[%add3A_61, %broadcast_in_dim3A_305] : memref<128x200xi32, #tpu.memory_space<vmem>>[vector<16xi32>, vector<16xi32>], vector<16xi32>,
      %ne3A_308 = arith.constant 0 : i32
      %ne3A_309 = vector.broadcast %ne3A_308 : i32 to vector<16xi32>
      %ne3A_310 = arith.cmpi ne, %gather3A_307, %ne3A_309 : vector<16xi32>
      %select_n3A_311 = arith.select %ne3A_310, %gather3A_306, %broadcast_in_dim3A_50 : vector<16xi1>, vector<16xi32>
      %gather3A_312 = tpu.vector_load_idx %arg6[%select_n3A_311] : memref<30536xi32, #tpu.memory_space<vmem>>[vector<16xi32>], vector<16xi32>,
      %shift_left3A_313 = arith.constant 16 : i32
      %shift_left3A_314 = vector.broadcast %shift_left3A_313 : i32 to vector<16xi32>
      %shift_left3A_315 = arith.shli %gather3A_312, %shift_left3A_314 : vector<16xi32>
      %bitcast3A_316 = vector.bitcast %shift_left3A_315 : vector<16xi32> to vector<16xf32>
      %and3A_317 = arith.andi %gather3A_312, %broadcast_in_dim3A_52 : vector<16xi32>
      %bitcast3A_318 = vector.bitcast %and3A_317 : vector<16xi32> to vector<16xf32>
      %add3A_319 = arith.addf %add3A_299, %bitcast3A_316 : vector<16xf32>
      %add3A_320 = arith.addf %add3A_300, %bitcast3A_318 : vector<16xf32>
      %convert_element_type3A_321 = arith.sitofp %gather3A_307 : vector<16xi32> to vector<16xf32>
      %add3A_322 = arith.addf %add3A_302, %convert_element_type3A_321 : vector<16xf32>
      %scan3A_323 = arith.constant 6 : i32
      %scan3A_324 = arith.addi %scan3A_206, %scan3A_323 : i32
      %broadcast_in_dim3A_325 = vector.broadcast %scan3A_324 : i32 to vector<16xi32>
      %gather3A_326 = tpu.vector_load_idx %arg7[%add3A_61, %broadcast_in_dim3A_325] : memref<128x200xi32, #tpu.memory_space<vmem>>[vector<16xi32>, vector<16xi32>], vector<16xi32>,
      %gather3A_327 = tpu.vector_load_idx %arg8[%add3A_61, %broadcast_in_dim3A_325] : memref<128x200xi32, #tpu.memory_space<vmem>>[vector<16xi32>, vector<16xi32>], vector<16xi32>,
      %ne3A_328 = arith.constant 0 : i32
      %ne3A_329 = vector.broadcast %ne3A_328 : i32 to vector<16xi32>
      %ne3A_330 = arith.cmpi ne, %gather3A_327, %ne3A_329 : vector<16xi32>
      %select_n3A_331 = arith.select %ne3A_330, %gather3A_326, %broadcast_in_dim3A_50 : vector<16xi1>, vector<16xi32>
      %gather3A_332 = tpu.vector_load_idx %arg6[%select_n3A_331] : memref<30536xi32, #tpu.memory_space<vmem>>[vector<16xi32>], vector<16xi32>,
      %shift_left3A_333 = arith.constant 16 : i32
      %shift_left3A_334 = vector.broadcast %shift_left3A_333 : i32 to vector<16xi32>
      %shift_left3A_335 = arith.shli %gather3A_332, %shift_left3A_334 : vector<16xi32>
      %bitcast3A_336 = vector.bitcast %shift_left3A_335 : vector<16xi32> to vector<16xf32>
      %and3A_337 = arith.andi %gather3A_332, %broadcast_in_dim3A_52 : vector<16xi32>
      %bitcast3A_338 = vector.bitcast %and3A_337 : vector<16xi32> to vector<16xf32>
      %add3A_339 = arith.addf %add3A_319, %bitcast3A_336 : vector<16xf32>
      %add3A_340 = arith.addf %add3A_320, %bitcast3A_338 : vector<16xf32>
      %convert_element_type3A_341 = arith.sitofp %gather3A_327 : vector<16xi32> to vector<16xf32>
      %add3A_342 = arith.addf %add3A_322, %convert_element_type3A_341 : vector<16xf32>
      %scan3A_343 = arith.constant 7 : i32
      %scan3A_344 = arith.addi %scan3A_206, %scan3A_343 : i32
      %broadcast_in_dim3A_345 = vector.broadcast %scan3A_344 : i32 to vector<16xi32>
      %gather3A_346 = tpu.vector_load_idx %arg7[%add3A_61, %broadcast_in_dim3A_345] : memref<128x200xi32, #tpu.memory_space<vmem>>[vector<16xi32>, vector<16xi32>], vector<16xi32>,
      %gather3A_347 = tpu.vector_load_idx %arg8[%add3A_61, %broadcast_in_dim3A_345] : memref<128x200xi32, #tpu.memory_space<vmem>>[vector<16xi32>, vector<16xi32>], vector<16xi32>,
      %ne3A_348 = arith.constant 0 : i32
      %ne3A_349 = vector.broadcast %ne3A_348 : i32 to vector<16xi32>
      %ne3A_350 = arith.cmpi ne, %gather3A_347, %ne3A_349 : vector<16xi32>
      %select_n3A_351 = arith.select %ne3A_350, %gather3A_346, %broadcast_in_dim3A_50 : vector<16xi1>, vector<16xi32>
      %gather3A_352 = tpu.vector_load_idx %arg6[%select_n3A_351] : memref<30536xi32, #tpu.memory_space<vmem>>[vector<16xi32>], vector<16xi32>,
      %shift_left3A_353 = arith.constant 16 : i32
      %shift_left3A_354 = vector.broadcast %shift_left3A_353 : i32 to vector<16xi32>
      %shift_left3A_355 = arith.shli %gather3A_352, %shift_left3A_354 : vector<16xi32>
      %bitcast3A_356 = vector.bitcast %shift_left3A_355 : vector<16xi32> to vector<16xf32>
      %and3A_357 = arith.andi %gather3A_352, %broadcast_in_dim3A_52 : vector<16xi32>
      %bitcast3A_358 = vector.bitcast %and3A_357 : vector<16xi32> to vector<16xf32>
      %add3A_359 = arith.addf %add3A_339, %bitcast3A_356 : vector<16xf32>
      %add3A_360 = arith.addf %add3A_340, %bitcast3A_358 : vector<16xf32>
      %convert_element_type3A_361 = arith.sitofp %gather3A_347 : vector<16xi32> to vector<16xf32>
      %add3A_362 = arith.addf %add3A_342, %convert_element_type3A_361 : vector<16xf32>
      scf.yield %add3A_359, %add3A_360, %add3A_362 : vector<16xf32>, vector<16xf32>, vector<16xf32>
    }
    %scan3A_131 = arith.constant 200 : i32
    %div3A_132 = arith.divf %scan3A_130#0, %scan3A_130#2 : vector<16xf32>
    %add3A_133 = arith.addf %div3A_132, %bitcast3A : vector<16xf32>
    tpu.vector_store_idx %arg9[%add3A_61, %broadcast_in_dim3A_78], %add3A_133 : memref<128x2xf32, #tpu.memory_space<vmem>>[vector<16xi32>, vector<16xi32>], vector<16xf32>,
    %div3A_134 = arith.divf %scan3A_130#1, %scan3A_130#2 : vector<16xf32>
    %add3A_135 = arith.addf %div3A_134, %bitcast3A_107 : vector<16xf32>
    tpu.vector_store_idx %arg9[%add3A_61, %broadcast_in_dim3A_80], %add3A_135 : memref<128x2xf32, #tpu.memory_space<vmem>>[vector<16xi32>, vector<16xi32>], vector<16xf32>,
    %scan3A_136 = arith.constant 0 : i32
    %scan3A_137 = arith.constant 200 : i32
    %scan3A_138 = arith.addi %scan3A_136, %scan3A_137 : i32
    %scan3A_139 = arith.constant 8 : i32
    %scan3A_140:3 = scf.for %scan3A_206 = %scan3A_136 to %scan3A_138 step %scan3A_139 iter_args(%scan3A_207 = %broadcast_in_dim3A_82, %scan3A_208 = %broadcast_in_dim3A_82, %scan3A_209 = %broadcast_in_dim3A_82) -> (vector<16xf32>, vector<16xf32>, vector<16xf32>)  : i32 {
      %broadcast_in_dim3A_210 = vector.broadcast %scan3A_206 : i32 to vector<16xi32>
      %gather3A_211 = tpu.vector_load_idx %arg7[%add3A_64, %broadcast_in_dim3A_210] : memref<128x200xi32, #tpu.memory_space<vmem>>[vector<16xi32>, vector<16xi32>], vector<16xi32>,
      %gather3A_212 = tpu.vector_load_idx %arg8[%add3A_64, %broadcast_in_dim3A_210] : memref<128x200xi32, #tpu.memory_space<vmem>>[vector<16xi32>, vector<16xi32>], vector<16xi32>,
      %ne3A = arith.constant 0 : i32
      %ne3A_213 = vector.broadcast %ne3A : i32 to vector<16xi32>
      %ne3A_214 = arith.cmpi ne, %gather3A_212, %ne3A_213 : vector<16xi32>
      %select_n3A = arith.select %ne3A_214, %gather3A_211, %broadcast_in_dim3A_50 : vector<16xi1>, vector<16xi32>
      %gather3A_215 = tpu.vector_load_idx %arg6[%select_n3A] : memref<30536xi32, #tpu.memory_space<vmem>>[vector<16xi32>], vector<16xi32>,
      %shift_left3A = arith.constant 16 : i32
      %shift_left3A_216 = vector.broadcast %shift_left3A : i32 to vector<16xi32>
      %shift_left3A_217 = arith.shli %gather3A_215, %shift_left3A_216 : vector<16xi32>
      %bitcast3A_218 = vector.bitcast %shift_left3A_217 : vector<16xi32> to vector<16xf32>
      %and3A = arith.andi %gather3A_215, %broadcast_in_dim3A_52 : vector<16xi32>
      %bitcast3A_219 = vector.bitcast %and3A : vector<16xi32> to vector<16xf32>
      %add3A_220 = arith.addf %scan3A_207, %bitcast3A_218 : vector<16xf32>
      %add3A_221 = arith.addf %scan3A_208, %bitcast3A_219 : vector<16xf32>
      %convert_element_type3A = arith.sitofp %gather3A_212 : vector<16xi32> to vector<16xf32>
      %add3A_222 = arith.addf %scan3A_209, %convert_element_type3A : vector<16xf32>
      %scan3A_223 = arith.constant 1 : i32
      %scan3A_224 = arith.addi %scan3A_206, %scan3A_223 : i32
      %broadcast_in_dim3A_225 = vector.broadcast %scan3A_224 : i32 to vector<16xi32>
      %gather3A_226 = tpu.vector_load_idx %arg7[%add3A_64, %broadcast_in_dim3A_225] : memref<128x200xi32, #tpu.memory_space<vmem>>[vector<16xi32>, vector<16xi32>], vector<16xi32>,
      %gather3A_227 = tpu.vector_load_idx %arg8[%add3A_64, %broadcast_in_dim3A_225] : memref<128x200xi32, #tpu.memory_space<vmem>>[vector<16xi32>, vector<16xi32>], vector<16xi32>,
      %ne3A_228 = arith.constant 0 : i32
      %ne3A_229 = vector.broadcast %ne3A_228 : i32 to vector<16xi32>
      %ne3A_230 = arith.cmpi ne, %gather3A_227, %ne3A_229 : vector<16xi32>
      %select_n3A_231 = arith.select %ne3A_230, %gather3A_226, %broadcast_in_dim3A_50 : vector<16xi1>, vector<16xi32>
      %gather3A_232 = tpu.vector_load_idx %arg6[%select_n3A_231] : memref<30536xi32, #tpu.memory_space<vmem>>[vector<16xi32>], vector<16xi32>,
      %shift_left3A_233 = arith.constant 16 : i32
      %shift_left3A_234 = vector.broadcast %shift_left3A_233 : i32 to vector<16xi32>
      %shift_left3A_235 = arith.shli %gather3A_232, %shift_left3A_234 : vector<16xi32>
      %bitcast3A_236 = vector.bitcast %shift_left3A_235 : vector<16xi32> to vector<16xf32>
      %and3A_237 = arith.andi %gather3A_232, %broadcast_in_dim3A_52 : vector<16xi32>
      %bitcast3A_238 = vector.bitcast %and3A_237 : vector<16xi32> to vector<16xf32>
      %add3A_239 = arith.addf %add3A_220, %bitcast3A_236 : vector<16xf32>
      %add3A_240 = arith.addf %add3A_221, %bitcast3A_238 : vector<16xf32>
      %convert_element_type3A_241 = arith.sitofp %gather3A_227 : vector<16xi32> to vector<16xf32>
      %add3A_242 = arith.addf %add3A_222, %convert_element_type3A_241 : vector<16xf32>
      %scan3A_243 = arith.constant 2 : i32
      %scan3A_244 = arith.addi %scan3A_206, %scan3A_243 : i32
      %broadcast_in_dim3A_245 = vector.broadcast %scan3A_244 : i32 to vector<16xi32>
      %gather3A_246 = tpu.vector_load_idx %arg7[%add3A_64, %broadcast_in_dim3A_245] : memref<128x200xi32, #tpu.memory_space<vmem>>[vector<16xi32>, vector<16xi32>], vector<16xi32>,
      %gather3A_247 = tpu.vector_load_idx %arg8[%add3A_64, %broadcast_in_dim3A_245] : memref<128x200xi32, #tpu.memory_space<vmem>>[vector<16xi32>, vector<16xi32>], vector<16xi32>,
      %ne3A_248 = arith.constant 0 : i32
      %ne3A_249 = vector.broadcast %ne3A_248 : i32 to vector<16xi32>
      %ne3A_250 = arith.cmpi ne, %gather3A_247, %ne3A_249 : vector<16xi32>
      %select_n3A_251 = arith.select %ne3A_250, %gather3A_246, %broadcast_in_dim3A_50 : vector<16xi1>, vector<16xi32>
      %gather3A_252 = tpu.vector_load_idx %arg6[%select_n3A_251] : memref<30536xi32, #tpu.memory_space<vmem>>[vector<16xi32>], vector<16xi32>,
      %shift_left3A_253 = arith.constant 16 : i32
      %shift_left3A_254 = vector.broadcast %shift_left3A_253 : i32 to vector<16xi32>
      %shift_left3A_255 = arith.shli %gather3A_252, %shift_left3A_254 : vector<16xi32>
      %bitcast3A_256 = vector.bitcast %shift_left3A_255 : vector<16xi32> to vector<16xf32>
      %and3A_257 = arith.andi %gather3A_252, %broadcast_in_dim3A_52 : vector<16xi32>
      %bitcast3A_258 = vector.bitcast %and3A_257 : vector<16xi32> to vector<16xf32>
      %add3A_259 = arith.addf %add3A_239, %bitcast3A_256 : vector<16xf32>
      %add3A_260 = arith.addf %add3A_240, %bitcast3A_258 : vector<16xf32>
      %convert_element_type3A_261 = arith.sitofp %gather3A_247 : vector<16xi32> to vector<16xf32>
      %add3A_262 = arith.addf %add3A_242, %convert_element_type3A_261 : vector<16xf32>
      %scan3A_263 = arith.constant 3 : i32
      %scan3A_264 = arith.addi %scan3A_206, %scan3A_263 : i32
      %broadcast_in_dim3A_265 = vector.broadcast %scan3A_264 : i32 to vector<16xi32>
      %gather3A_266 = tpu.vector_load_idx %arg7[%add3A_64, %broadcast_in_dim3A_265] : memref<128x200xi32, #tpu.memory_space<vmem>>[vector<16xi32>, vector<16xi32>], vector<16xi32>,
      %gather3A_267 = tpu.vector_load_idx %arg8[%add3A_64, %broadcast_in_dim3A_265] : memref<128x200xi32, #tpu.memory_space<vmem>>[vector<16xi32>, vector<16xi32>], vector<16xi32>,
      %ne3A_268 = arith.constant 0 : i32
      %ne3A_269 = vector.broadcast %ne3A_268 : i32 to vector<16xi32>
      %ne3A_270 = arith.cmpi ne, %gather3A_267, %ne3A_269 : vector<16xi32>
      %select_n3A_271 = arith.select %ne3A_270, %gather3A_266, %broadcast_in_dim3A_50 : vector<16xi1>, vector<16xi32>
      %gather3A_272 = tpu.vector_load_idx %arg6[%select_n3A_271] : memref<30536xi32, #tpu.memory_space<vmem>>[vector<16xi32>], vector<16xi32>,
      %shift_left3A_273 = arith.constant 16 : i32
      %shift_left3A_274 = vector.broadcast %shift_left3A_273 : i32 to vector<16xi32>
      %shift_left3A_275 = arith.shli %gather3A_272, %shift_left3A_274 : vector<16xi32>
      %bitcast3A_276 = vector.bitcast %shift_left3A_275 : vector<16xi32> to vector<16xf32>
      %and3A_277 = arith.andi %gather3A_272, %broadcast_in_dim3A_52 : vector<16xi32>
      %bitcast3A_278 = vector.bitcast %and3A_277 : vector<16xi32> to vector<16xf32>
      %add3A_279 = arith.addf %add3A_259, %bitcast3A_276 : vector<16xf32>
      %add3A_280 = arith.addf %add3A_260, %bitcast3A_278 : vector<16xf32>
      %convert_element_type3A_281 = arith.sitofp %gather3A_267 : vector<16xi32> to vector<16xf32>
      %add3A_282 = arith.addf %add3A_262, %convert_element_type3A_281 : vector<16xf32>
      %scan3A_283 = arith.constant 4 : i32
      %scan3A_284 = arith.addi %scan3A_206, %scan3A_283 : i32
      %broadcast_in_dim3A_285 = vector.broadcast %scan3A_284 : i32 to vector<16xi32>
      %gather3A_286 = tpu.vector_load_idx %arg7[%add3A_64, %broadcast_in_dim3A_285] : memref<128x200xi32, #tpu.memory_space<vmem>>[vector<16xi32>, vector<16xi32>], vector<16xi32>,
      %gather3A_287 = tpu.vector_load_idx %arg8[%add3A_64, %broadcast_in_dim3A_285] : memref<128x200xi32, #tpu.memory_space<vmem>>[vector<16xi32>, vector<16xi32>], vector<16xi32>,
      %ne3A_288 = arith.constant 0 : i32
      %ne3A_289 = vector.broadcast %ne3A_288 : i32 to vector<16xi32>
      %ne3A_290 = arith.cmpi ne, %gather3A_287, %ne3A_289 : vector<16xi32>
      %select_n3A_291 = arith.select %ne3A_290, %gather3A_286, %broadcast_in_dim3A_50 : vector<16xi1>, vector<16xi32>
      %gather3A_292 = tpu.vector_load_idx %arg6[%select_n3A_291] : memref<30536xi32, #tpu.memory_space<vmem>>[vector<16xi32>], vector<16xi32>,
      %shift_left3A_293 = arith.constant 16 : i32
      %shift_left3A_294 = vector.broadcast %shift_left3A_293 : i32 to vector<16xi32>
      %shift_left3A_295 = arith.shli %gather3A_292, %shift_left3A_294 : vector<16xi32>
      %bitcast3A_296 = vector.bitcast %shift_left3A_295 : vector<16xi32> to vector<16xf32>
      %and3A_297 = arith.andi %gather3A_292, %broadcast_in_dim3A_52 : vector<16xi32>
      %bitcast3A_298 = vector.bitcast %and3A_297 : vector<16xi32> to vector<16xf32>
      %add3A_299 = arith.addf %add3A_279, %bitcast3A_296 : vector<16xf32>
      %add3A_300 = arith.addf %add3A_280, %bitcast3A_298 : vector<16xf32>
      %convert_element_type3A_301 = arith.sitofp %gather3A_287 : vector<16xi32> to vector<16xf32>
      %add3A_302 = arith.addf %add3A_282, %convert_element_type3A_301 : vector<16xf32>
      %scan3A_303 = arith.constant 5 : i32
      %scan3A_304 = arith.addi %scan3A_206, %scan3A_303 : i32
      %broadcast_in_dim3A_305 = vector.broadcast %scan3A_304 : i32 to vector<16xi32>
      %gather3A_306 = tpu.vector_load_idx %arg7[%add3A_64, %broadcast_in_dim3A_305] : memref<128x200xi32, #tpu.memory_space<vmem>>[vector<16xi32>, vector<16xi32>], vector<16xi32>,
      %gather3A_307 = tpu.vector_load_idx %arg8[%add3A_64, %broadcast_in_dim3A_305] : memref<128x200xi32, #tpu.memory_space<vmem>>[vector<16xi32>, vector<16xi32>], vector<16xi32>,
      %ne3A_308 = arith.constant 0 : i32
      %ne3A_309 = vector.broadcast %ne3A_308 : i32 to vector<16xi32>
      %ne3A_310 = arith.cmpi ne, %gather3A_307, %ne3A_309 : vector<16xi32>
      %select_n3A_311 = arith.select %ne3A_310, %gather3A_306, %broadcast_in_dim3A_50 : vector<16xi1>, vector<16xi32>
      %gather3A_312 = tpu.vector_load_idx %arg6[%select_n3A_311] : memref<30536xi32, #tpu.memory_space<vmem>>[vector<16xi32>], vector<16xi32>,
      %shift_left3A_313 = arith.constant 16 : i32
      %shift_left3A_314 = vector.broadcast %shift_left3A_313 : i32 to vector<16xi32>
      %shift_left3A_315 = arith.shli %gather3A_312, %shift_left3A_314 : vector<16xi32>
      %bitcast3A_316 = vector.bitcast %shift_left3A_315 : vector<16xi32> to vector<16xf32>
      %and3A_317 = arith.andi %gather3A_312, %broadcast_in_dim3A_52 : vector<16xi32>
      %bitcast3A_318 = vector.bitcast %and3A_317 : vector<16xi32> to vector<16xf32>
      %add3A_319 = arith.addf %add3A_299, %bitcast3A_316 : vector<16xf32>
      %add3A_320 = arith.addf %add3A_300, %bitcast3A_318 : vector<16xf32>
      %convert_element_type3A_321 = arith.sitofp %gather3A_307 : vector<16xi32> to vector<16xf32>
      %add3A_322 = arith.addf %add3A_302, %convert_element_type3A_321 : vector<16xf32>
      %scan3A_323 = arith.constant 6 : i32
      %scan3A_324 = arith.addi %scan3A_206, %scan3A_323 : i32
      %broadcast_in_dim3A_325 = vector.broadcast %scan3A_324 : i32 to vector<16xi32>
      %gather3A_326 = tpu.vector_load_idx %arg7[%add3A_64, %broadcast_in_dim3A_325] : memref<128x200xi32, #tpu.memory_space<vmem>>[vector<16xi32>, vector<16xi32>], vector<16xi32>,
      %gather3A_327 = tpu.vector_load_idx %arg8[%add3A_64, %broadcast_in_dim3A_325] : memref<128x200xi32, #tpu.memory_space<vmem>>[vector<16xi32>, vector<16xi32>], vector<16xi32>,
      %ne3A_328 = arith.constant 0 : i32
      %ne3A_329 = vector.broadcast %ne3A_328 : i32 to vector<16xi32>
      %ne3A_330 = arith.cmpi ne, %gather3A_327, %ne3A_329 : vector<16xi32>
      %select_n3A_331 = arith.select %ne3A_330, %gather3A_326, %broadcast_in_dim3A_50 : vector<16xi1>, vector<16xi32>
      %gather3A_332 = tpu.vector_load_idx %arg6[%select_n3A_331] : memref<30536xi32, #tpu.memory_space<vmem>>[vector<16xi32>], vector<16xi32>,
      %shift_left3A_333 = arith.constant 16 : i32
      %shift_left3A_334 = vector.broadcast %shift_left3A_333 : i32 to vector<16xi32>
      %shift_left3A_335 = arith.shli %gather3A_332, %shift_left3A_334 : vector<16xi32>
      %bitcast3A_336 = vector.bitcast %shift_left3A_335 : vector<16xi32> to vector<16xf32>
      %and3A_337 = arith.andi %gather3A_332, %broadcast_in_dim3A_52 : vector<16xi32>
      %bitcast3A_338 = vector.bitcast %and3A_337 : vector<16xi32> to vector<16xf32>
      %add3A_339 = arith.addf %add3A_319, %bitcast3A_336 : vector<16xf32>
      %add3A_340 = arith.addf %add3A_320, %bitcast3A_338 : vector<16xf32>
      %convert_element_type3A_341 = arith.sitofp %gather3A_327 : vector<16xi32> to vector<16xf32>
      %add3A_342 = arith.addf %add3A_322, %convert_element_type3A_341 : vector<16xf32>
      %scan3A_343 = arith.constant 7 : i32
      %scan3A_344 = arith.addi %scan3A_206, %scan3A_343 : i32
      %broadcast_in_dim3A_345 = vector.broadcast %scan3A_344 : i32 to vector<16xi32>
      %gather3A_346 = tpu.vector_load_idx %arg7[%add3A_64, %broadcast_in_dim3A_345] : memref<128x200xi32, #tpu.memory_space<vmem>>[vector<16xi32>, vector<16xi32>], vector<16xi32>,
      %gather3A_347 = tpu.vector_load_idx %arg8[%add3A_64, %broadcast_in_dim3A_345] : memref<128x200xi32, #tpu.memory_space<vmem>>[vector<16xi32>, vector<16xi32>], vector<16xi32>,
      %ne3A_348 = arith.constant 0 : i32
      %ne3A_349 = vector.broadcast %ne3A_348 : i32 to vector<16xi32>
      %ne3A_350 = arith.cmpi ne, %gather3A_347, %ne3A_349 : vector<16xi32>
      %select_n3A_351 = arith.select %ne3A_350, %gather3A_346, %broadcast_in_dim3A_50 : vector<16xi1>, vector<16xi32>
      %gather3A_352 = tpu.vector_load_idx %arg6[%select_n3A_351] : memref<30536xi32, #tpu.memory_space<vmem>>[vector<16xi32>], vector<16xi32>,
      %shift_left3A_353 = arith.constant 16 : i32
      %shift_left3A_354 = vector.broadcast %shift_left3A_353 : i32 to vector<16xi32>
      %shift_left3A_355 = arith.shli %gather3A_352, %shift_left3A_354 : vector<16xi32>
      %bitcast3A_356 = vector.bitcast %shift_left3A_355 : vector<16xi32> to vector<16xf32>
      %and3A_357 = arith.andi %gather3A_352, %broadcast_in_dim3A_52 : vector<16xi32>
      %bitcast3A_358 = vector.bitcast %and3A_357 : vector<16xi32> to vector<16xf32>
      %add3A_359 = arith.addf %add3A_339, %bitcast3A_356 : vector<16xf32>
      %add3A_360 = arith.addf %add3A_340, %bitcast3A_358 : vector<16xf32>
      %convert_element_type3A_361 = arith.sitofp %gather3A_347 : vector<16xi32> to vector<16xf32>
      %add3A_362 = arith.addf %add3A_342, %convert_element_type3A_361 : vector<16xf32>
      scf.yield %add3A_359, %add3A_360, %add3A_362 : vector<16xf32>, vector<16xf32>, vector<16xf32>
    }
    %scan3A_141 = arith.constant 200 : i32
    %div3A_142 = arith.divf %scan3A_140#0, %scan3A_140#2 : vector<16xf32>
    %add3A_143 = arith.addf %div3A_142, %bitcast3A : vector<16xf32>
    tpu.vector_store_idx %arg9[%add3A_64, %broadcast_in_dim3A_78], %add3A_143 : memref<128x2xf32, #tpu.memory_space<vmem>>[vector<16xi32>, vector<16xi32>], vector<16xf32>,
    %div3A_144 = arith.divf %scan3A_140#1, %scan3A_140#2 : vector<16xf32>
    %add3A_145 = arith.addf %div3A_144, %bitcast3A_107 : vector<16xf32>
    tpu.vector_store_idx %arg9[%add3A_64, %broadcast_in_dim3A_80], %add3A_145 : memref<128x2xf32, #tpu.memory_space<vmem>>[vector<16xi32>, vector<16xi32>], vector<16xf32>,
    %dma_wait3A_146 = arith.constant 64 : i32
    %dma_wait3A_147 = arith.constant 0 : i32
    %dma_wait3A_148 = tpu.memref_slice %arg7[%dma_wait3A_146, %dma_wait3A_147] : memref<128x200xi32, #tpu.memory_space<vmem>> -> memref<64x200xi32, #tpu.memory_space<vmem>>
    %dma_wait3A_149 = arith.constant 0 : i32
    %dma_wait3A_150 = tpu.memref_slice %arg2[%add3A_27, %dma_wait3A_149] : memref<4096x200xi32, #tpu.memory_space<hbm>> -> memref<64x200xi32, #tpu.memory_space<hbm>>
    %dma_wait3A_151 = arith.constant 64 : i32
    %dma_wait3A_152 = arith.constant 0 : i32
    %dma_wait3A_153 = tpu.memref_slice %arg7[%dma_wait3A_151, %dma_wait3A_152] : memref<128x200xi32, #tpu.memory_space<vmem>> -> memref<64x200xi32, #tpu.memory_space<vmem>>
    %dma_wait3A_154 = arith.constant 0 : i32
    %dma_wait3A_155 = tpu.memref_slice %arg2[%add3A_27, %dma_wait3A_154] : memref<4096x200xi32, #tpu.memory_space<hbm>> -> memref<64x200xi32, #tpu.memory_space<hbm>>
    tpu.wait_dma2 semaphore(%arg11 : memref<!tpu.dma_semaphore, #tpu.memory_space<semaphore_mem>>) src(%dma_wait3A_155 : memref<64x200xi32, #tpu.memory_space<hbm>>) dst(%dma_wait3A_153 : memref<64x200xi32, #tpu.memory_space<vmem>>)
    %dma_wait3A_156 = arith.constant 64 : i32
    %dma_wait3A_157 = arith.constant 0 : i32
    %dma_wait3A_158 = tpu.memref_slice %arg8[%dma_wait3A_156, %dma_wait3A_157] : memref<128x200xi32, #tpu.memory_space<vmem>> -> memref<64x200xi32, #tpu.memory_space<vmem>>
    %dma_wait3A_159 = arith.constant 0 : i32
    %dma_wait3A_160 = tpu.memref_slice %arg3[%add3A_39, %dma_wait3A_159] : memref<4096x200xi32, #tpu.memory_space<hbm>> -> memref<64x200xi32, #tpu.memory_space<hbm>>
    %dma_wait3A_161 = arith.constant 64 : i32
    %dma_wait3A_162 = arith.constant 0 : i32
    %dma_wait3A_163 = tpu.memref_slice %arg8[%dma_wait3A_161, %dma_wait3A_162] : memref<128x200xi32, #tpu.memory_space<vmem>> -> memref<64x200xi32, #tpu.memory_space<vmem>>
    %dma_wait3A_164 = arith.constant 0 : i32
    %dma_wait3A_165 = tpu.memref_slice %arg3[%add3A_39, %dma_wait3A_164] : memref<4096x200xi32, #tpu.memory_space<hbm>> -> memref<64x200xi32, #tpu.memory_space<hbm>>
    tpu.wait_dma2 semaphore(%arg11 : memref<!tpu.dma_semaphore, #tpu.memory_space<semaphore_mem>>) src(%dma_wait3A_165 : memref<64x200xi32, #tpu.memory_space<hbm>>) dst(%dma_wait3A_163 : memref<64x200xi32, #tpu.memory_space<vmem>>)
    %scan3A_166 = arith.constant 0 : i32
    %scan3A_167 = arith.constant 200 : i32
    %scan3A_168 = arith.addi %scan3A_166, %scan3A_167 : i32
    %scan3A_169 = arith.constant 8 : i32
    %scan3A_170:3 = scf.for %scan3A_206 = %scan3A_166 to %scan3A_168 step %scan3A_169 iter_args(%scan3A_207 = %broadcast_in_dim3A_82, %scan3A_208 = %broadcast_in_dim3A_82, %scan3A_209 = %broadcast_in_dim3A_82) -> (vector<16xf32>, vector<16xf32>, vector<16xf32>)  : i32 {
      %broadcast_in_dim3A_210 = vector.broadcast %scan3A_206 : i32 to vector<16xi32>
      %gather3A_211 = tpu.vector_load_idx %arg7[%add3A_67, %broadcast_in_dim3A_210] : memref<128x200xi32, #tpu.memory_space<vmem>>[vector<16xi32>, vector<16xi32>], vector<16xi32>,
      %gather3A_212 = tpu.vector_load_idx %arg8[%add3A_67, %broadcast_in_dim3A_210] : memref<128x200xi32, #tpu.memory_space<vmem>>[vector<16xi32>, vector<16xi32>], vector<16xi32>,
      %ne3A = arith.constant 0 : i32
      %ne3A_213 = vector.broadcast %ne3A : i32 to vector<16xi32>
      %ne3A_214 = arith.cmpi ne, %gather3A_212, %ne3A_213 : vector<16xi32>
      %select_n3A = arith.select %ne3A_214, %gather3A_211, %broadcast_in_dim3A_50 : vector<16xi1>, vector<16xi32>
      %gather3A_215 = tpu.vector_load_idx %arg6[%select_n3A] : memref<30536xi32, #tpu.memory_space<vmem>>[vector<16xi32>], vector<16xi32>,
      %shift_left3A = arith.constant 16 : i32
      %shift_left3A_216 = vector.broadcast %shift_left3A : i32 to vector<16xi32>
      %shift_left3A_217 = arith.shli %gather3A_215, %shift_left3A_216 : vector<16xi32>
      %bitcast3A_218 = vector.bitcast %shift_left3A_217 : vector<16xi32> to vector<16xf32>
      %and3A = arith.andi %gather3A_215, %broadcast_in_dim3A_52 : vector<16xi32>
      %bitcast3A_219 = vector.bitcast %and3A : vector<16xi32> to vector<16xf32>
      %add3A_220 = arith.addf %scan3A_207, %bitcast3A_218 : vector<16xf32>
      %add3A_221 = arith.addf %scan3A_208, %bitcast3A_219 : vector<16xf32>
      %convert_element_type3A = arith.sitofp %gather3A_212 : vector<16xi32> to vector<16xf32>
      %add3A_222 = arith.addf %scan3A_209, %convert_element_type3A : vector<16xf32>
      %scan3A_223 = arith.constant 1 : i32
      %scan3A_224 = arith.addi %scan3A_206, %scan3A_223 : i32
      %broadcast_in_dim3A_225 = vector.broadcast %scan3A_224 : i32 to vector<16xi32>
      %gather3A_226 = tpu.vector_load_idx %arg7[%add3A_67, %broadcast_in_dim3A_225] : memref<128x200xi32, #tpu.memory_space<vmem>>[vector<16xi32>, vector<16xi32>], vector<16xi32>,
      %gather3A_227 = tpu.vector_load_idx %arg8[%add3A_67, %broadcast_in_dim3A_225] : memref<128x200xi32, #tpu.memory_space<vmem>>[vector<16xi32>, vector<16xi32>], vector<16xi32>,
      %ne3A_228 = arith.constant 0 : i32
      %ne3A_229 = vector.broadcast %ne3A_228 : i32 to vector<16xi32>
      %ne3A_230 = arith.cmpi ne, %gather3A_227, %ne3A_229 : vector<16xi32>
      %select_n3A_231 = arith.select %ne3A_230, %gather3A_226, %broadcast_in_dim3A_50 : vector<16xi1>, vector<16xi32>
      %gather3A_232 = tpu.vector_load_idx %arg6[%select_n3A_231] : memref<30536xi32, #tpu.memory_space<vmem>>[vector<16xi32>], vector<16xi32>,
      %shift_left3A_233 = arith.constant 16 : i32
      %shift_left3A_234 = vector.broadcast %shift_left3A_233 : i32 to vector<16xi32>
      %shift_left3A_235 = arith.shli %gather3A_232, %shift_left3A_234 : vector<16xi32>
      %bitcast3A_236 = vector.bitcast %shift_left3A_235 : vector<16xi32> to vector<16xf32>
      %and3A_237 = arith.andi %gather3A_232, %broadcast_in_dim3A_52 : vector<16xi32>
      %bitcast3A_238 = vector.bitcast %and3A_237 : vector<16xi32> to vector<16xf32>
      %add3A_239 = arith.addf %add3A_220, %bitcast3A_236 : vector<16xf32>
      %add3A_240 = arith.addf %add3A_221, %bitcast3A_238 : vector<16xf32>
      %convert_element_type3A_241 = arith.sitofp %gather3A_227 : vector<16xi32> to vector<16xf32>
      %add3A_242 = arith.addf %add3A_222, %convert_element_type3A_241 : vector<16xf32>
      %scan3A_243 = arith.constant 2 : i32
      %scan3A_244 = arith.addi %scan3A_206, %scan3A_243 : i32
      %broadcast_in_dim3A_245 = vector.broadcast %scan3A_244 : i32 to vector<16xi32>
      %gather3A_246 = tpu.vector_load_idx %arg7[%add3A_67, %broadcast_in_dim3A_245] : memref<128x200xi32, #tpu.memory_space<vmem>>[vector<16xi32>, vector<16xi32>], vector<16xi32>,
      %gather3A_247 = tpu.vector_load_idx %arg8[%add3A_67, %broadcast_in_dim3A_245] : memref<128x200xi32, #tpu.memory_space<vmem>>[vector<16xi32>, vector<16xi32>], vector<16xi32>,
      %ne3A_248 = arith.constant 0 : i32
      %ne3A_249 = vector.broadcast %ne3A_248 : i32 to vector<16xi32>
      %ne3A_250 = arith.cmpi ne, %gather3A_247, %ne3A_249 : vector<16xi32>
      %select_n3A_251 = arith.select %ne3A_250, %gather3A_246, %broadcast_in_dim3A_50 : vector<16xi1>, vector<16xi32>
      %gather3A_252 = tpu.vector_load_idx %arg6[%select_n3A_251] : memref<30536xi32, #tpu.memory_space<vmem>>[vector<16xi32>], vector<16xi32>,
      %shift_left3A_253 = arith.constant 16 : i32
      %shift_left3A_254 = vector.broadcast %shift_left3A_253 : i32 to vector<16xi32>
      %shift_left3A_255 = arith.shli %gather3A_252, %shift_left3A_254 : vector<16xi32>
      %bitcast3A_256 = vector.bitcast %shift_left3A_255 : vector<16xi32> to vector<16xf32>
      %and3A_257 = arith.andi %gather3A_252, %broadcast_in_dim3A_52 : vector<16xi32>
      %bitcast3A_258 = vector.bitcast %and3A_257 : vector<16xi32> to vector<16xf32>
      %add3A_259 = arith.addf %add3A_239, %bitcast3A_256 : vector<16xf32>
      %add3A_260 = arith.addf %add3A_240, %bitcast3A_258 : vector<16xf32>
      %convert_element_type3A_261 = arith.sitofp %gather3A_247 : vector<16xi32> to vector<16xf32>
      %add3A_262 = arith.addf %add3A_242, %convert_element_type3A_261 : vector<16xf32>
      %scan3A_263 = arith.constant 3 : i32
      %scan3A_264 = arith.addi %scan3A_206, %scan3A_263 : i32
      %broadcast_in_dim3A_265 = vector.broadcast %scan3A_264 : i32 to vector<16xi32>
      %gather3A_266 = tpu.vector_load_idx %arg7[%add3A_67, %broadcast_in_dim3A_265] : memref<128x200xi32, #tpu.memory_space<vmem>>[vector<16xi32>, vector<16xi32>], vector<16xi32>,
      %gather3A_267 = tpu.vector_load_idx %arg8[%add3A_67, %broadcast_in_dim3A_265] : memref<128x200xi32, #tpu.memory_space<vmem>>[vector<16xi32>, vector<16xi32>], vector<16xi32>,
      %ne3A_268 = arith.constant 0 : i32
      %ne3A_269 = vector.broadcast %ne3A_268 : i32 to vector<16xi32>
      %ne3A_270 = arith.cmpi ne, %gather3A_267, %ne3A_269 : vector<16xi32>
      %select_n3A_271 = arith.select %ne3A_270, %gather3A_266, %broadcast_in_dim3A_50 : vector<16xi1>, vector<16xi32>
      %gather3A_272 = tpu.vector_load_idx %arg6[%select_n3A_271] : memref<30536xi32, #tpu.memory_space<vmem>>[vector<16xi32>], vector<16xi32>,
      %shift_left3A_273 = arith.constant 16 : i32
      %shift_left3A_274 = vector.broadcast %shift_left3A_273 : i32 to vector<16xi32>
      %shift_left3A_275 = arith.shli %gather3A_272, %shift_left3A_274 : vector<16xi32>
      %bitcast3A_276 = vector.bitcast %shift_left3A_275 : vector<16xi32> to vector<16xf32>
      %and3A_277 = arith.andi %gather3A_272, %broadcast_in_dim3A_52 : vector<16xi32>
      %bitcast3A_278 = vector.bitcast %and3A_277 : vector<16xi32> to vector<16xf32>
      %add3A_279 = arith.addf %add3A_259, %bitcast3A_276 : vector<16xf32>
      %add3A_280 = arith.addf %add3A_260, %bitcast3A_278 : vector<16xf32>
      %convert_element_type3A_281 = arith.sitofp %gather3A_267 : vector<16xi32> to vector<16xf32>
      %add3A_282 = arith.addf %add3A_262, %convert_element_type3A_281 : vector<16xf32>
      %scan3A_283 = arith.constant 4 : i32
      %scan3A_284 = arith.addi %scan3A_206, %scan3A_283 : i32
      %broadcast_in_dim3A_285 = vector.broadcast %scan3A_284 : i32 to vector<16xi32>
      %gather3A_286 = tpu.vector_load_idx %arg7[%add3A_67, %broadcast_in_dim3A_285] : memref<128x200xi32, #tpu.memory_space<vmem>>[vector<16xi32>, vector<16xi32>], vector<16xi32>,
      %gather3A_287 = tpu.vector_load_idx %arg8[%add3A_67, %broadcast_in_dim3A_285] : memref<128x200xi32, #tpu.memory_space<vmem>>[vector<16xi32>, vector<16xi32>], vector<16xi32>,
      %ne3A_288 = arith.constant 0 : i32
      %ne3A_289 = vector.broadcast %ne3A_288 : i32 to vector<16xi32>
      %ne3A_290 = arith.cmpi ne, %gather3A_287, %ne3A_289 : vector<16xi32>
      %select_n3A_291 = arith.select %ne3A_290, %gather3A_286, %broadcast_in_dim3A_50 : vector<16xi1>, vector<16xi32>
      %gather3A_292 = tpu.vector_load_idx %arg6[%select_n3A_291] : memref<30536xi32, #tpu.memory_space<vmem>>[vector<16xi32>], vector<16xi32>,
      %shift_left3A_293 = arith.constant 16 : i32
      %shift_left3A_294 = vector.broadcast %shift_left3A_293 : i32 to vector<16xi32>
      %shift_left3A_295 = arith.shli %gather3A_292, %shift_left3A_294 : vector<16xi32>
      %bitcast3A_296 = vector.bitcast %shift_left3A_295 : vector<16xi32> to vector<16xf32>
      %and3A_297 = arith.andi %gather3A_292, %broadcast_in_dim3A_52 : vector<16xi32>
      %bitcast3A_298 = vector.bitcast %and3A_297 : vector<16xi32> to vector<16xf32>
      %add3A_299 = arith.addf %add3A_279, %bitcast3A_296 : vector<16xf32>
      %add3A_300 = arith.addf %add3A_280, %bitcast3A_298 : vector<16xf32>
      %convert_element_type3A_301 = arith.sitofp %gather3A_287 : vector<16xi32> to vector<16xf32>
      %add3A_302 = arith.addf %add3A_282, %convert_element_type3A_301 : vector<16xf32>
      %scan3A_303 = arith.constant 5 : i32
      %scan3A_304 = arith.addi %scan3A_206, %scan3A_303 : i32
      %broadcast_in_dim3A_305 = vector.broadcast %scan3A_304 : i32 to vector<16xi32>
      %gather3A_306 = tpu.vector_load_idx %arg7[%add3A_67, %broadcast_in_dim3A_305] : memref<128x200xi32, #tpu.memory_space<vmem>>[vector<16xi32>, vector<16xi32>], vector<16xi32>,
      %gather3A_307 = tpu.vector_load_idx %arg8[%add3A_67, %broadcast_in_dim3A_305] : memref<128x200xi32, #tpu.memory_space<vmem>>[vector<16xi32>, vector<16xi32>], vector<16xi32>,
      %ne3A_308 = arith.constant 0 : i32
      %ne3A_309 = vector.broadcast %ne3A_308 : i32 to vector<16xi32>
      %ne3A_310 = arith.cmpi ne, %gather3A_307, %ne3A_309 : vector<16xi32>
      %select_n3A_311 = arith.select %ne3A_310, %gather3A_306, %broadcast_in_dim3A_50 : vector<16xi1>, vector<16xi32>
      %gather3A_312 = tpu.vector_load_idx %arg6[%select_n3A_311] : memref<30536xi32, #tpu.memory_space<vmem>>[vector<16xi32>], vector<16xi32>,
      %shift_left3A_313 = arith.constant 16 : i32
      %shift_left3A_314 = vector.broadcast %shift_left3A_313 : i32 to vector<16xi32>
      %shift_left3A_315 = arith.shli %gather3A_312, %shift_left3A_314 : vector<16xi32>
      %bitcast3A_316 = vector.bitcast %shift_left3A_315 : vector<16xi32> to vector<16xf32>
      %and3A_317 = arith.andi %gather3A_312, %broadcast_in_dim3A_52 : vector<16xi32>
      %bitcast3A_318 = vector.bitcast %and3A_317 : vector<16xi32> to vector<16xf32>
      %add3A_319 = arith.addf %add3A_299, %bitcast3A_316 : vector<16xf32>
      %add3A_320 = arith.addf %add3A_300, %bitcast3A_318 : vector<16xf32>
      %convert_element_type3A_321 = arith.sitofp %gather3A_307 : vector<16xi32> to vector<16xf32>
      %add3A_322 = arith.addf %add3A_302, %convert_element_type3A_321 : vector<16xf32>
      %scan3A_323 = arith.constant 6 : i32
      %scan3A_324 = arith.addi %scan3A_206, %scan3A_323 : i32
      %broadcast_in_dim3A_325 = vector.broadcast %scan3A_324 : i32 to vector<16xi32>
      %gather3A_326 = tpu.vector_load_idx %arg7[%add3A_67, %broadcast_in_dim3A_325] : memref<128x200xi32, #tpu.memory_space<vmem>>[vector<16xi32>, vector<16xi32>], vector<16xi32>,
      %gather3A_327 = tpu.vector_load_idx %arg8[%add3A_67, %broadcast_in_dim3A_325] : memref<128x200xi32, #tpu.memory_space<vmem>>[vector<16xi32>, vector<16xi32>], vector<16xi32>,
      %ne3A_328 = arith.constant 0 : i32
      %ne3A_329 = vector.broadcast %ne3A_328 : i32 to vector<16xi32>
      %ne3A_330 = arith.cmpi ne, %gather3A_327, %ne3A_329 : vector<16xi32>
      %select_n3A_331 = arith.select %ne3A_330, %gather3A_326, %broadcast_in_dim3A_50 : vector<16xi1>, vector<16xi32>
      %gather3A_332 = tpu.vector_load_idx %arg6[%select_n3A_331] : memref<30536xi32, #tpu.memory_space<vmem>>[vector<16xi32>], vector<16xi32>,
      %shift_left3A_333 = arith.constant 16 : i32
      %shift_left3A_334 = vector.broadcast %shift_left3A_333 : i32 to vector<16xi32>
      %shift_left3A_335 = arith.shli %gather3A_332, %shift_left3A_334 : vector<16xi32>
      %bitcast3A_336 = vector.bitcast %shift_left3A_335 : vector<16xi32> to vector<16xf32>
      %and3A_337 = arith.andi %gather3A_332, %broadcast_in_dim3A_52 : vector<16xi32>
      %bitcast3A_338 = vector.bitcast %and3A_337 : vector<16xi32> to vector<16xf32>
      %add3A_339 = arith.addf %add3A_319, %bitcast3A_336 : vector<16xf32>
      %add3A_340 = arith.addf %add3A_320, %bitcast3A_338 : vector<16xf32>
      %convert_element_type3A_341 = arith.sitofp %gather3A_327 : vector<16xi32> to vector<16xf32>
      %add3A_342 = arith.addf %add3A_322, %convert_element_type3A_341 : vector<16xf32>
      %scan3A_343 = arith.constant 7 : i32
      %scan3A_344 = arith.addi %scan3A_206, %scan3A_343 : i32
      %broadcast_in_dim3A_345 = vector.broadcast %scan3A_344 : i32 to vector<16xi32>
      %gather3A_346 = tpu.vector_load_idx %arg7[%add3A_67, %broadcast_in_dim3A_345] : memref<128x200xi32, #tpu.memory_space<vmem>>[vector<16xi32>, vector<16xi32>], vector<16xi32>,
      %gather3A_347 = tpu.vector_load_idx %arg8[%add3A_67, %broadcast_in_dim3A_345] : memref<128x200xi32, #tpu.memory_space<vmem>>[vector<16xi32>, vector<16xi32>], vector<16xi32>,
      %ne3A_348 = arith.constant 0 : i32
      %ne3A_349 = vector.broadcast %ne3A_348 : i32 to vector<16xi32>
      %ne3A_350 = arith.cmpi ne, %gather3A_347, %ne3A_349 : vector<16xi32>
      %select_n3A_351 = arith.select %ne3A_350, %gather3A_346, %broadcast_in_dim3A_50 : vector<16xi1>, vector<16xi32>
      %gather3A_352 = tpu.vector_load_idx %arg6[%select_n3A_351] : memref<30536xi32, #tpu.memory_space<vmem>>[vector<16xi32>], vector<16xi32>,
      %shift_left3A_353 = arith.constant 16 : i32
      %shift_left3A_354 = vector.broadcast %shift_left3A_353 : i32 to vector<16xi32>
      %shift_left3A_355 = arith.shli %gather3A_352, %shift_left3A_354 : vector<16xi32>
      %bitcast3A_356 = vector.bitcast %shift_left3A_355 : vector<16xi32> to vector<16xf32>
      %and3A_357 = arith.andi %gather3A_352, %broadcast_in_dim3A_52 : vector<16xi32>
      %bitcast3A_358 = vector.bitcast %and3A_357 : vector<16xi32> to vector<16xf32>
      %add3A_359 = arith.addf %add3A_339, %bitcast3A_356 : vector<16xf32>
      %add3A_360 = arith.addf %add3A_340, %bitcast3A_358 : vector<16xf32>
      %convert_element_type3A_361 = arith.sitofp %gather3A_347 : vector<16xi32> to vector<16xf32>
      %add3A_362 = arith.addf %add3A_342, %convert_element_type3A_361 : vector<16xf32>
      scf.yield %add3A_359, %add3A_360, %add3A_362 : vector<16xf32>, vector<16xf32>, vector<16xf32>
    }
    %scan3A_171 = arith.constant 200 : i32
    %div3A_172 = arith.divf %scan3A_170#0, %scan3A_170#2 : vector<16xf32>
    %add3A_173 = arith.addf %div3A_172, %bitcast3A : vector<16xf32>
    tpu.vector_store_idx %arg9[%add3A_67, %broadcast_in_dim3A_78], %add3A_173 : memref<128x2xf32, #tpu.memory_space<vmem>>[vector<16xi32>, vector<16xi32>], vector<16xf32>,
    %div3A_174 = arith.divf %scan3A_170#1, %scan3A_170#2 : vector<16xf32>
    %add3A_175 = arith.addf %div3A_174, %bitcast3A_107 : vector<16xf32>
    tpu.vector_store_idx %arg9[%add3A_67, %broadcast_in_dim3A_80], %add3A_175 : memref<128x2xf32, #tpu.memory_space<vmem>>[vector<16xi32>, vector<16xi32>], vector<16xf32>,
    %scan3A_176 = arith.constant 0 : i32
    %scan3A_177 = arith.constant 200 : i32
    %scan3A_178 = arith.addi %scan3A_176, %scan3A_177 : i32
    %scan3A_179 = arith.constant 8 : i32
    %scan3A_180:3 = scf.for %scan3A_206 = %scan3A_176 to %scan3A_178 step %scan3A_179 iter_args(%scan3A_207 = %broadcast_in_dim3A_82, %scan3A_208 = %broadcast_in_dim3A_82, %scan3A_209 = %broadcast_in_dim3A_82) -> (vector<16xf32>, vector<16xf32>, vector<16xf32>)  : i32 {
      %broadcast_in_dim3A_210 = vector.broadcast %scan3A_206 : i32 to vector<16xi32>
      %gather3A_211 = tpu.vector_load_idx %arg7[%add3A_70, %broadcast_in_dim3A_210] : memref<128x200xi32, #tpu.memory_space<vmem>>[vector<16xi32>, vector<16xi32>], vector<16xi32>,
      %gather3A_212 = tpu.vector_load_idx %arg8[%add3A_70, %broadcast_in_dim3A_210] : memref<128x200xi32, #tpu.memory_space<vmem>>[vector<16xi32>, vector<16xi32>], vector<16xi32>,
      %ne3A = arith.constant 0 : i32
      %ne3A_213 = vector.broadcast %ne3A : i32 to vector<16xi32>
      %ne3A_214 = arith.cmpi ne, %gather3A_212, %ne3A_213 : vector<16xi32>
      %select_n3A = arith.select %ne3A_214, %gather3A_211, %broadcast_in_dim3A_50 : vector<16xi1>, vector<16xi32>
      %gather3A_215 = tpu.vector_load_idx %arg6[%select_n3A] : memref<30536xi32, #tpu.memory_space<vmem>>[vector<16xi32>], vector<16xi32>,
      %shift_left3A = arith.constant 16 : i32
      %shift_left3A_216 = vector.broadcast %shift_left3A : i32 to vector<16xi32>
      %shift_left3A_217 = arith.shli %gather3A_215, %shift_left3A_216 : vector<16xi32>
      %bitcast3A_218 = vector.bitcast %shift_left3A_217 : vector<16xi32> to vector<16xf32>
      %and3A = arith.andi %gather3A_215, %broadcast_in_dim3A_52 : vector<16xi32>
      %bitcast3A_219 = vector.bitcast %and3A : vector<16xi32> to vector<16xf32>
      %add3A_220 = arith.addf %scan3A_207, %bitcast3A_218 : vector<16xf32>
      %add3A_221 = arith.addf %scan3A_208, %bitcast3A_219 : vector<16xf32>
      %convert_element_type3A = arith.sitofp %gather3A_212 : vector<16xi32> to vector<16xf32>
      %add3A_222 = arith.addf %scan3A_209, %convert_element_type3A : vector<16xf32>
      %scan3A_223 = arith.constant 1 : i32
      %scan3A_224 = arith.addi %scan3A_206, %scan3A_223 : i32
      %broadcast_in_dim3A_225 = vector.broadcast %scan3A_224 : i32 to vector<16xi32>
      %gather3A_226 = tpu.vector_load_idx %arg7[%add3A_70, %broadcast_in_dim3A_225] : memref<128x200xi32, #tpu.memory_space<vmem>>[vector<16xi32>, vector<16xi32>], vector<16xi32>,
      %gather3A_227 = tpu.vector_load_idx %arg8[%add3A_70, %broadcast_in_dim3A_225] : memref<128x200xi32, #tpu.memory_space<vmem>>[vector<16xi32>, vector<16xi32>], vector<16xi32>,
      %ne3A_228 = arith.constant 0 : i32
      %ne3A_229 = vector.broadcast %ne3A_228 : i32 to vector<16xi32>
      %ne3A_230 = arith.cmpi ne, %gather3A_227, %ne3A_229 : vector<16xi32>
      %select_n3A_231 = arith.select %ne3A_230, %gather3A_226, %broadcast_in_dim3A_50 : vector<16xi1>, vector<16xi32>
      %gather3A_232 = tpu.vector_load_idx %arg6[%select_n3A_231] : memref<30536xi32, #tpu.memory_space<vmem>>[vector<16xi32>], vector<16xi32>,
      %shift_left3A_233 = arith.constant 16 : i32
      %shift_left3A_234 = vector.broadcast %shift_left3A_233 : i32 to vector<16xi32>
      %shift_left3A_235 = arith.shli %gather3A_232, %shift_left3A_234 : vector<16xi32>
      %bitcast3A_236 = vector.bitcast %shift_left3A_235 : vector<16xi32> to vector<16xf32>
      %and3A_237 = arith.andi %gather3A_232, %broadcast_in_dim3A_52 : vector<16xi32>
      %bitcast3A_238 = vector.bitcast %and3A_237 : vector<16xi32> to vector<16xf32>
      %add3A_239 = arith.addf %add3A_220, %bitcast3A_236 : vector<16xf32>
      %add3A_240 = arith.addf %add3A_221, %bitcast3A_238 : vector<16xf32>
      %convert_element_type3A_241 = arith.sitofp %gather3A_227 : vector<16xi32> to vector<16xf32>
      %add3A_242 = arith.addf %add3A_222, %convert_element_type3A_241 : vector<16xf32>
      %scan3A_243 = arith.constant 2 : i32
      %scan3A_244 = arith.addi %scan3A_206, %scan3A_243 : i32
      %broadcast_in_dim3A_245 = vector.broadcast %scan3A_244 : i32 to vector<16xi32>
      %gather3A_246 = tpu.vector_load_idx %arg7[%add3A_70, %broadcast_in_dim3A_245] : memref<128x200xi32, #tpu.memory_space<vmem>>[vector<16xi32>, vector<16xi32>], vector<16xi32>,
      %gather3A_247 = tpu.vector_load_idx %arg8[%add3A_70, %broadcast_in_dim3A_245] : memref<128x200xi32, #tpu.memory_space<vmem>>[vector<16xi32>, vector<16xi32>], vector<16xi32>,
      %ne3A_248 = arith.constant 0 : i32
      %ne3A_249 = vector.broadcast %ne3A_248 : i32 to vector<16xi32>
      %ne3A_250 = arith.cmpi ne, %gather3A_247, %ne3A_249 : vector<16xi32>
      %select_n3A_251 = arith.select %ne3A_250, %gather3A_246, %broadcast_in_dim3A_50 : vector<16xi1>, vector<16xi32>
      %gather3A_252 = tpu.vector_load_idx %arg6[%select_n3A_251] : memref<30536xi32, #tpu.memory_space<vmem>>[vector<16xi32>], vector<16xi32>,
      %shift_left3A_253 = arith.constant 16 : i32
      %shift_left3A_254 = vector.broadcast %shift_left3A_253 : i32 to vector<16xi32>
      %shift_left3A_255 = arith.shli %gather3A_252, %shift_left3A_254 : vector<16xi32>
      %bitcast3A_256 = vector.bitcast %shift_left3A_255 : vector<16xi32> to vector<16xf32>
      %and3A_257 = arith.andi %gather3A_252, %broadcast_in_dim3A_52 : vector<16xi32>
      %bitcast3A_258 = vector.bitcast %and3A_257 : vector<16xi32> to vector<16xf32>
      %add3A_259 = arith.addf %add3A_239, %bitcast3A_256 : vector<16xf32>
      %add3A_260 = arith.addf %add3A_240, %bitcast3A_258 : vector<16xf32>
      %convert_element_type3A_261 = arith.sitofp %gather3A_247 : vector<16xi32> to vector<16xf32>
      %add3A_262 = arith.addf %add3A_242, %convert_element_type3A_261 : vector<16xf32>
      %scan3A_263 = arith.constant 3 : i32
      %scan3A_264 = arith.addi %scan3A_206, %scan3A_263 : i32
      %broadcast_in_dim3A_265 = vector.broadcast %scan3A_264 : i32 to vector<16xi32>
      %gather3A_266 = tpu.vector_load_idx %arg7[%add3A_70, %broadcast_in_dim3A_265] : memref<128x200xi32, #tpu.memory_space<vmem>>[vector<16xi32>, vector<16xi32>], vector<16xi32>,
      %gather3A_267 = tpu.vector_load_idx %arg8[%add3A_70, %broadcast_in_dim3A_265] : memref<128x200xi32, #tpu.memory_space<vmem>>[vector<16xi32>, vector<16xi32>], vector<16xi32>,
      %ne3A_268 = arith.constant 0 : i32
      %ne3A_269 = vector.broadcast %ne3A_268 : i32 to vector<16xi32>
      %ne3A_270 = arith.cmpi ne, %gather3A_267, %ne3A_269 : vector<16xi32>
      %select_n3A_271 = arith.select %ne3A_270, %gather3A_266, %broadcast_in_dim3A_50 : vector<16xi1>, vector<16xi32>
      %gather3A_272 = tpu.vector_load_idx %arg6[%select_n3A_271] : memref<30536xi32, #tpu.memory_space<vmem>>[vector<16xi32>], vector<16xi32>,
      %shift_left3A_273 = arith.constant 16 : i32
      %shift_left3A_274 = vector.broadcast %shift_left3A_273 : i32 to vector<16xi32>
      %shift_left3A_275 = arith.shli %gather3A_272, %shift_left3A_274 : vector<16xi32>
      %bitcast3A_276 = vector.bitcast %shift_left3A_275 : vector<16xi32> to vector<16xf32>
      %and3A_277 = arith.andi %gather3A_272, %broadcast_in_dim3A_52 : vector<16xi32>
      %bitcast3A_278 = vector.bitcast %and3A_277 : vector<16xi32> to vector<16xf32>
      %add3A_279 = arith.addf %add3A_259, %bitcast3A_276 : vector<16xf32>
      %add3A_280 = arith.addf %add3A_260, %bitcast3A_278 : vector<16xf32>
      %convert_element_type3A_281 = arith.sitofp %gather3A_267 : vector<16xi32> to vector<16xf32>
      %add3A_282 = arith.addf %add3A_262, %convert_element_type3A_281 : vector<16xf32>
      %scan3A_283 = arith.constant 4 : i32
      %scan3A_284 = arith.addi %scan3A_206, %scan3A_283 : i32
      %broadcast_in_dim3A_285 = vector.broadcast %scan3A_284 : i32 to vector<16xi32>
      %gather3A_286 = tpu.vector_load_idx %arg7[%add3A_70, %broadcast_in_dim3A_285] : memref<128x200xi32, #tpu.memory_space<vmem>>[vector<16xi32>, vector<16xi32>], vector<16xi32>,
      %gather3A_287 = tpu.vector_load_idx %arg8[%add3A_70, %broadcast_in_dim3A_285] : memref<128x200xi32, #tpu.memory_space<vmem>>[vector<16xi32>, vector<16xi32>], vector<16xi32>,
      %ne3A_288 = arith.constant 0 : i32
      %ne3A_289 = vector.broadcast %ne3A_288 : i32 to vector<16xi32>
      %ne3A_290 = arith.cmpi ne, %gather3A_287, %ne3A_289 : vector<16xi32>
      %select_n3A_291 = arith.select %ne3A_290, %gather3A_286, %broadcast_in_dim3A_50 : vector<16xi1>, vector<16xi32>
      %gather3A_292 = tpu.vector_load_idx %arg6[%select_n3A_291] : memref<30536xi32, #tpu.memory_space<vmem>>[vector<16xi32>], vector<16xi32>,
      %shift_left3A_293 = arith.constant 16 : i32
      %shift_left3A_294 = vector.broadcast %shift_left3A_293 : i32 to vector<16xi32>
      %shift_left3A_295 = arith.shli %gather3A_292, %shift_left3A_294 : vector<16xi32>
      %bitcast3A_296 = vector.bitcast %shift_left3A_295 : vector<16xi32> to vector<16xf32>
      %and3A_297 = arith.andi %gather3A_292, %broadcast_in_dim3A_52 : vector<16xi32>
      %bitcast3A_298 = vector.bitcast %and3A_297 : vector<16xi32> to vector<16xf32>
      %add3A_299 = arith.addf %add3A_279, %bitcast3A_296 : vector<16xf32>
      %add3A_300 = arith.addf %add3A_280, %bitcast3A_298 : vector<16xf32>
      %convert_element_type3A_301 = arith.sitofp %gather3A_287 : vector<16xi32> to vector<16xf32>
      %add3A_302 = arith.addf %add3A_282, %convert_element_type3A_301 : vector<16xf32>
      %scan3A_303 = arith.constant 5 : i32
      %scan3A_304 = arith.addi %scan3A_206, %scan3A_303 : i32
      %broadcast_in_dim3A_305 = vector.broadcast %scan3A_304 : i32 to vector<16xi32>
      %gather3A_306 = tpu.vector_load_idx %arg7[%add3A_70, %broadcast_in_dim3A_305] : memref<128x200xi32, #tpu.memory_space<vmem>>[vector<16xi32>, vector<16xi32>], vector<16xi32>,
      %gather3A_307 = tpu.vector_load_idx %arg8[%add3A_70, %broadcast_in_dim3A_305] : memref<128x200xi32, #tpu.memory_space<vmem>>[vector<16xi32>, vector<16xi32>], vector<16xi32>,
      %ne3A_308 = arith.constant 0 : i32
      %ne3A_309 = vector.broadcast %ne3A_308 : i32 to vector<16xi32>
      %ne3A_310 = arith.cmpi ne, %gather3A_307, %ne3A_309 : vector<16xi32>
      %select_n3A_311 = arith.select %ne3A_310, %gather3A_306, %broadcast_in_dim3A_50 : vector<16xi1>, vector<16xi32>
      %gather3A_312 = tpu.vector_load_idx %arg6[%select_n3A_311] : memref<30536xi32, #tpu.memory_space<vmem>>[vector<16xi32>], vector<16xi32>,
      %shift_left3A_313 = arith.constant 16 : i32
      %shift_left3A_314 = vector.broadcast %shift_left3A_313 : i32 to vector<16xi32>
      %shift_left3A_315 = arith.shli %gather3A_312, %shift_left3A_314 : vector<16xi32>
      %bitcast3A_316 = vector.bitcast %shift_left3A_315 : vector<16xi32> to vector<16xf32>
      %and3A_317 = arith.andi %gather3A_312, %broadcast_in_dim3A_52 : vector<16xi32>
      %bitcast3A_318 = vector.bitcast %and3A_317 : vector<16xi32> to vector<16xf32>
      %add3A_319 = arith.addf %add3A_299, %bitcast3A_316 : vector<16xf32>
      %add3A_320 = arith.addf %add3A_300, %bitcast3A_318 : vector<16xf32>
      %convert_element_type3A_321 = arith.sitofp %gather3A_307 : vector<16xi32> to vector<16xf32>
      %add3A_322 = arith.addf %add3A_302, %convert_element_type3A_321 : vector<16xf32>
      %scan3A_323 = arith.constant 6 : i32
      %scan3A_324 = arith.addi %scan3A_206, %scan3A_323 : i32
      %broadcast_in_dim3A_325 = vector.broadcast %scan3A_324 : i32 to vector<16xi32>
      %gather3A_326 = tpu.vector_load_idx %arg7[%add3A_70, %broadcast_in_dim3A_325] : memref<128x200xi32, #tpu.memory_space<vmem>>[vector<16xi32>, vector<16xi32>], vector<16xi32>,
      %gather3A_327 = tpu.vector_load_idx %arg8[%add3A_70, %broadcast_in_dim3A_325] : memref<128x200xi32, #tpu.memory_space<vmem>>[vector<16xi32>, vector<16xi32>], vector<16xi32>,
      %ne3A_328 = arith.constant 0 : i32
      %ne3A_329 = vector.broadcast %ne3A_328 : i32 to vector<16xi32>
      %ne3A_330 = arith.cmpi ne, %gather3A_327, %ne3A_329 : vector<16xi32>
      %select_n3A_331 = arith.select %ne3A_330, %gather3A_326, %broadcast_in_dim3A_50 : vector<16xi1>, vector<16xi32>
      %gather3A_332 = tpu.vector_load_idx %arg6[%select_n3A_331] : memref<30536xi32, #tpu.memory_space<vmem>>[vector<16xi32>], vector<16xi32>,
      %shift_left3A_333 = arith.constant 16 : i32
      %shift_left3A_334 = vector.broadcast %shift_left3A_333 : i32 to vector<16xi32>
      %shift_left3A_335 = arith.shli %gather3A_332, %shift_left3A_334 : vector<16xi32>
      %bitcast3A_336 = vector.bitcast %shift_left3A_335 : vector<16xi32> to vector<16xf32>
      %and3A_337 = arith.andi %gather3A_332, %broadcast_in_dim3A_52 : vector<16xi32>
      %bitcast3A_338 = vector.bitcast %and3A_337 : vector<16xi32> to vector<16xf32>
      %add3A_339 = arith.addf %add3A_319, %bitcast3A_336 : vector<16xf32>
      %add3A_340 = arith.addf %add3A_320, %bitcast3A_338 : vector<16xf32>
      %convert_element_type3A_341 = arith.sitofp %gather3A_327 : vector<16xi32> to vector<16xf32>
      %add3A_342 = arith.addf %add3A_322, %convert_element_type3A_341 : vector<16xf32>
      %scan3A_343 = arith.constant 7 : i32
      %scan3A_344 = arith.addi %scan3A_206, %scan3A_343 : i32
      %broadcast_in_dim3A_345 = vector.broadcast %scan3A_344 : i32 to vector<16xi32>
      %gather3A_346 = tpu.vector_load_idx %arg7[%add3A_70, %broadcast_in_dim3A_345] : memref<128x200xi32, #tpu.memory_space<vmem>>[vector<16xi32>, vector<16xi32>], vector<16xi32>,
      %gather3A_347 = tpu.vector_load_idx %arg8[%add3A_70, %broadcast_in_dim3A_345] : memref<128x200xi32, #tpu.memory_space<vmem>>[vector<16xi32>, vector<16xi32>], vector<16xi32>,
      %ne3A_348 = arith.constant 0 : i32
      %ne3A_349 = vector.broadcast %ne3A_348 : i32 to vector<16xi32>
      %ne3A_350 = arith.cmpi ne, %gather3A_347, %ne3A_349 : vector<16xi32>
      %select_n3A_351 = arith.select %ne3A_350, %gather3A_346, %broadcast_in_dim3A_50 : vector<16xi1>, vector<16xi32>
      %gather3A_352 = tpu.vector_load_idx %arg6[%select_n3A_351] : memref<30536xi32, #tpu.memory_space<vmem>>[vector<16xi32>], vector<16xi32>,
      %shift_left3A_353 = arith.constant 16 : i32
      %shift_left3A_354 = vector.broadcast %shift_left3A_353 : i32 to vector<16xi32>
      %shift_left3A_355 = arith.shli %gather3A_352, %shift_left3A_354 : vector<16xi32>
      %bitcast3A_356 = vector.bitcast %shift_left3A_355 : vector<16xi32> to vector<16xf32>
      %and3A_357 = arith.andi %gather3A_352, %broadcast_in_dim3A_52 : vector<16xi32>
      %bitcast3A_358 = vector.bitcast %and3A_357 : vector<16xi32> to vector<16xf32>
      %add3A_359 = arith.addf %add3A_339, %bitcast3A_356 : vector<16xf32>
      %add3A_360 = arith.addf %add3A_340, %bitcast3A_358 : vector<16xf32>
      %convert_element_type3A_361 = arith.sitofp %gather3A_347 : vector<16xi32> to vector<16xf32>
      %add3A_362 = arith.addf %add3A_342, %convert_element_type3A_361 : vector<16xf32>
      scf.yield %add3A_359, %add3A_360, %add3A_362 : vector<16xf32>, vector<16xf32>, vector<16xf32>
    }
    %scan3A_181 = arith.constant 200 : i32
    %div3A_182 = arith.divf %scan3A_180#0, %scan3A_180#2 : vector<16xf32>
    %add3A_183 = arith.addf %div3A_182, %bitcast3A : vector<16xf32>
    tpu.vector_store_idx %arg9[%add3A_70, %broadcast_in_dim3A_78], %add3A_183 : memref<128x2xf32, #tpu.memory_space<vmem>>[vector<16xi32>, vector<16xi32>], vector<16xf32>,
    %div3A_184 = arith.divf %scan3A_180#1, %scan3A_180#2 : vector<16xf32>
    %add3A_185 = arith.addf %div3A_184, %bitcast3A_107 : vector<16xf32>
    tpu.vector_store_idx %arg9[%add3A_70, %broadcast_in_dim3A_80], %add3A_185 : memref<128x2xf32, #tpu.memory_space<vmem>>[vector<16xi32>, vector<16xi32>], vector<16xf32>,
    %scan3A_186 = arith.constant 0 : i32
    %scan3A_187 = arith.constant 200 : i32
    %scan3A_188 = arith.addi %scan3A_186, %scan3A_187 : i32
    %scan3A_189 = arith.constant 8 : i32
    %scan3A_190:3 = scf.for %scan3A_206 = %scan3A_186 to %scan3A_188 step %scan3A_189 iter_args(%scan3A_207 = %broadcast_in_dim3A_82, %scan3A_208 = %broadcast_in_dim3A_82, %scan3A_209 = %broadcast_in_dim3A_82) -> (vector<16xf32>, vector<16xf32>, vector<16xf32>)  : i32 {
      %broadcast_in_dim3A_210 = vector.broadcast %scan3A_206 : i32 to vector<16xi32>
      %gather3A_211 = tpu.vector_load_idx %arg7[%add3A_73, %broadcast_in_dim3A_210] : memref<128x200xi32, #tpu.memory_space<vmem>>[vector<16xi32>, vector<16xi32>], vector<16xi32>,
      %gather3A_212 = tpu.vector_load_idx %arg8[%add3A_73, %broadcast_in_dim3A_210] : memref<128x200xi32, #tpu.memory_space<vmem>>[vector<16xi32>, vector<16xi32>], vector<16xi32>,
      %ne3A = arith.constant 0 : i32
      %ne3A_213 = vector.broadcast %ne3A : i32 to vector<16xi32>
      %ne3A_214 = arith.cmpi ne, %gather3A_212, %ne3A_213 : vector<16xi32>
      %select_n3A = arith.select %ne3A_214, %gather3A_211, %broadcast_in_dim3A_50 : vector<16xi1>, vector<16xi32>
      %gather3A_215 = tpu.vector_load_idx %arg6[%select_n3A] : memref<30536xi32, #tpu.memory_space<vmem>>[vector<16xi32>], vector<16xi32>,
      %shift_left3A = arith.constant 16 : i32
      %shift_left3A_216 = vector.broadcast %shift_left3A : i32 to vector<16xi32>
      %shift_left3A_217 = arith.shli %gather3A_215, %shift_left3A_216 : vector<16xi32>
      %bitcast3A_218 = vector.bitcast %shift_left3A_217 : vector<16xi32> to vector<16xf32>
      %and3A = arith.andi %gather3A_215, %broadcast_in_dim3A_52 : vector<16xi32>
      %bitcast3A_219 = vector.bitcast %and3A : vector<16xi32> to vector<16xf32>
      %add3A_220 = arith.addf %scan3A_207, %bitcast3A_218 : vector<16xf32>
      %add3A_221 = arith.addf %scan3A_208, %bitcast3A_219 : vector<16xf32>
      %convert_element_type3A = arith.sitofp %gather3A_212 : vector<16xi32> to vector<16xf32>
      %add3A_222 = arith.addf %scan3A_209, %convert_element_type3A : vector<16xf32>
      %scan3A_223 = arith.constant 1 : i32
      %scan3A_224 = arith.addi %scan3A_206, %scan3A_223 : i32
      %broadcast_in_dim3A_225 = vector.broadcast %scan3A_224 : i32 to vector<16xi32>
      %gather3A_226 = tpu.vector_load_idx %arg7[%add3A_73, %broadcast_in_dim3A_225] : memref<128x200xi32, #tpu.memory_space<vmem>>[vector<16xi32>, vector<16xi32>], vector<16xi32>,
      %gather3A_227 = tpu.vector_load_idx %arg8[%add3A_73, %broadcast_in_dim3A_225] : memref<128x200xi32, #tpu.memory_space<vmem>>[vector<16xi32>, vector<16xi32>], vector<16xi32>,
      %ne3A_228 = arith.constant 0 : i32
      %ne3A_229 = vector.broadcast %ne3A_228 : i32 to vector<16xi32>
      %ne3A_230 = arith.cmpi ne, %gather3A_227, %ne3A_229 : vector<16xi32>
      %select_n3A_231 = arith.select %ne3A_230, %gather3A_226, %broadcast_in_dim3A_50 : vector<16xi1>, vector<16xi32>
      %gather3A_232 = tpu.vector_load_idx %arg6[%select_n3A_231] : memref<30536xi32, #tpu.memory_space<vmem>>[vector<16xi32>], vector<16xi32>,
      %shift_left3A_233 = arith.constant 16 : i32
      %shift_left3A_234 = vector.broadcast %shift_left3A_233 : i32 to vector<16xi32>
      %shift_left3A_235 = arith.shli %gather3A_232, %shift_left3A_234 : vector<16xi32>
      %bitcast3A_236 = vector.bitcast %shift_left3A_235 : vector<16xi32> to vector<16xf32>
      %and3A_237 = arith.andi %gather3A_232, %broadcast_in_dim3A_52 : vector<16xi32>
      %bitcast3A_238 = vector.bitcast %and3A_237 : vector<16xi32> to vector<16xf32>
      %add3A_239 = arith.addf %add3A_220, %bitcast3A_236 : vector<16xf32>
      %add3A_240 = arith.addf %add3A_221, %bitcast3A_238 : vector<16xf32>
      %convert_element_type3A_241 = arith.sitofp %gather3A_227 : vector<16xi32> to vector<16xf32>
      %add3A_242 = arith.addf %add3A_222, %convert_element_type3A_241 : vector<16xf32>
      %scan3A_243 = arith.constant 2 : i32
      %scan3A_244 = arith.addi %scan3A_206, %scan3A_243 : i32
      %broadcast_in_dim3A_245 = vector.broadcast %scan3A_244 : i32 to vector<16xi32>
      %gather3A_246 = tpu.vector_load_idx %arg7[%add3A_73, %broadcast_in_dim3A_245] : memref<128x200xi32, #tpu.memory_space<vmem>>[vector<16xi32>, vector<16xi32>], vector<16xi32>,
      %gather3A_247 = tpu.vector_load_idx %arg8[%add3A_73, %broadcast_in_dim3A_245] : memref<128x200xi32, #tpu.memory_space<vmem>>[vector<16xi32>, vector<16xi32>], vector<16xi32>,
      %ne3A_248 = arith.constant 0 : i32
      %ne3A_249 = vector.broadcast %ne3A_248 : i32 to vector<16xi32>
      %ne3A_250 = arith.cmpi ne, %gather3A_247, %ne3A_249 : vector<16xi32>
      %select_n3A_251 = arith.select %ne3A_250, %gather3A_246, %broadcast_in_dim3A_50 : vector<16xi1>, vector<16xi32>
      %gather3A_252 = tpu.vector_load_idx %arg6[%select_n3A_251] : memref<30536xi32, #tpu.memory_space<vmem>>[vector<16xi32>], vector<16xi32>,
      %shift_left3A_253 = arith.constant 16 : i32
      %shift_left3A_254 = vector.broadcast %shift_left3A_253 : i32 to vector<16xi32>
      %shift_left3A_255 = arith.shli %gather3A_252, %shift_left3A_254 : vector<16xi32>
      %bitcast3A_256 = vector.bitcast %shift_left3A_255 : vector<16xi32> to vector<16xf32>
      %and3A_257 = arith.andi %gather3A_252, %broadcast_in_dim3A_52 : vector<16xi32>
      %bitcast3A_258 = vector.bitcast %and3A_257 : vector<16xi32> to vector<16xf32>
      %add3A_259 = arith.addf %add3A_239, %bitcast3A_256 : vector<16xf32>
      %add3A_260 = arith.addf %add3A_240, %bitcast3A_258 : vector<16xf32>
      %convert_element_type3A_261 = arith.sitofp %gather3A_247 : vector<16xi32> to vector<16xf32>
      %add3A_262 = arith.addf %add3A_242, %convert_element_type3A_261 : vector<16xf32>
      %scan3A_263 = arith.constant 3 : i32
      %scan3A_264 = arith.addi %scan3A_206, %scan3A_263 : i32
      %broadcast_in_dim3A_265 = vector.broadcast %scan3A_264 : i32 to vector<16xi32>
      %gather3A_266 = tpu.vector_load_idx %arg7[%add3A_73, %broadcast_in_dim3A_265] : memref<128x200xi32, #tpu.memory_space<vmem>>[vector<16xi32>, vector<16xi32>], vector<16xi32>,
      %gather3A_267 = tpu.vector_load_idx %arg8[%add3A_73, %broadcast_in_dim3A_265] : memref<128x200xi32, #tpu.memory_space<vmem>>[vector<16xi32>, vector<16xi32>], vector<16xi32>,
      %ne3A_268 = arith.constant 0 : i32
      %ne3A_269 = vector.broadcast %ne3A_268 : i32 to vector<16xi32>
      %ne3A_270 = arith.cmpi ne, %gather3A_267, %ne3A_269 : vector<16xi32>
      %select_n3A_271 = arith.select %ne3A_270, %gather3A_266, %broadcast_in_dim3A_50 : vector<16xi1>, vector<16xi32>
      %gather3A_272 = tpu.vector_load_idx %arg6[%select_n3A_271] : memref<30536xi32, #tpu.memory_space<vmem>>[vector<16xi32>], vector<16xi32>,
      %shift_left3A_273 = arith.constant 16 : i32
      %shift_left3A_274 = vector.broadcast %shift_left3A_273 : i32 to vector<16xi32>
      %shift_left3A_275 = arith.shli %gather3A_272, %shift_left3A_274 : vector<16xi32>
      %bitcast3A_276 = vector.bitcast %shift_left3A_275 : vector<16xi32> to vector<16xf32>
      %and3A_277 = arith.andi %gather3A_272, %broadcast_in_dim3A_52 : vector<16xi32>
      %bitcast3A_278 = vector.bitcast %and3A_277 : vector<16xi32> to vector<16xf32>
      %add3A_279 = arith.addf %add3A_259, %bitcast3A_276 : vector<16xf32>
      %add3A_280 = arith.addf %add3A_260, %bitcast3A_278 : vector<16xf32>
      %convert_element_type3A_281 = arith.sitofp %gather3A_267 : vector<16xi32> to vector<16xf32>
      %add3A_282 = arith.addf %add3A_262, %convert_element_type3A_281 : vector<16xf32>
      %scan3A_283 = arith.constant 4 : i32
      %scan3A_284 = arith.addi %scan3A_206, %scan3A_283 : i32
      %broadcast_in_dim3A_285 = vector.broadcast %scan3A_284 : i32 to vector<16xi32>
      %gather3A_286 = tpu.vector_load_idx %arg7[%add3A_73, %broadcast_in_dim3A_285] : memref<128x200xi32, #tpu.memory_space<vmem>>[vector<16xi32>, vector<16xi32>], vector<16xi32>,
      %gather3A_287 = tpu.vector_load_idx %arg8[%add3A_73, %broadcast_in_dim3A_285] : memref<128x200xi32, #tpu.memory_space<vmem>>[vector<16xi32>, vector<16xi32>], vector<16xi32>,
      %ne3A_288 = arith.constant 0 : i32
      %ne3A_289 = vector.broadcast %ne3A_288 : i32 to vector<16xi32>
      %ne3A_290 = arith.cmpi ne, %gather3A_287, %ne3A_289 : vector<16xi32>
      %select_n3A_291 = arith.select %ne3A_290, %gather3A_286, %broadcast_in_dim3A_50 : vector<16xi1>, vector<16xi32>
      %gather3A_292 = tpu.vector_load_idx %arg6[%select_n3A_291] : memref<30536xi32, #tpu.memory_space<vmem>>[vector<16xi32>], vector<16xi32>,
      %shift_left3A_293 = arith.constant 16 : i32
      %shift_left3A_294 = vector.broadcast %shift_left3A_293 : i32 to vector<16xi32>
      %shift_left3A_295 = arith.shli %gather3A_292, %shift_left3A_294 : vector<16xi32>
      %bitcast3A_296 = vector.bitcast %shift_left3A_295 : vector<16xi32> to vector<16xf32>
      %and3A_297 = arith.andi %gather3A_292, %broadcast_in_dim3A_52 : vector<16xi32>
      %bitcast3A_298 = vector.bitcast %and3A_297 : vector<16xi32> to vector<16xf32>
      %add3A_299 = arith.addf %add3A_279, %bitcast3A_296 : vector<16xf32>
      %add3A_300 = arith.addf %add3A_280, %bitcast3A_298 : vector<16xf32>
      %convert_element_type3A_301 = arith.sitofp %gather3A_287 : vector<16xi32> to vector<16xf32>
      %add3A_302 = arith.addf %add3A_282, %convert_element_type3A_301 : vector<16xf32>
      %scan3A_303 = arith.constant 5 : i32
      %scan3A_304 = arith.addi %scan3A_206, %scan3A_303 : i32
      %broadcast_in_dim3A_305 = vector.broadcast %scan3A_304 : i32 to vector<16xi32>
      %gather3A_306 = tpu.vector_load_idx %arg7[%add3A_73, %broadcast_in_dim3A_305] : memref<128x200xi32, #tpu.memory_space<vmem>>[vector<16xi32>, vector<16xi32>], vector<16xi32>,
      %gather3A_307 = tpu.vector_load_idx %arg8[%add3A_73, %broadcast_in_dim3A_305] : memref<128x200xi32, #tpu.memory_space<vmem>>[vector<16xi32>, vector<16xi32>], vector<16xi32>,
      %ne3A_308 = arith.constant 0 : i32
      %ne3A_309 = vector.broadcast %ne3A_308 : i32 to vector<16xi32>
      %ne3A_310 = arith.cmpi ne, %gather3A_307, %ne3A_309 : vector<16xi32>
      %select_n3A_311 = arith.select %ne3A_310, %gather3A_306, %broadcast_in_dim3A_50 : vector<16xi1>, vector<16xi32>
      %gather3A_312 = tpu.vector_load_idx %arg6[%select_n3A_311] : memref<30536xi32, #tpu.memory_space<vmem>>[vector<16xi32>], vector<16xi32>,
      %shift_left3A_313 = arith.constant 16 : i32
      %shift_left3A_314 = vector.broadcast %shift_left3A_313 : i32 to vector<16xi32>
      %shift_left3A_315 = arith.shli %gather3A_312, %shift_left3A_314 : vector<16xi32>
      %bitcast3A_316 = vector.bitcast %shift_left3A_315 : vector<16xi32> to vector<16xf32>
      %and3A_317 = arith.andi %gather3A_312, %broadcast_in_dim3A_52 : vector<16xi32>
      %bitcast3A_318 = vector.bitcast %and3A_317 : vector<16xi32> to vector<16xf32>
      %add3A_319 = arith.addf %add3A_299, %bitcast3A_316 : vector<16xf32>
      %add3A_320 = arith.addf %add3A_300, %bitcast3A_318 : vector<16xf32>
      %convert_element_type3A_321 = arith.sitofp %gather3A_307 : vector<16xi32> to vector<16xf32>
      %add3A_322 = arith.addf %add3A_302, %convert_element_type3A_321 : vector<16xf32>
      %scan3A_323 = arith.constant 6 : i32
      %scan3A_324 = arith.addi %scan3A_206, %scan3A_323 : i32
      %broadcast_in_dim3A_325 = vector.broadcast %scan3A_324 : i32 to vector<16xi32>
      %gather3A_326 = tpu.vector_load_idx %arg7[%add3A_73, %broadcast_in_dim3A_325] : memref<128x200xi32, #tpu.memory_space<vmem>>[vector<16xi32>, vector<16xi32>], vector<16xi32>,
      %gather3A_327 = tpu.vector_load_idx %arg8[%add3A_73, %broadcast_in_dim3A_325] : memref<128x200xi32, #tpu.memory_space<vmem>>[vector<16xi32>, vector<16xi32>], vector<16xi32>,
      %ne3A_328 = arith.constant 0 : i32
      %ne3A_329 = vector.broadcast %ne3A_328 : i32 to vector<16xi32>
      %ne3A_330 = arith.cmpi ne, %gather3A_327, %ne3A_329 : vector<16xi32>
      %select_n3A_331 = arith.select %ne3A_330, %gather3A_326, %broadcast_in_dim3A_50 : vector<16xi1>, vector<16xi32>
      %gather3A_332 = tpu.vector_load_idx %arg6[%select_n3A_331] : memref<30536xi32, #tpu.memory_space<vmem>>[vector<16xi32>], vector<16xi32>,
      %shift_left3A_333 = arith.constant 16 : i32
      %shift_left3A_334 = vector.broadcast %shift_left3A_333 : i32 to vector<16xi32>
      %shift_left3A_335 = arith.shli %gather3A_332, %shift_left3A_334 : vector<16xi32>
      %bitcast3A_336 = vector.bitcast %shift_left3A_335 : vector<16xi32> to vector<16xf32>
      %and3A_337 = arith.andi %gather3A_332, %broadcast_in_dim3A_52 : vector<16xi32>
      %bitcast3A_338 = vector.bitcast %and3A_337 : vector<16xi32> to vector<16xf32>
      %add3A_339 = arith.addf %add3A_319, %bitcast3A_336 : vector<16xf32>
      %add3A_340 = arith.addf %add3A_320, %bitcast3A_338 : vector<16xf32>
      %convert_element_type3A_341 = arith.sitofp %gather3A_327 : vector<16xi32> to vector<16xf32>
      %add3A_342 = arith.addf %add3A_322, %convert_element_type3A_341 : vector<16xf32>
      %scan3A_343 = arith.constant 7 : i32
      %scan3A_344 = arith.addi %scan3A_206, %scan3A_343 : i32
      %broadcast_in_dim3A_345 = vector.broadcast %scan3A_344 : i32 to vector<16xi32>
      %gather3A_346 = tpu.vector_load_idx %arg7[%add3A_73, %broadcast_in_dim3A_345] : memref<128x200xi32, #tpu.memory_space<vmem>>[vector<16xi32>, vector<16xi32>], vector<16xi32>,
      %gather3A_347 = tpu.vector_load_idx %arg8[%add3A_73, %broadcast_in_dim3A_345] : memref<128x200xi32, #tpu.memory_space<vmem>>[vector<16xi32>, vector<16xi32>], vector<16xi32>,
      %ne3A_348 = arith.constant 0 : i32
      %ne3A_349 = vector.broadcast %ne3A_348 : i32 to vector<16xi32>
      %ne3A_350 = arith.cmpi ne, %gather3A_347, %ne3A_349 : vector<16xi32>
      %select_n3A_351 = arith.select %ne3A_350, %gather3A_346, %broadcast_in_dim3A_50 : vector<16xi1>, vector<16xi32>
      %gather3A_352 = tpu.vector_load_idx %arg6[%select_n3A_351] : memref<30536xi32, #tpu.memory_space<vmem>>[vector<16xi32>], vector<16xi32>,
      %shift_left3A_353 = arith.constant 16 : i32
      %shift_left3A_354 = vector.broadcast %shift_left3A_353 : i32 to vector<16xi32>
      %shift_left3A_355 = arith.shli %gather3A_352, %shift_left3A_354 : vector<16xi32>
      %bitcast3A_356 = vector.bitcast %shift_left3A_355 : vector<16xi32> to vector<16xf32>
      %and3A_357 = arith.andi %gather3A_352, %broadcast_in_dim3A_52 : vector<16xi32>
      %bitcast3A_358 = vector.bitcast %and3A_357 : vector<16xi32> to vector<16xf32>
      %add3A_359 = arith.addf %add3A_339, %bitcast3A_356 : vector<16xf32>
      %add3A_360 = arith.addf %add3A_340, %bitcast3A_358 : vector<16xf32>
      %convert_element_type3A_361 = arith.sitofp %gather3A_347 : vector<16xi32> to vector<16xf32>
      %add3A_362 = arith.addf %add3A_342, %convert_element_type3A_361 : vector<16xf32>
      scf.yield %add3A_359, %add3A_360, %add3A_362 : vector<16xf32>, vector<16xf32>, vector<16xf32>
    }
    %scan3A_191 = arith.constant 200 : i32
    %div3A_192 = arith.divf %scan3A_190#0, %scan3A_190#2 : vector<16xf32>
    %add3A_193 = arith.addf %div3A_192, %bitcast3A : vector<16xf32>
    tpu.vector_store_idx %arg9[%add3A_73, %broadcast_in_dim3A_78], %add3A_193 : memref<128x2xf32, #tpu.memory_space<vmem>>[vector<16xi32>, vector<16xi32>], vector<16xf32>,
    %div3A_194 = arith.divf %scan3A_190#1, %scan3A_190#2 : vector<16xf32>
    %add3A_195 = arith.addf %div3A_194, %bitcast3A_107 : vector<16xf32>
    tpu.vector_store_idx %arg9[%add3A_73, %broadcast_in_dim3A_80], %add3A_195 : memref<128x2xf32, #tpu.memory_space<vmem>>[vector<16xi32>, vector<16xi32>], vector<16xf32>,
    %scan3A_196 = arith.constant 0 : i32
    %scan3A_197 = arith.constant 200 : i32
    %scan3A_198 = arith.addi %scan3A_196, %scan3A_197 : i32
    %scan3A_199 = arith.constant 8 : i32
    %scan3A_200:3 = scf.for %scan3A_206 = %scan3A_196 to %scan3A_198 step %scan3A_199 iter_args(%scan3A_207 = %broadcast_in_dim3A_82, %scan3A_208 = %broadcast_in_dim3A_82, %scan3A_209 = %broadcast_in_dim3A_82) -> (vector<16xf32>, vector<16xf32>, vector<16xf32>)  : i32 {
      %broadcast_in_dim3A_210 = vector.broadcast %scan3A_206 : i32 to vector<16xi32>
      %gather3A_211 = tpu.vector_load_idx %arg7[%add3A_76, %broadcast_in_dim3A_210] : memref<128x200xi32, #tpu.memory_space<vmem>>[vector<16xi32>, vector<16xi32>], vector<16xi32>,
      %gather3A_212 = tpu.vector_load_idx %arg8[%add3A_76, %broadcast_in_dim3A_210] : memref<128x200xi32, #tpu.memory_space<vmem>>[vector<16xi32>, vector<16xi32>], vector<16xi32>,
      %ne3A = arith.constant 0 : i32
      %ne3A_213 = vector.broadcast %ne3A : i32 to vector<16xi32>
      %ne3A_214 = arith.cmpi ne, %gather3A_212, %ne3A_213 : vector<16xi32>
      %select_n3A = arith.select %ne3A_214, %gather3A_211, %broadcast_in_dim3A_50 : vector<16xi1>, vector<16xi32>
      %gather3A_215 = tpu.vector_load_idx %arg6[%select_n3A] : memref<30536xi32, #tpu.memory_space<vmem>>[vector<16xi32>], vector<16xi32>,
      %shift_left3A = arith.constant 16 : i32
      %shift_left3A_216 = vector.broadcast %shift_left3A : i32 to vector<16xi32>
      %shift_left3A_217 = arith.shli %gather3A_215, %shift_left3A_216 : vector<16xi32>
      %bitcast3A_218 = vector.bitcast %shift_left3A_217 : vector<16xi32> to vector<16xf32>
      %and3A = arith.andi %gather3A_215, %broadcast_in_dim3A_52 : vector<16xi32>
      %bitcast3A_219 = vector.bitcast %and3A : vector<16xi32> to vector<16xf32>
      %add3A_220 = arith.addf %scan3A_207, %bitcast3A_218 : vector<16xf32>
      %add3A_221 = arith.addf %scan3A_208, %bitcast3A_219 : vector<16xf32>
      %convert_element_type3A = arith.sitofp %gather3A_212 : vector<16xi32> to vector<16xf32>
      %add3A_222 = arith.addf %scan3A_209, %convert_element_type3A : vector<16xf32>
      %scan3A_223 = arith.constant 1 : i32
      %scan3A_224 = arith.addi %scan3A_206, %scan3A_223 : i32
      %broadcast_in_dim3A_225 = vector.broadcast %scan3A_224 : i32 to vector<16xi32>
      %gather3A_226 = tpu.vector_load_idx %arg7[%add3A_76, %broadcast_in_dim3A_225] : memref<128x200xi32, #tpu.memory_space<vmem>>[vector<16xi32>, vector<16xi32>], vector<16xi32>,
      %gather3A_227 = tpu.vector_load_idx %arg8[%add3A_76, %broadcast_in_dim3A_225] : memref<128x200xi32, #tpu.memory_space<vmem>>[vector<16xi32>, vector<16xi32>], vector<16xi32>,
      %ne3A_228 = arith.constant 0 : i32
      %ne3A_229 = vector.broadcast %ne3A_228 : i32 to vector<16xi32>
      %ne3A_230 = arith.cmpi ne, %gather3A_227, %ne3A_229 : vector<16xi32>
      %select_n3A_231 = arith.select %ne3A_230, %gather3A_226, %broadcast_in_dim3A_50 : vector<16xi1>, vector<16xi32>
      %gather3A_232 = tpu.vector_load_idx %arg6[%select_n3A_231] : memref<30536xi32, #tpu.memory_space<vmem>>[vector<16xi32>], vector<16xi32>,
      %shift_left3A_233 = arith.constant 16 : i32
      %shift_left3A_234 = vector.broadcast %shift_left3A_233 : i32 to vector<16xi32>
      %shift_left3A_235 = arith.shli %gather3A_232, %shift_left3A_234 : vector<16xi32>
      %bitcast3A_236 = vector.bitcast %shift_left3A_235 : vector<16xi32> to vector<16xf32>
      %and3A_237 = arith.andi %gather3A_232, %broadcast_in_dim3A_52 : vector<16xi32>
      %bitcast3A_238 = vector.bitcast %and3A_237 : vector<16xi32> to vector<16xf32>
      %add3A_239 = arith.addf %add3A_220, %bitcast3A_236 : vector<16xf32>
      %add3A_240 = arith.addf %add3A_221, %bitcast3A_238 : vector<16xf32>
      %convert_element_type3A_241 = arith.sitofp %gather3A_227 : vector<16xi32> to vector<16xf32>
      %add3A_242 = arith.addf %add3A_222, %convert_element_type3A_241 : vector<16xf32>
      %scan3A_243 = arith.constant 2 : i32
      %scan3A_244 = arith.addi %scan3A_206, %scan3A_243 : i32
      %broadcast_in_dim3A_245 = vector.broadcast %scan3A_244 : i32 to vector<16xi32>
      %gather3A_246 = tpu.vector_load_idx %arg7[%add3A_76, %broadcast_in_dim3A_245] : memref<128x200xi32, #tpu.memory_space<vmem>>[vector<16xi32>, vector<16xi32>], vector<16xi32>,
      %gather3A_247 = tpu.vector_load_idx %arg8[%add3A_76, %broadcast_in_dim3A_245] : memref<128x200xi32, #tpu.memory_space<vmem>>[vector<16xi32>, vector<16xi32>], vector<16xi32>,
      %ne3A_248 = arith.constant 0 : i32
      %ne3A_249 = vector.broadcast %ne3A_248 : i32 to vector<16xi32>
      %ne3A_250 = arith.cmpi ne, %gather3A_247, %ne3A_249 : vector<16xi32>
      %select_n3A_251 = arith.select %ne3A_250, %gather3A_246, %broadcast_in_dim3A_50 : vector<16xi1>, vector<16xi32>
      %gather3A_252 = tpu.vector_load_idx %arg6[%select_n3A_251] : memref<30536xi32, #tpu.memory_space<vmem>>[vector<16xi32>], vector<16xi32>,
      %shift_left3A_253 = arith.constant 16 : i32
      %shift_left3A_254 = vector.broadcast %shift_left3A_253 : i32 to vector<16xi32>
      %shift_left3A_255 = arith.shli %gather3A_252, %shift_left3A_254 : vector<16xi32>
      %bitcast3A_256 = vector.bitcast %shift_left3A_255 : vector<16xi32> to vector<16xf32>
      %and3A_257 = arith.andi %gather3A_252, %broadcast_in_dim3A_52 : vector<16xi32>
      %bitcast3A_258 = vector.bitcast %and3A_257 : vector<16xi32> to vector<16xf32>
      %add3A_259 = arith.addf %add3A_239, %bitcast3A_256 : vector<16xf32>
      %add3A_260 = arith.addf %add3A_240, %bitcast3A_258 : vector<16xf32>
      %convert_element_type3A_261 = arith.sitofp %gather3A_247 : vector<16xi32> to vector<16xf32>
      %add3A_262 = arith.addf %add3A_242, %convert_element_type3A_261 : vector<16xf32>
      %scan3A_263 = arith.constant 3 : i32
      %scan3A_264 = arith.addi %scan3A_206, %scan3A_263 : i32
      %broadcast_in_dim3A_265 = vector.broadcast %scan3A_264 : i32 to vector<16xi32>
      %gather3A_266 = tpu.vector_load_idx %arg7[%add3A_76, %broadcast_in_dim3A_265] : memref<128x200xi32, #tpu.memory_space<vmem>>[vector<16xi32>, vector<16xi32>], vector<16xi32>,
      %gather3A_267 = tpu.vector_load_idx %arg8[%add3A_76, %broadcast_in_dim3A_265] : memref<128x200xi32, #tpu.memory_space<vmem>>[vector<16xi32>, vector<16xi32>], vector<16xi32>,
      %ne3A_268 = arith.constant 0 : i32
      %ne3A_269 = vector.broadcast %ne3A_268 : i32 to vector<16xi32>
      %ne3A_270 = arith.cmpi ne, %gather3A_267, %ne3A_269 : vector<16xi32>
      %select_n3A_271 = arith.select %ne3A_270, %gather3A_266, %broadcast_in_dim3A_50 : vector<16xi1>, vector<16xi32>
      %gather3A_272 = tpu.vector_load_idx %arg6[%select_n3A_271] : memref<30536xi32, #tpu.memory_space<vmem>>[vector<16xi32>], vector<16xi32>,
      %shift_left3A_273 = arith.constant 16 : i32
      %shift_left3A_274 = vector.broadcast %shift_left3A_273 : i32 to vector<16xi32>
      %shift_left3A_275 = arith.shli %gather3A_272, %shift_left3A_274 : vector<16xi32>
      %bitcast3A_276 = vector.bitcast %shift_left3A_275 : vector<16xi32> to vector<16xf32>
      %and3A_277 = arith.andi %gather3A_272, %broadcast_in_dim3A_52 : vector<16xi32>
      %bitcast3A_278 = vector.bitcast %and3A_277 : vector<16xi32> to vector<16xf32>
      %add3A_279 = arith.addf %add3A_259, %bitcast3A_276 : vector<16xf32>
      %add3A_280 = arith.addf %add3A_260, %bitcast3A_278 : vector<16xf32>
      %convert_element_type3A_281 = arith.sitofp %gather3A_267 : vector<16xi32> to vector<16xf32>
      %add3A_282 = arith.addf %add3A_262, %convert_element_type3A_281 : vector<16xf32>
      %scan3A_283 = arith.constant 4 : i32
      %scan3A_284 = arith.addi %scan3A_206, %scan3A_283 : i32
      %broadcast_in_dim3A_285 = vector.broadcast %scan3A_284 : i32 to vector<16xi32>
      %gather3A_286 = tpu.vector_load_idx %arg7[%add3A_76, %broadcast_in_dim3A_285] : memref<128x200xi32, #tpu.memory_space<vmem>>[vector<16xi32>, vector<16xi32>], vector<16xi32>,
      %gather3A_287 = tpu.vector_load_idx %arg8[%add3A_76, %broadcast_in_dim3A_285] : memref<128x200xi32, #tpu.memory_space<vmem>>[vector<16xi32>, vector<16xi32>], vector<16xi32>,
      %ne3A_288 = arith.constant 0 : i32
      %ne3A_289 = vector.broadcast %ne3A_288 : i32 to vector<16xi32>
      %ne3A_290 = arith.cmpi ne, %gather3A_287, %ne3A_289 : vector<16xi32>
      %select_n3A_291 = arith.select %ne3A_290, %gather3A_286, %broadcast_in_dim3A_50 : vector<16xi1>, vector<16xi32>
      %gather3A_292 = tpu.vector_load_idx %arg6[%select_n3A_291] : memref<30536xi32, #tpu.memory_space<vmem>>[vector<16xi32>], vector<16xi32>,
      %shift_left3A_293 = arith.constant 16 : i32
      %shift_left3A_294 = vector.broadcast %shift_left3A_293 : i32 to vector<16xi32>
      %shift_left3A_295 = arith.shli %gather3A_292, %shift_left3A_294 : vector<16xi32>
      %bitcast3A_296 = vector.bitcast %shift_left3A_295 : vector<16xi32> to vector<16xf32>
      %and3A_297 = arith.andi %gather3A_292, %broadcast_in_dim3A_52 : vector<16xi32>
      %bitcast3A_298 = vector.bitcast %and3A_297 : vector<16xi32> to vector<16xf32>
      %add3A_299 = arith.addf %add3A_279, %bitcast3A_296 : vector<16xf32>
      %add3A_300 = arith.addf %add3A_280, %bitcast3A_298 : vector<16xf32>
      %convert_element_type3A_301 = arith.sitofp %gather3A_287 : vector<16xi32> to vector<16xf32>
      %add3A_302 = arith.addf %add3A_282, %convert_element_type3A_301 : vector<16xf32>
      %scan3A_303 = arith.constant 5 : i32
      %scan3A_304 = arith.addi %scan3A_206, %scan3A_303 : i32
      %broadcast_in_dim3A_305 = vector.broadcast %scan3A_304 : i32 to vector<16xi32>
      %gather3A_306 = tpu.vector_load_idx %arg7[%add3A_76, %broadcast_in_dim3A_305] : memref<128x200xi32, #tpu.memory_space<vmem>>[vector<16xi32>, vector<16xi32>], vector<16xi32>,
      %gather3A_307 = tpu.vector_load_idx %arg8[%add3A_76, %broadcast_in_dim3A_305] : memref<128x200xi32, #tpu.memory_space<vmem>>[vector<16xi32>, vector<16xi32>], vector<16xi32>,
      %ne3A_308 = arith.constant 0 : i32
      %ne3A_309 = vector.broadcast %ne3A_308 : i32 to vector<16xi32>
      %ne3A_310 = arith.cmpi ne, %gather3A_307, %ne3A_309 : vector<16xi32>
      %select_n3A_311 = arith.select %ne3A_310, %gather3A_306, %broadcast_in_dim3A_50 : vector<16xi1>, vector<16xi32>
      %gather3A_312 = tpu.vector_load_idx %arg6[%select_n3A_311] : memref<30536xi32, #tpu.memory_space<vmem>>[vector<16xi32>], vector<16xi32>,
      %shift_left3A_313 = arith.constant 16 : i32
      %shift_left3A_314 = vector.broadcast %shift_left3A_313 : i32 to vector<16xi32>
      %shift_left3A_315 = arith.shli %gather3A_312, %shift_left3A_314 : vector<16xi32>
      %bitcast3A_316 = vector.bitcast %shift_left3A_315 : vector<16xi32> to vector<16xf32>
      %and3A_317 = arith.andi %gather3A_312, %broadcast_in_dim3A_52 : vector<16xi32>
      %bitcast3A_318 = vector.bitcast %and3A_317 : vector<16xi32> to vector<16xf32>
      %add3A_319 = arith.addf %add3A_299, %bitcast3A_316 : vector<16xf32>
      %add3A_320 = arith.addf %add3A_300, %bitcast3A_318 : vector<16xf32>
      %convert_element_type3A_321 = arith.sitofp %gather3A_307 : vector<16xi32> to vector<16xf32>
      %add3A_322 = arith.addf %add3A_302, %convert_element_type3A_321 : vector<16xf32>
      %scan3A_323 = arith.constant 6 : i32
      %scan3A_324 = arith.addi %scan3A_206, %scan3A_323 : i32
      %broadcast_in_dim3A_325 = vector.broadcast %scan3A_324 : i32 to vector<16xi32>
      %gather3A_326 = tpu.vector_load_idx %arg7[%add3A_76, %broadcast_in_dim3A_325] : memref<128x200xi32, #tpu.memory_space<vmem>>[vector<16xi32>, vector<16xi32>], vector<16xi32>,
      %gather3A_327 = tpu.vector_load_idx %arg8[%add3A_76, %broadcast_in_dim3A_325] : memref<128x200xi32, #tpu.memory_space<vmem>>[vector<16xi32>, vector<16xi32>], vector<16xi32>,
      %ne3A_328 = arith.constant 0 : i32
      %ne3A_329 = vector.broadcast %ne3A_328 : i32 to vector<16xi32>
      %ne3A_330 = arith.cmpi ne, %gather3A_327, %ne3A_329 : vector<16xi32>
      %select_n3A_331 = arith.select %ne3A_330, %gather3A_326, %broadcast_in_dim3A_50 : vector<16xi1>, vector<16xi32>
      %gather3A_332 = tpu.vector_load_idx %arg6[%select_n3A_331] : memref<30536xi32, #tpu.memory_space<vmem>>[vector<16xi32>], vector<16xi32>,
      %shift_left3A_333 = arith.constant 16 : i32
      %shift_left3A_334 = vector.broadcast %shift_left3A_333 : i32 to vector<16xi32>
      %shift_left3A_335 = arith.shli %gather3A_332, %shift_left3A_334 : vector<16xi32>
      %bitcast3A_336 = vector.bitcast %shift_left3A_335 : vector<16xi32> to vector<16xf32>
      %and3A_337 = arith.andi %gather3A_332, %broadcast_in_dim3A_52 : vector<16xi32>
      %bitcast3A_338 = vector.bitcast %and3A_337 : vector<16xi32> to vector<16xf32>
      %add3A_339 = arith.addf %add3A_319, %bitcast3A_336 : vector<16xf32>
      %add3A_340 = arith.addf %add3A_320, %bitcast3A_338 : vector<16xf32>
      %convert_element_type3A_341 = arith.sitofp %gather3A_327 : vector<16xi32> to vector<16xf32>
      %add3A_342 = arith.addf %add3A_322, %convert_element_type3A_341 : vector<16xf32>
      %scan3A_343 = arith.constant 7 : i32
      %scan3A_344 = arith.addi %scan3A_206, %scan3A_343 : i32
      %broadcast_in_dim3A_345 = vector.broadcast %scan3A_344 : i32 to vector<16xi32>
      %gather3A_346 = tpu.vector_load_idx %arg7[%add3A_76, %broadcast_in_dim3A_345] : memref<128x200xi32, #tpu.memory_space<vmem>>[vector<16xi32>, vector<16xi32>], vector<16xi32>,
      %gather3A_347 = tpu.vector_load_idx %arg8[%add3A_76, %broadcast_in_dim3A_345] : memref<128x200xi32, #tpu.memory_space<vmem>>[vector<16xi32>, vector<16xi32>], vector<16xi32>,
      %ne3A_348 = arith.constant 0 : i32
      %ne3A_349 = vector.broadcast %ne3A_348 : i32 to vector<16xi32>
      %ne3A_350 = arith.cmpi ne, %gather3A_347, %ne3A_349 : vector<16xi32>
      %select_n3A_351 = arith.select %ne3A_350, %gather3A_346, %broadcast_in_dim3A_50 : vector<16xi1>, vector<16xi32>
      %gather3A_352 = tpu.vector_load_idx %arg6[%select_n3A_351] : memref<30536xi32, #tpu.memory_space<vmem>>[vector<16xi32>], vector<16xi32>,
      %shift_left3A_353 = arith.constant 16 : i32
      %shift_left3A_354 = vector.broadcast %shift_left3A_353 : i32 to vector<16xi32>
      %shift_left3A_355 = arith.shli %gather3A_352, %shift_left3A_354 : vector<16xi32>
      %bitcast3A_356 = vector.bitcast %shift_left3A_355 : vector<16xi32> to vector<16xf32>
      %and3A_357 = arith.andi %gather3A_352, %broadcast_in_dim3A_52 : vector<16xi32>
      %bitcast3A_358 = vector.bitcast %and3A_357 : vector<16xi32> to vector<16xf32>
      %add3A_359 = arith.addf %add3A_339, %bitcast3A_356 : vector<16xf32>
      %add3A_360 = arith.addf %add3A_340, %bitcast3A_358 : vector<16xf32>
      %convert_element_type3A_361 = arith.sitofp %gather3A_347 : vector<16xi32> to vector<16xf32>
      %add3A_362 = arith.addf %add3A_342, %convert_element_type3A_361 : vector<16xf32>
      scf.yield %add3A_359, %add3A_360, %add3A_362 : vector<16xf32>, vector<16xf32>, vector<16xf32>
    }
    %scan3A_201 = arith.constant 200 : i32
    %div3A_202 = arith.divf %scan3A_200#0, %scan3A_200#2 : vector<16xf32>
    %add3A_203 = arith.addf %div3A_202, %bitcast3A : vector<16xf32>
    tpu.vector_store_idx %arg9[%add3A_76, %broadcast_in_dim3A_78], %add3A_203 : memref<128x2xf32, #tpu.memory_space<vmem>>[vector<16xi32>, vector<16xi32>], vector<16xf32>,
    %div3A_204 = arith.divf %scan3A_200#1, %scan3A_200#2 : vector<16xf32>
    %add3A_205 = arith.addf %div3A_204, %bitcast3A_107 : vector<16xf32>
    tpu.vector_store_idx %arg9[%add3A_76, %broadcast_in_dim3A_80], %add3A_205 : memref<128x2xf32, #tpu.memory_space<vmem>>[vector<16xi32>, vector<16xi32>], vector<16xf32>,
    "tpu.region"() ({
      %run_scoped3A = tpu.sem_alloc : memref<!tpu.dma_semaphore, #tpu.memory_space<semaphore_mem>>
      %dma_start3A_206 = arith.constant 0 : i32
      %dma_start3A_207 = tpu.memref_slice %arg5[%mul3A_2, %dma_start3A_206] : memref<4096x2xf32, #tpu.memory_space<hbm>> -> memref<128x2xf32, #tpu.memory_space<hbm>>
      %dma_start3A_208 = arith.constant 0 : i32
      %dma_start3A_209 = tpu.memref_slice %arg5[%mul3A_2, %dma_start3A_208] : memref<4096x2xf32, #tpu.memory_space<hbm>> -> memref<128x2xf32, #tpu.memory_space<hbm>>
      tpu.enqueue_dma source(%arg9 : memref<128x2xf32, #tpu.memory_space<vmem>>) target(%dma_start3A_209 : memref<128x2xf32, #tpu.memory_space<hbm>>) target_semaphore(%run_scoped3A : memref<!tpu.dma_semaphore, #tpu.memory_space<semaphore_mem>>)
      %dma_wait3A_210 = arith.constant 0 : i32
      %dma_wait3A_211 = tpu.memref_slice %arg5[%mul3A_2, %dma_wait3A_210] : memref<4096x2xf32, #tpu.memory_space<hbm>> -> memref<128x2xf32, #tpu.memory_space<hbm>>
      %dma_wait3A_212 = arith.constant 0 : i32
      %dma_wait3A_213 = tpu.memref_slice %arg5[%mul3A_2, %dma_wait3A_212] : memref<4096x2xf32, #tpu.memory_space<hbm>> -> memref<128x2xf32, #tpu.memory_space<hbm>>
      tpu.wait_dma2 semaphore(%run_scoped3A : memref<!tpu.dma_semaphore, #tpu.memory_space<semaphore_mem>>) src(%arg9 : memref<128x2xf32, #tpu.memory_space<vmem>>) dst(%dma_wait3A_213 : memref<128x2xf32, #tpu.memory_space<hbm>>)
      tpu.yield
    }) : () -> ()
    return
  }
}

module attributes {stable_mosaic.version = 14 : i64} {
  func.func @_proj_body(%arg0: i32, %arg1: memref<768x2xf32, #tpu.memory_space<vmem>>, %arg2: memref<4096x768xf32, #tpu.memory_space<vmem>>, %arg3: memref<1x4096xi32, #tpu.memory_space<vmem>>) attributes {dimension_semantics = [#tpu.dimension_semantics<arbitrary>], iteration_bounds = array<i64: 8>, scalar_prefetch = 0 : i64, scratch_operands = 0 : i64, tpu.core_type = #tpu.core_type<tc>, window_params = [{pipeline_mode = #tpu.pipeline_mode<synchronous>, transform_indices = @transform_0, window_bounds = array<i64: 768, 2>}, {transform_indices = @transform_1, window_bounds = array<i64: 4096, 768>}, {transform_indices = @transform_2, window_bounds = array<i64: 1, 4096>}]} {
    %get3A = arith.constant 0 : index
    %get3A_0 = arith.constant 0 : index
    %get3A_1 = vector.load %arg1[%get3A, %get3A_0] : memref<768x2xf32, #tpu.memory_space<vmem>>, vector<768x2xf32>
    %get3A_2 = arith.constant 0 : index
    %get3A_3 = arith.constant 0 : index
    %get3A_4 = vector.load %arg2[%get3A_2, %get3A_3] : memref<4096x768xf32, #tpu.memory_space<vmem>>, vector<4096x768xf32>
    %dot_general3A = arith.constant dense<0.000000e+00> : vector<2x4096xf32>
    %dot_general3A_5 = tpu.matmul %get3A_1, %get3A_4, %dot_general3A {dimension_numbers = #tpu.dot_dimension_numbers<[0], [1], [1], [0], [0, 1, 1, 0], [], []>, transpose_lhs_hint = false} : vector<768x2xf32>, vector<4096x768xf32>, vector<2x4096xf32> -> vector<2x4096xf32>
    %slice3A = vector.extract_strided_slice %dot_general3A_5 {offsets = [0, 0], sizes = [1, 4096], strides = [1, 1]} : vector<2x4096xf32> to vector<1x4096xf32>
    %bitcast_convert_type3A = tpu.bitcast %slice3A : vector<1x4096xf32> -> vector<1x4096xi32>
    %add3A = arith.constant 32767 : i32
    %add3A_6 = vector.broadcast %add3A : i32 to vector<1x4096xi32>
    %add3A_7 = arith.addi %bitcast_convert_type3A, %add3A_6 : vector<1x4096xi32>
    %shift_right_logical3A = arith.constant 16 : i32
    %shift_right_logical3A_8 = vector.broadcast %shift_right_logical3A : i32 to vector<1x4096xi32>
    %shift_right_logical3A_9 = arith.shrui %bitcast_convert_type3A, %shift_right_logical3A_8 : vector<1x4096xi32>
    %and3A = arith.constant 1 : i32
    %and3A_10 = vector.broadcast %and3A : i32 to vector<1x4096xi32>
    %and3A_11 = arith.andi %shift_right_logical3A_9, %and3A_10 : vector<1x4096xi32>
    %add3A_12 = arith.addi %add3A_7, %and3A_11 : vector<1x4096xi32>
    %shift_right_logical3A_13 = arith.constant 16 : i32
    %shift_right_logical3A_14 = vector.broadcast %shift_right_logical3A_13 : i32 to vector<1x4096xi32>
    %shift_right_logical3A_15 = arith.shrui %add3A_12, %shift_right_logical3A_14 : vector<1x4096xi32>
    %slice3A_16 = vector.extract_strided_slice %dot_general3A_5 {offsets = [1, 0], sizes = [1, 4096], strides = [1, 1]} : vector<2x4096xf32> to vector<1x4096xf32>
    %bitcast_convert_type3A_17 = tpu.bitcast %slice3A_16 : vector<1x4096xf32> -> vector<1x4096xi32>
    %add3A_18 = arith.constant 32767 : i32
    %add3A_19 = vector.broadcast %add3A_18 : i32 to vector<1x4096xi32>
    %add3A_20 = arith.addi %bitcast_convert_type3A_17, %add3A_19 : vector<1x4096xi32>
    %shift_right_logical3A_21 = arith.constant 16 : i32
    %shift_right_logical3A_22 = vector.broadcast %shift_right_logical3A_21 : i32 to vector<1x4096xi32>
    %shift_right_logical3A_23 = arith.shrui %bitcast_convert_type3A_17, %shift_right_logical3A_22 : vector<1x4096xi32>
    %and3A_24 = arith.constant 1 : i32
    %and3A_25 = vector.broadcast %and3A_24 : i32 to vector<1x4096xi32>
    %and3A_26 = arith.andi %shift_right_logical3A_23, %and3A_25 : vector<1x4096xi32>
    %add3A_27 = arith.addi %add3A_20, %and3A_26 : vector<1x4096xi32>
    %shift_right_logical3A_28 = arith.constant 16 : i32
    %shift_right_logical3A_29 = vector.broadcast %shift_right_logical3A_28 : i32 to vector<1x4096xi32>
    %shift_right_logical3A_30 = arith.shrui %add3A_27, %shift_right_logical3A_29 : vector<1x4096xi32>
    %shift_left3A = arith.constant 16 : i32
    %shift_left3A_31 = vector.broadcast %shift_left3A : i32 to vector<1x4096xi32>
    %shift_left3A_32 = arith.shli %shift_right_logical3A_30, %shift_left3A_31 : vector<1x4096xi32>
    %or3A = arith.ori %shift_right_logical3A_15, %shift_left3A_32 : vector<1x4096xi32>
    %swap3A = arith.constant 0 : index
    %swap3A_33 = arith.constant 0 : index
    %swap3A_34 = vector.load %arg3[%swap3A, %swap3A_33] : memref<1x4096xi32, #tpu.memory_space<vmem>>, vector<1x4096xi32>
    tpu.vector_store %arg3[%swap3A, %swap3A_33], %or3A {strides = array<i32>} : memref<1x4096xi32, #tpu.memory_space<vmem>>, vector<1x4096xi32>,
    return
  }
  func.func @transform_0(%arg0: i32) -> (i32, i32) {
    %c0_i32 = arith.constant 0 : i32
    %c0_i32_0 = arith.constant 0 : i32
    %c0_i32_1 = arith.constant 0 : i32
    return %c0_i32, %c0_i32_0 : i32, i32
  }
  func.func @transform_1(%arg0: i32) -> (i32, i32) {
    %c0_i32 = arith.constant 0 : i32
    %c0_i32_0 = arith.constant 0 : i32
    return %arg0, %c0_i32 : i32, i32
  }
  func.func @transform_2(%arg0: i32) -> (i32, i32) {
    %c0_i32 = arith.constant 0 : i32
    %c0_i32_0 = arith.constant 0 : i32
    return %c0_i32, %arg0 : i32, i32
  }
}

</mosaic_0001>

<sc_bundles>
// kernel: kernel.4.cloned.1.call-start
scs
__scs_entry_jumppad:
0x0: {  	(pc) =	sbr.rel $0x88, $3  }
0x1: {  	(tag) =	ssettag $0x0;
	lr =	simm.s32 $0x1  }
0x2: {  	[smem:$0x3F9C] =	sst lr;
	_ =	strace $0xD0000000  }
0x3: {  	_ = 	snop  }
0x4: {  	_ = 	snop  }
0x5: {  	_ = 	snop  }
0x6: {  	_ = 	snop  }
0x7: {  	_ = 	snop  }
__scs_overlays_trampoline_lowered:
0x8: {  	[smem:$0x3FAB] =	sst s0  }
0x9: {  	[smem:$0x3FAC] =	sst s1  }
0xa: {  	[smem:$0x3FAD] =	sst s2  }
0xb: {  	[smem:$0x3FAE] =	sst s3  }
0xc: {  	[smem:$0x3FAF] =	sst s4  }
0xd: {  	[smem:$0x3FB0] =	sst s5  }
0xe: {  	[smem:$0x3FB1] =	sst s6  }
0xf: {  	[smem:$0x3FB2] =	sst s7  }
0x10: {  	[smem:$0x3FB3] =	sst s8  }
0x11: {  	[smem:$0x3FB4] =	sst s9;
	s0 =	simm.s32 @!p0 $0x0  }
0x12: {  	s1 =	sld [smem:$0x3F9A];
	s0 =	simm.s32 @p0 $0x1  }
0x13: {  	[smem:$0x3FB5] =	sst s0;
	s0 =	simm.s32 @!p1 $0x0  }
0x14: {  	s2 =	sld [smem:$0x3F99];
	s0 =	simm.s32 @p1 $0x1  }
0x15: {  	[smem:$0x3FB6] =	sst s0;
	s0 =	simm.s32 @!p2 $0x0  }
0x16: {  	s3 =	sld [smem:$0x3FDB];
	s0 =	simm.s32 @p2 $0x1  }
0x17: {  	s4 =	simm.s32 $0x1BF5;
	[smem:$0x3FB8] =	sst s0  }
0x18: {  	s0 =	sld [smem:$0x3F9B];
	_ =	swait.ge [sflag:s4], $0x0  }
0x19: {  	s7 =	sld [smem:$0x3F9C]  }
0x1a: {  	s8 =	sadd.s32 $0xFFFFE003, lr  }
0x1b: {  	s9 =	sadd.s32 $0xFFFFFEF7, lr;
	s5 =	simm.s32 $0xFFFFFFFF;
	p2 =	slt.u32 s8, $0xFFFFF086  }
0x1c: {  	p1 =	slt.u32 s9, $0xF7A;
	s5 =	simm.s32 @!p2 $0x0  }
0x1d: {  	s5 =	simm.s32 @p1 $0x1;
	p0 =	seq.s32 s7, s2  }
0x1e: {  	s7 =	smul.u32 @!p0 $0xF7A, s2;
	p2 =	seq.s32 @!p0 s5, $0x0  }
0x1f: {  	s9 =	smul.u32 $0xF7A, s1;
	s8 =	simm.s32 @!p0 $0x1BF5;
	p2 =	por !p2, p0  }
0x20: {  	[sflag:s8] =	ssyncset.s32 @!p0 $0xFFFFF086;
	s6 =	sadd.s32 @!p0 s3, s7;
	s7 =	simm.s32 @!p0 $0x108  }
0x21: {  	s3 =	sadd.s32 s3, s9;
	s6 =	sadd.s32 @!p0 $0x88, s6;
	s7 =	simm.s32 @p2 $0x1082  }
0x22: {  	[simem:s7], [sflag:s8] =	dma.local @!p0 [hbm:s6], $0xF7A  }
0x23: {  	s9 =	sor.u32 $0xD0000000, s2;
	s6 =	simm.s32 $0x108;
	_ =	swait.ge @!p0 [sflag:s8], $0x0  }
0x24: {  	s3 =	sadd.s32 $0x88, s3;
	s6 =	simm.s32 @!p1 $0x1082;
	[sflag:s4] =	ssyncset.s32 $0xFFFFF086  }
0x25: {  	[simem:s6], [sflag:s4] =	dma.local [hbm:s3], $0xF7A  }
0x26: {  	[smem:$0x3F9C] =	sst s1;
	(tag) =	ssettag s2;
	_ =	strace s9  }
0x27: {  	s1 =	sld [smem:$0x3FAC]  }
0x28: {  	s2 =	sld [smem:$0x3FAD]  }
0x29: {  	s4 =	sld [smem:$0x3FAF]  }
0x2a: {  	p0 =	seq.s32 s5, $0x0;
	s5 =	sld [smem:$0x3FB0]  }
0x2b: {  	s6 =	sld [smem:$0x3FB1]  }
0x2c: {  	s7 =	sld [smem:$0x3FB2]  }
0x2d: {  	s3 =	simm.s32 $0x108;
	s8 =	sld [smem:$0x3FB3]  }
0x2e: {  	s3 =	simm.s32 @!p0 $0x1082;
	s9 =	sld [smem:$0x3FB4]  }
0x2f: {  	lr =	sadd.s32 s0, s3;
	s0 =	sld [smem:$0x3FAB]  }
0x30: {  	s3 =	sld [smem:$0x3FAE]  }
0x31: {  	[smem:$0x3FB7] =	sst s10  }
0x32: {  	s10 =	sld [smem:$0x3FB5];
	_ =	sdelay $0x3  }
0x33: {  	p0 =	seq.s32 s10, $0x1;
	s10 =	sld [smem:$0x3FB7];
	_ =	sdelay $0x3  }
0x34: {  	[smem:$0x3FB7] =	sst s10  }
0x35: {  	s10 =	sld [smem:$0x3FB6];
	_ =	sdelay $0x3  }
0x36: {  	p1 =	seq.s32 s10, $0x1;
	s10 =	sld [smem:$0x3FB7];
	_ =	sdelay $0x3  }
0x37: {  	[smem:$0x3FB7] =	sst s10  }
0x38: {  	s10 =	sld [smem:$0x3FB8]  }
0x39: {  	_ = 	snop;
	(pc) =	sbr.ind lr, $3  }
0x3a: {  	_ = 	snop  }
0x3b: {  	_ = 	snop  }
0x3c: {  	p2 =	seq.s32 s10, $0x1;
	s10 =	sld [smem:$0x3FB7]  }
0x3d: {  	_ =	shalt  }
0x3e: {  	_ =	shalt  }
0x3f: {  	_ =	shalt  }
0x40: {  	_ =	shalt  }
0x41: {  	_ =	shalt  }
0x42: {  	_ =	shalt  }
0x43: {  	_ =	shalt  }
0x44: {  	_ =	shalt  }
0x45: {  	_ =	shalt  }
0x46: {  	_ =	shalt  }
0x47: {  	_ =	shalt  }
0x48: {  	_ =	shalt  }
0x49: {  	_ =	shalt  }
0x4a: {  	_ =	shalt  }
0x4b: {  	_ =	shalt  }
0x4c: {  	_ =	shalt  }
0x4d: {  	_ =	shalt  }
0x4e: {  	_ =	shalt  }
0x4f: {  	_ =	shalt  }
0x50: {  	_ =	shalt  }
0x51: {  	_ =	shalt  }
0x52: {  	_ =	shalt  }
0x53: {  	_ =	shalt  }
0x54: {  	_ =	shalt  }
0x55: {  	_ =	shalt  }
0x56: {  	_ =	shalt  }
0x57: {  	_ =	shalt  }
0x58: {  	_ =	shalt  }
0x59: {  	_ =	shalt  }
0x5a: {  	_ =	shalt  }
0x5b: {  	_ =	shalt  }
0x5c: {  	_ =	shalt  }
0x5d: {  	_ =	shalt  }
0x5e: {  	_ =	shalt  }
0x5f: {  	_ =	shalt  }
0x60: {  	_ =	shalt  }
0x61: {  	_ =	shalt  }
0x62: {  	_ =	shalt  }
0x63: {  	_ =	shalt  }
0x64: {  	_ =	shalt  }
0x65: {  	_ =	shalt  }
0x66: {  	_ =	shalt  }
0x67: {  	_ =	shalt  }
0x68: {  	_ =	shalt  }
0x69: {  	_ =	shalt  }
0x6a: {  	_ =	shalt  }
0x6b: {  	_ =	shalt  }
0x6c: {  	_ =	shalt  }
0x6d: {  	_ =	shalt  }
0x6e: {  	_ =	shalt  }
0x6f: {  	_ =	shalt  }
0x70: {  	_ =	shalt  }
0x71: {  	_ =	shalt  }
0x72: {  	_ =	shalt  }
0x73: {  	_ =	shalt  }
0x74: {  	_ =	shalt  }
0x75: {  	_ =	shalt  }
0x76: {  	_ =	shalt  }
0x77: {  	_ =	shalt  }
0x78: {  	_ =	shalt  }
0x79: {  	_ =	shalt  }
0x7a: {  	_ =	shalt  }
0x7b: {  	_ =	shalt  }
0x7c: {  	_ =	shalt  }
0x7d: {  	_ =	shalt  }
0x7e: {  	_ =	shalt  }
0x7f: {  	_ =	shalt  }
0x80: {  	_ =	shalt  }
0x81: {  	_ =	shalt  }
0x82: {  	_ =	shalt  }
0x83: {  	_ =	shalt  }
0x84: {  	_ =	shalt  }
0x85: {  	_ =	shalt  }
0x86: {  	_ =	shalt  }
0x87: {  	_ =	shalt  }
.Lfunc_end0:
.L_simem_size_0:
called_computation_lowered:
.L_overlay_start_0:
0x88: {  	s2 =	sld [smem:$0x3FD9]  }
0x89: {  	s3 =	sld [smem:$0x3FFE];
	_ =	sdelay $0x1  }
0x8a: {  	s1 =	srdreg.scid  }
0x8b: {  	s0 =	sand.u32 $0x1, s1  }
0x8c: {  	s16 =	sshll.u32 s0, $0xA;
	s2 =	sadd.s32 s3, s2  }
0x8d: {  	s2 =	sadd.s32 s2, s16  }
0x8e: {  	[smem:$0x3FC3] =	sst s2  }
0x8f: {  	_ = 	snop  }
0x90: {  	(tm) =	ssettm $0x1  }
0x91: {  	s17 =	sld [smem:$0x3FFB];
	_ =	sdelay $0x3  }
0x92: {  	_ =	strace s17  }
0x93: {  	s2 =	sld [smem:$0x3FFC];
	_ =	sdelay $0x3  }
0x94: {  	_ =	strace s2  }
0x95: {  	s2 =	sld [smem:$0x3FFD];
	_ =	sdelay $0x3  }
0x96: {  	_ =	strace s2  }
0x97: {  	_ =	strace $0x8FFFFFFF  }
0x98: {  	s18 =	sld [smem:$0x3FDB];
	_ =	sdelay $0x1  }
0x99: {  	s19 =	simm.s32 $_scs_section_size  }
0x9a: {  	s4 =	simm.s32 $_size__tile_overlayer_lowered;
	s5 =	simm.s32 $_tile_overlayer_lowered  }
0x9b: {  	s22 =	simm.s32 $0x1BFF;
	s21 =	sshll.u32 s5, $0x1;
	s2 =	sadd.s32 s19, s18  }
0x9c: {  	s6 =	simm.s32 $0x0;
	s20 =	sshll.u32 s4, $0x1;
	s4 =	sadd.s32 s21, s2  }
0x9d: {  	[timem:s6], [sflag:s22] =	dma.local [hbm:s4], s20  }
0x9e: {  	_ =	swait.ge [sflag:s22], s20  }
0x9f: {  	s3 =	ssub.s32 $0x0, s20;
	[sflag:s22] =	ssyncset.done $0x0  }
0xa0: {  	[sflag:s22] =	ssyncadd.s32 s3;
	_ =	sdelay $0x1  }
0xa1: {  	s23 =	simm.s32 $0x1B8B  }
0xa2: {  	_ =	swait.ge [sflag:s23], $0x1  }
0xa3: {  	[sflag:s23] =	ssyncset.done $0x0  }
0xa4: {  	s25 =	simm.s32 $0x1B8E;
	s24 =	sld [smem:$0x3FFE];
	[sflag:s23] =	ssyncadd.s32 $0xFFFFFFFF  }
0xa5: {  	s26 =	simm.s32 $execute0_lowered;
	[smem:$0x3FD2] =	sst s25  }
0xa6: {  	s4 =	sshll.u32 s26, $0x1;
	_ =	strace $0x80000046;
	[dreg:$0x1] =	wrdreg $0xFFFFFFFF  }
0xa7: {  	s28 =	simm.s32 $_size_execute0_lowered;
	s2 =	sadd.s32 s2, s4;
	[dreg:$0x0] =	wrdreg $0x0  }
0xa8: {  	s4 =	sshll.u32 s28, $0x1;
	[dreg:$0x2] =	wrdreg s2  }
0xa9: {  	[dreg:$0x3] =	wrdreg s4  }
0xaa: {  	[dreg:$0x4] =	wrdreg $0xC0  }
0xab: {  	_ =	task [dreg:s6], $0x5FFFF  }
0xac: {  	[dreg:$0x1] =	wrdreg $0xFFFFFFFF  }
0xad: {  	[dreg:$0x0] =	wrdreg $0x60  }
0xae: {  	[dreg:$0x2] =	wrdreg s24  }
0xaf: {  	[dreg:$0x3] =	wrdreg $0x9  }
0xb0: {  	_ =	task.clear_ibuf [dreg:s6], $0x4FFFF;
	_ =	strace $0x90000046  }
0xb1: {  	s29 =	simm.s32 $0x9;
	_ =	strace $0x80000048  }
0xb2: {  	_ =	swait.ge [sflag:s29], $0x1  }
0xb3: {  	[sflag:s29] =	ssyncadd.s32 $0xFFFFFFFF  }
0xb4: {  	_ =	strace $0x90000048  }
0xb5: {  	_ =	sfence  }
0xb6: {  	s30 =	sld [smem:$0x0];
	_ =	sdelay $0x2  }
0xb7: {  	s31 =	sshll.u32 s1, $0xD;
	s1 =	sshrl.u32 s1, $0x2  }
0xb8: {  	s3 =	sand.u32 $0x4000, s31;
	s1 =	sadd.s32 s1, s30  }
0xb9: {  	s0 =	sor.u32 s3, s0;
	s1 =	sshll.u32 s1, $0x11  }
0xba: {  	s0 =	sor.u32 s1, s0  }
0xbb: {  	s0 =	sadd.s32 $0x8F2B, s0  }
0xbc: {  	[sflag:s0] =	ssyncadd.remote.s32 $0x1  }
0xbd: {  	_ =	sfence.sel $0xFFFF  }
0xbe: {  	[dreg:$0x0] =	wrdreg $0xFFFFFFFF;
	(pc) =	sbr.abs _section_cstart, $3  }
0xbf: {  	[dreg:$0x1] =	wrdreg $0xFFFFFFFF  }
0xc0: {  	_ =	task.clear_ibuf [dreg:s6], $0x2FFFF;
	_ =	strace $0x9FFFFFFF  }
0xc1: {  	(tm) =	ssettm $0x7FFFFFFF  }
tec
execute0_lowered:
.L_overlay_start_1:
0x0: {  	(tag) =	ssettag $0x1  }
0x1: {  	s4 =	rddreg [dreg:$0x0];
	s2 =	srdreg.scid  }
0x2: {  	s0 =	rddreg [dreg:$0x1];
	s1 =	stileid.u32  }
0x3: {  	s13 =	simm.s32 $0x10D48;
	s14 =	simm.s32 $0x1;
	s15 =	simm.s32 $0x2  }
0x4: {  	s16 =	simm.s32 $0x13F48;
	s17 =	simm.s32 $0x3;
	s5 =	sand.u32 $0x1, s2  }
0x5: {  	v5 =	vlaneseq.u32;
	s18 =	simm.s32 $0x0;
	s3 =	sshll.u32 s1, $0x8;
	s6 =	sshll.u32 s5, $0x7  }
0x6: {  	s2 =	simm.s32 $0x0;
	s7 =	sadd.s32 $0x19600, s4;
	v0 =	vmul.u32 $0xC8, v5;
	s6 =	sor.u32 s6, s3  }
0x7: {  	v1 =	vimm.s32 $0x7740;
	v2 =	vimm.s32 $0x7741;
	s9 =	sadd.s32 $0x600, s4;
	[smem:$0x7FF] =	sst s2;
	s8 =	smul.u32 $0xC8, s6  }
0x8: {  	v5 =	vmul.u32 $0x8, v5;
	s5 =	ssub.s32 $0x2, s5;
	_ =	strace $0x80000047;
	v3 =	vor.u32 $0x1, v0;
	v4 =	vor.u32 $0x2, v0;
	s11 =	smul.u32 $0x19, s6  }
0x9: {  	s3 =	sadd.s32 $0x32600, s4;
	s10 =	sshrl.u32 s5, $0x1;
	v6 =	vor.u32 $0x3, v0;
	v7 =	vor.u32 $0x4, v0;
	v8 =	vor.u32 $0x5, v0;
	s12 =	sadd.s32 s6, s4  }
0xa: {  	v9 =	vor.u32 $0x6, v0;
	v10 =	vor.u32 $0x7, v0;
	v11 =	vor.u32 $0x1, v5;
	s10 =	ssub.s32 s5, s10;
	s8 =	sshrl.u32 s8, $0x3;
	s4 =	sadd.s32 s7, s11  }
0xb: {  	v12 =	vadd.s32 $0xC80, v0;
	v13 =	vadd.s32 $0xC81, v0;
	v14 =	vadd.s32 $0xC82, v0;
	s5 =	sadd.s32 s9, s11;
	s11 =	simm.s32 $0xDB48;
	s8 =	sadd.s32 $0x640, s8  }
0xc: {  	v15 =	vadd.s32 $0xC83, v0;
	v16 =	vadd.s32 $0xC84, v0;
	v17 =	vadd.s32 $0xC85, v0;
	s6 =	sadd.s32 s7, s8;
	s7 =	sadd.s32 s9, s8;
	s8 =	sadd.s32 $0x33600, s12  }
0xd: {  	v18 =	vadd.s32 $0xC86, v0;
	v19 =	vadd.s32 $0xC87, v0;
	v20 =	vor.u32 $0x80, v5;
	s9 =	smax.u32 s10, $0x1;
	s10 =	simm.s32 $0x7748;
	s12 =	simm.s32 $0xA948  }
.LBB2_1:
0xe: {  	[tilespmem:s2], [sflag:$0x1] =	stream.linear.gather [hbm4b:s3+s2], $0x7748, $0x38;
	[tilespmem:$0x14348] =	vst v63  }
0xf: {  	_ = 	snop  }
0x10: {  	[tilespmem:s10], [sflag:$0x2] =	stream.linear.gather [hbm4b:s4+s2], $0x3200, $0x38;
	[tilespmem:$0x14348] =	vst v63  }
0x11: {  	_ = 	snop  }
0x12: {  	[tilespmem:s11], [sflag:$0x2] =	stream.linear.gather [hbm4b:s5+s2], $0x3200, $0x38;
	[tilespmem:$0x14348] =	vst v63  }
0x13: {  	_ = 	snop  }
0x14: {  	[tilespmem:s12], [sflag:$0x2] =	stream.linear.gather [hbm4b:s6+s2], $0x3200, $0x38;
	[tilespmem:$0x14348] =	vst v63  }
0x15: {  	_ = 	snop  }
0x16: {  	[tilespmem:s13], [sflag:$0x2] =	stream.linear.gather [hbm4b:s7+s2], $0x3200, $0x38;
	[tilespmem:$0x14348] =	vst v63  }
0x17: {  	s19 =	simm.s32 $0x0;
	_ =	swait.ge [sflag:s14], $0x7748  }
0x18: {  	v21 =	vmov s19;
	[sflag:s14] =	ssyncset.done $0x0  }
0x19: {  	v21 =	vshrl.u32 v21, $0x3;
	[sflag:s14] =	ssyncadd.s32 $0xFFFF88B8  }
0x1a: {  	v21 =	vshll.u32 v21, $0x3;
	_ =	swait.ge [sflag:s15], $0x3200  }
0x1b: {  	v27 =	vbroadcast v21, $0x0;
	[sflag:s15] =	ssyncset.done $0x0  }
0x1c: {  	[sflag:s15] =	ssyncadd.s32 $0xFFFFCE00  }
0x1d: {  	v25 =	vadd.s32 v10, v27;
	_ =	swait.ge [sflag:s15], $0x3200  }
0x1e: {  	v26 =	vadd.s32 v9, v27;
	[sflag:s15] =	ssyncset.done $0x0  }
0x1f: {  	v28 =	vadd.s32 v0, v27;
	[sflag:s15] =	ssyncadd.s32 $0xFFFFCE00  }
0x20: {  	v21 =	vld.idx.msk [tilespmem:v1+s2+$0x0], $0xffff  }
0x21: {  	v30 =	vadd.s32 v3, v27;
	v22 =	vld.idx.msk [tilespmem:v2+s2+$0x0], $0xffff  }
0x22: {  	v24 =	vld.idx.msk [tilespmem:v25+s11+$0x0], $0xffff  }
0x23: {  	v32 =	vadd.s32 v4, v27;
	v23 =	vld.idx.msk [tilespmem:v26+s11+$0x0], $0xffff  }
0x24: {  	v29 =	vld.idx.msk [tilespmem:v28+s11+$0x0], $0xffff  }
0x25: {  	v36 =	vadd.s32 v6, v27;
	v37 =	vld.idx.msk [tilespmem:v28+s10+$0x0], $0xffff  }
0x26: {  	v33 =	vld.idx.msk [tilespmem:v30+s11+$0x0], $0xffff  }
0x27: {  	s19 =	simm.s32 $0x8;
	v31 =	vadd.s32 v7, v27;
	v38 =	vld.idx.msk [tilespmem:v30+s10+$0x0], $0xffff  }
0x28: {  	v35 =	vld.idx.msk [tilespmem:v32+s11+$0x0], $0xffff;
	v30 =	vmov s19  }
0x29: {  	v40 =	vld.idx.msk [tilespmem:v32+s10+$0x0], $0xffff;
	v32 =	vshrl.u32 v30, $0x3;
	v30 =	vadd.s32 v8, v27  }
0x2a: {  	v28 =	vld.idx.msk [tilespmem:v36+s11+$0x0], $0xffff;
	vm0 =	veq.s32 v29, $0x0  }
0x2b: {  	v34 =	vimm.f32 $0.0e+00;
	v39 =	vld.idx.msk [tilespmem:v36+s10+$0x0], $0xffff;
	v41 =	vsel vm0, $0x773A, v37  }
0x2c: {  	v36 =	vimm.f32 $0.0e+00;
	v27 =	vld.idx.msk [tilespmem:v31+s11+$0x0], $0xffff;
	vm0 =	veq.s32 v33, $0x0;
	v37 =	vimm.f32 $0.0e+00  }
.LBB2_2:
0x2d: {  	s19 =	sadd.s32 $0x8, s19;
	v32 =	vshll.u32 v32, $0x3;
	v38 =	vsel vm0, $0x773A, v38;
	v42 =	vld.idx.msk [tilespmem:v31+s10+$0x0], $0xffff  }
0x2e: {  	vm0 =	veq.s32 v35, $0x0;
	v31 =	vmov s19;
	p0 =	slt.u32 s19, $0xC0;
	v43 =	vbroadcast v32, $0x0;
	v44 =	vld.idx.msk [tilespmem:v30+s11+$0x0], $0xffff  }
0x2f: {  	v40 =	vsel vm0, $0x773A, v40;
	v32 =	vshrl.u32 v31, $0x3;
	v45 =	vld.idx.msk [tilespmem:v30+s10+$0x0], $0xffff  }
0x30: {  	vm0 =	veq.s32 v28, $0x0;
	v46 =	vadd.s32 v9, v43;
	v47 =	vadd.s32 v10, v43;
	v41 =	vld.idx.msk [tilespmem:v41+s2+$0x0], $0xffff  }
0x31: {  	v31 =	vadd.s32 v7, v43;
	v30 =	vadd.s32 v8, v43;
	v39 =	vsel vm0, $0x773A, v39;
	v48 =	vld.idx.msk [tilespmem:v26+s10+$0x0], $0xffff;
	v26 =	vmovc v46  }
0x32: {  	v49 =	vadd.s32 v6, v43;
	v46 =	vadd.s32 v4, v43;
	vm0 =	veq.s32 v27, $0x0;
	v38 =	vld.idx.msk [tilespmem:v38+s2+$0x0], $0xffff  }
0x33: {  	v50 =	vadd.s32 v0, v43;
	v43 =	vadd.s32 v3, v43;
	v42 =	vsel vm0, $0x773A, v42;
	v51 =	vld.idx.msk [tilespmem:v25+s10+$0x0], $0xffff;
	v25 =	vmovc v47  }
0x34: {  	v35 =	vcvt.s32.f32 v35;
	vm0 =	veq.s32 v44, $0x0;
	v47 =	vcvt.s32.f32 v24;
	v40 =	vld.idx.msk [tilespmem:v40+s2+$0x0], $0xffff  }
0x35: {  	v33 =	vcvt.s32.f32 v33;
	v45 =	vsel vm0, $0x773A, v45;
	vm0 =	veq.s32 v24, $0x0  }
0x36: {  	v29 =	vcvt.s32.f32 v29;
	vm1 =	veq.s32 v23, $0x0;
	v24 =	vshll.u32 v41, $0x10;
	v39 =	vld.idx.msk [tilespmem:v39+s2+$0x0], $0xffff  }
0x37: {  	v41 =	vand.u32 $0xFFFF0000, v41;
	v34 =	vadd.f32 v24, v34;
	v48 =	vsel vm1, $0x773A, v48  }
0x38: {  	v29 =	vadd.f32 v29, v37;
	v36 =	vadd.f32 v41, v36;
	v37 =	vshll.u32 v38, $0x10;
	v41 =	vld.idx.msk [tilespmem:v42+s2+$0x0], $0xffff  }
0x39: {  	v38 =	vand.u32 $0xFFFF0000, v38;
	v34 =	vadd.f32 v37, v34;
	v37 =	vsel vm0, $0x773A, v51;
	v24 =	vld.idx.msk [tilespmem:v25+s11+$0x0], $0xffff  }
0x3a: {  	v29 =	vadd.f32 v33, v29;
	v36 =	vadd.f32 v38, v36;
	v33 =	vshll.u32 v40, $0x10;
	v42 =	vld.idx.msk [tilespmem:v45+s2+$0x0], $0xffff  }
0x3b: {  	v28 =	vcvt.s32.f32 v28;
	v38 =	vand.u32 $0xFFFF0000, v40;
	v33 =	vadd.f32 v33, v34;
	v45 =	vld.idx.msk [tilespmem:v26+s11+$0x0], $0xffff  }
0x3c: {  	v35 =	vadd.f32 v35, v29;
	v34 =	vadd.f32 v38, v36;
	v36 =	vshll.u32 v39, $0x10;
	v48 =	vld.idx.msk [tilespmem:v48+s2+$0x0], $0xffff  }
0x3d: {  	v27 =	vcvt.s32.f32 v27;
	v38 =	vand.u32 $0xFFFF0000, v39;
	v33 =	vadd.f32 v36, v33;
	v29 =	vld.idx.msk [tilespmem:v50+s11+$0x0], $0xffff  }
0x3e: {  	v28 =	vadd.f32 v28, v35;
	v34 =	vadd.f32 v38, v34;
	v35 =	vshll.u32 v41, $0x10;
	v36 =	vld.idx.msk [tilespmem:v37+s2+$0x0], $0xffff  }
0x3f: {  	v39 =	vcvt.s32.f32 v44;
	v38 =	vand.u32 $0xFFFF0000, v41;
	v35 =	vadd.f32 v35, v33;
	v37 =	vld.idx.msk [tilespmem:v50+s10+$0x0], $0xffff  }
0x40: {  	v27 =	vadd.f32 v27, v28;
	v34 =	vadd.f32 v38, v34;
	v28 =	vshll.u32 v42, $0x10;
	v33 =	vld.idx.msk [tilespmem:v43+s11+$0x0], $0xffff  }
0x41: {  	v41 =	vcvt.s32.f32 v23;
	v40 =	vand.u32 $0xFFFF0000, v42;
	v28 =	vadd.f32 v28, v35;
	v23 =	vmovc v45;
	v38 =	vld.idx.msk [tilespmem:v43+s10+$0x0], $0xffff  }
.Ltmp0:
0x42: {  	v27 =	vadd.f32 v39, v27;
	v34 =	vadd.f32 v40, v34;
	v39 =	vshll.u32 v48, $0x10;
	v35 =	vld.idx.msk [tilespmem:v46+s11+$0x0], $0xffff;
	(pc) =	sbr.rel @p0 .LBB2_2-.Ltmp0, $4  }
0x43: {  	v42 =	vand.u32 $0xFFFF0000, v48;
	vm0 =	veq.s32 v29, $0x0;
	v43 =	vadd.f32 v39, v28;
	v40 =	vld.idx.msk [tilespmem:v46+s10+$0x0], $0xffff  }
0x44: {  	v44 =	vadd.f32 v41, v27;
	v42 =	vadd.f32 v42, v34;
	v27 =	vshll.u32 v36, $0x10;
	v28 =	vld.idx.msk [tilespmem:v49+s11+$0x0], $0xffff  }
0x45: {  	v36 =	vand.u32 $0xFFFF0000, v36;
	v41 =	vsel vm0, $0x773A, v37;
	v34 =	vadd.f32 v27, v43;
	v39 =	vld.idx.msk [tilespmem:v49+s10+$0x0], $0xffff  }
0x46: {  	v36 =	vadd.f32 v36, v42;
	v37 =	vadd.f32 v47, v44;
	vm0 =	veq.s32 v33, $0x0;
	v27 =	vld.idx.msk [tilespmem:v31+s11+$0x0], $0xffff  }
0x47: {  	_ =	sdelay $0x2  }
0x48: {  	v32 =	vshll.u32 v32, $0x3  }
0x49: {  	v31 =	vld.idx.msk [tilespmem:v31+s10+$0x0], $0xffff;
	v38 =	vsel vm0, $0x773A, v38;
	v29 =	vcvt.s32.f32 v29;
	v33 =	vcvt.s32.f32 v33  }
0x4a: {  	vm0 =	veq.s32 v35, $0x0;
	v42 =	vld.idx.msk [tilespmem:v30+s11+$0x0], $0xffff;
	v51 =	vcvt.s32.f32 v35;
	v32 =	vbroadcast v32, $0x0  }
0x4b: {  	v30 =	vld.idx.msk [tilespmem:v30+s10+$0x0], $0xffff;
	v40 =	vsel vm0, $0x773A, v40;
	vm0 =	veq.s32 v28, $0x0;
	v29 =	vadd.f32 v29, v37  }
0x4c: {  	v41 =	vld.idx.msk [tilespmem:v41+s2+$0x0], $0xffff;
	v28 =	vcvt.s32.f32 v28;
	v43 =	vadd.s32 v9, v32;
	v39 =	vsel vm0, $0x773A, v39  }
0x4d: {  	v26 =	vld.idx.msk [tilespmem:v26+s10+$0x0], $0xffff;
	v44 =	vadd.s32 v10, v32;
	v45 =	vadd.s32 v7, v32;
	v46 =	vadd.s32 v8, v32  }
0x4e: {  	v25 =	vld.idx.msk [tilespmem:v25+s10+$0x0], $0xffff;
	v47 =	vadd.s32 v4, v32;
	v48 =	vadd.s32 v6, v32;
	v49 =	vadd.s32 v0, v32  }
0x4f: {  	v32 =	vadd.s32 v3, v32;
	vm0 =	veq.s32 v27, $0x0;
	v29 =	vadd.f32 v33, v29;
	v38 =	vld.idx.msk [tilespmem:v38+s2+$0x0], $0xffff  }
0x50: {  	v27 =	vcvt.s32.f32 v27;
	v31 =	vsel vm0, $0x773A, v31;
	vm0 =	veq.s32 v42, $0x0;
	v40 =	vld.idx.msk [tilespmem:v40+s2+$0x0], $0xffff  }
0x51: {  	v52 =	vshll.u32 v41, $0x10;
	v41 =	vand.u32 $0xFFFF0000, v41;
	v63 =	vcvt.s32.f32 v42;
	v39 =	vld.idx.msk [tilespmem:v39+s2+$0x0], $0xffff  }
0x52: {  	v30 =	vsel vm0, $0x773A, v30;
	vm0 =	veq.s32 v23, $0x0;
	v53 =	vadd.f32 v52, v34;
	v37 =	vld.idx.msk [tilespmem:v44+s11+$0x0], $0xffff  }
0x53: {  	v54 =	vadd.f32 v41, v36;
	v29 =	vadd.f32 v51, v29;
	v23 =	vcvt.s32.f32 v23;
	v58 =	vld.idx.msk [tilespmem:v49+s11+$0x0], $0xffff  }
0x54: {  	v26 =	vsel vm0, $0x773A, v26;
	vm0 =	veq.s32 v24, $0x0;
	v62 =	vld.idx.msk [tilespmem:v49+s10+$0x0], $0xffff;
	v55 =	vshll.u32 v38, $0x10  }
0x55: {  	v28 =	vadd.f32 v28, v29;
	v31 =	vld.idx.msk [tilespmem:v31+s2+$0x0], $0xffff;
	v38 =	vand.u32 $0xFFFF0000, v38;
	v33 =	vadd.f32 v55, v53  }
0x56: {  	v25 =	vsel vm0, $0x773A, v25;
	v41 =	vld.idx.msk [tilespmem:v32+s11+$0x0], $0xffff;
	v34 =	vadd.f32 v38, v54;
	v56 =	vshll.u32 v40, $0x10  }
0x57: {  	v27 =	vadd.f32 v27, v28;
	v30 =	vld.idx.msk [tilespmem:v30+s2+$0x0], $0xffff;
	v57 =	vand.u32 $0xFFFF0000, v40;
	v29 =	vadd.f32 v56, v33  }
0x58: {  	v24 =	vcvt.s32.f32 v24;
	v32 =	vld.idx.msk [tilespmem:v32+s10+$0x0], $0xffff;
	v59 =	vadd.f32 v57, v34;
	v60 =	vshll.u32 v39, $0x10  }
0x59: {  	v26 =	vld.idx.msk [tilespmem:v26+s2+$0x0], $0xffff;
	v27 =	vadd.f32 v63, v27;
	v61 =	vand.u32 $0xFFFF0000, v39;
	v28 =	vadd.f32 v60, v29  }
0x5a: {  	v49 =	vld.idx.msk [tilespmem:v45+s11+$0x0], $0xffff;
	vm0 =	veq.s32 v58, $0x0;
	v29 =	vadd.f32 v61, v59;
	v40 =	vshll.u32 v31, $0x10  }
0x5b: {  	v51 =	vld.idx.msk [tilespmem:v46+s11+$0x0], $0xffff;
	v23 =	vadd.f32 v23, v27;
	v31 =	vand.u32 $0xFFFF0000, v31;
	v28 =	vadd.f32 v40, v28  }
0x5c: {  	v25 =	vld.idx.msk [tilespmem:v25+s2+$0x0], $0xffff;
	v42 =	vshll.u32 v30, $0x10;
	v30 =	vand.u32 $0xFFFF0000, v30;
	v29 =	vadd.f32 v31, v29  }
0x5d: {  	v23 =	vadd.f32 v24, v23;
	v24 =	vcvt.s32.f32 v58;
	v31 =	vld.idx.msk [tilespmem:v47+s11+$0x0], $0xffff;
	v27 =	vadd.f32 v42, v28  }
0x5e: {  	v34 =	vcvt.s32.f32 v41;
	v47 =	vld.idx.msk [tilespmem:v47+s10+$0x0], $0xffff;
	v28 =	vadd.f32 v30, v29;
	v29 =	vshll.u32 v26, $0x10  }
0x5f: {  	v23 =	vadd.f32 v24, v23;
	v30 =	vld.idx.msk [tilespmem:v48+s11+$0x0], $0xffff;
	v27 =	vadd.f32 v29, v27;
	v29 =	vsel vm0, $0x773A, v62  }
0x60: {  	v48 =	vld.idx.msk [tilespmem:v48+s10+$0x0], $0xffff;
	v26 =	vand.u32 $0xFFFF0000, v26;
	vm0 =	veq.s32 v41, $0x0  }
0x61: {  	v50 =	vld.idx.msk [tilespmem:v45+s10+$0x0], $0xffff;
	v23 =	vadd.f32 v34, v23;
	v24 =	vadd.f32 v26, v28;
	v28 =	vsel vm0, $0x773A, v32  }
0x62: {  	v52 =	vld.idx.msk [tilespmem:v46+s10+$0x0], $0xffff;
	v26 =	vshll.u32 v25, $0x10;
	vm0 =	veq.s32 v31, $0x0;
	v31 =	vcvt.s32.f32 v31  }
0x63: {  	v53 =	vld.idx.msk [tilespmem:v43+s11+$0x0], $0xffff;
	v25 =	vand.u32 $0xFFFF0000, v25;
	v26 =	vadd.f32 v26, v27;
	v27 =	vsel vm0, $0x773A, v47  }
0x64: {  	vm0 =	veq.s32 v30, $0x0;
	v30 =	vcvt.s32.f32 v30;
	v23 =	vadd.f32 v31, v23;
	v29 =	vld.idx.msk [tilespmem:v29+s2+$0x0], $0xffff  }
0x65: {  	vm1 =	veq.s32 v51, $0x0;
	v24 =	vadd.f32 v25, v24;
	v31 =	vld.idx.msk [tilespmem:v43+s10+$0x0], $0xffff;
	v25 =	vsel vm0, $0x773A, v48  }
0x66: {  	v54 =	vcvt.s32.f32 v49;
	vm0 =	veq.s32 v49, $0x0;
	v23 =	vadd.f32 v30, v23;
	v28 =	vld.idx.msk [tilespmem:v28+s2+$0x0], $0xffff  }
0x67: {  	v55 =	vld.idx.msk [tilespmem:v44+s10+$0x0], $0xffff;
	v56 =	vcvt.s32.f32 v37;
	v57 =	vsel vm1, $0x773A, v52;
	v30 =	vsel vm0, $0x773A, v50  }
0x68: {  	vm1 =	veq.s32 v53, $0x0;
	v32 =	vcvt.s32.f32 v51;
	v27 =	vld.idx.msk [tilespmem:v27+s2+$0x0], $0xffff;
	v23 =	vadd.f32 v54, v23  }
0x69: {  	v59 =	vcvt.s32.f32 v53;
	vm0 =	veq.s32 v37, $0x0;
	v58 =	vshll.u32 v29, $0x10  }
0x6a: {  	v25 =	vld.idx.msk [tilespmem:v25+s2+$0x0], $0xffff;
	v23 =	vadd.f32 v32, v23;
	v29 =	vand.u32 $0xFFFF0000, v29;
	v26 =	vadd.f32 v58, v26  }
0x6b: {  	v31 =	vsel vm1, $0x773A, v31;
	v24 =	vadd.f32 v29, v24;
	v29 =	vshll.u32 v28, $0x10  }
0x6c: {  	v30 =	vld.idx.msk [tilespmem:v30+s2+$0x0], $0xffff;
	v28 =	vand.u32 $0xFFFF0000, v28;
	v23 =	vadd.f32 v59, v23;
	v26 =	vadd.f32 v29, v26  }
0x6d: {  	v29 =	vsel vm0, $0x773A, v55;
	v24 =	vadd.f32 v28, v24;
	v28 =	vshll.u32 v27, $0x10  }
0x6e: {  	v60 =	vld.idx.msk [tilespmem:v57+s2+$0x0], $0xffff;
	v27 =	vand.u32 $0xFFFF0000, v27;
	v26 =	vadd.f32 v28, v26  }
0x6f: {  	v23 =	vadd.f32 v56, v23;
	v24 =	vadd.f32 v27, v24;
	v27 =	vshll.u32 v25, $0x10  }
0x70: {  	v28 =	vld.idx.msk [tilespmem:v31+s2+$0x0], $0xffff;
	v25 =	vand.u32 $0xFFFF0000, v25;
	v26 =	vadd.f32 v27, v26  }
0x71: {  	(erf) = vrcp.f32 v23;
	v23 =	vadd.f32 v25, v24;
	v24 =	vshll.u32 v30, $0x10  }
0x72: {  	v27 =	vand.u32 $0xFFFF0000, v30;
	v25 =	vld.idx.msk [tilespmem:v29+s2+$0x0], $0xffff;
	v24 =	vadd.f32 v24, v26  }
0x73: {  	v23 =	vadd.f32 v27, v23;
	v26 =	vshll.u32 v60, $0x10  }
0x74: {  	v27 =	vand.u32 $0xFFFF0000, v60;
	v24 =	vadd.f32 v26, v24  }
0x75: {  	s19 =	simm.s32 $0x0;
	v23 =	vadd.f32 v27, v23;
	v26 =	vshll.u32 v28, $0x10  }
0x76: {  	v27 =	vand.u32 $0xFFFF0000, v28;
	v24 =	vadd.f32 v26, v24;
	v26 =	vmov s19  }
0x77: {  	v23 =	vadd.f32 v27, v23;
	v27 =	vshll.u32 v25, $0x10;
	v25 =	vand.u32 $0xFFFF0000, v25  }
0x78: {  	v26 =	vshrl.u32 v26, $0x3  }
0x79: {  	v24 =	vadd.f32 v27, v24;
	v26 =	vshll.u32 v26, $0x3  }
0x7a: {  	v23 =	vadd.f32 v25, v23;
	v25 =	vpop (erf);
	v27 =	vbroadcast v26, $0x0  }
0x7b: {  	v24 =	vmul.f32 v25, v24  }
0x7c: {  	v23 =	vmul.f32 v25, v23;
	v25 =	vadd.s32 v19, v27  }
0x7d: {  	v26 =	vadd.s32 v18, v27;
	v24 =	vadd.f32 v21, v24  }
0x7e: {  	v28 =	vadd.s32 v12, v27;
	v23 =	vadd.f32 v22, v23  }
0x7f: {  	[tilespmem:v5+s16+$0x0] =	vst.idx.msk $0xffff, v24  }
0x80: {  	v30 =	vadd.s32 v13, v27;
	[tilespmem:v11+s16+$0x0] =	vst.idx.msk $0xffff, v23  }
0x81: {  	v24 =	vld.idx.msk [tilespmem:v25+s11+$0x0], $0xffff  }
0x82: {  	v61 =	vadd.s32 v14, v27;
	v23 =	vld.idx.msk [tilespmem:v26+s11+$0x0], $0xffff  }
0x83: {  	v29 =	vld.idx.msk [tilespmem:v28+s11+$0x0], $0xffff  }
0x84: {  	v62 =	vadd.s32 v15, v27;
	v63 =	vld.idx.msk [tilespmem:v28+s10+$0x0], $0xffff  }
0x85: {  	v33 =	vld.idx.msk [tilespmem:v30+s11+$0x0], $0xffff  }
0x86: {  	s19 =	simm.s32 $0x8;
	v31 =	vadd.s32 v16, v27;
	v38 =	vld.idx.msk [tilespmem:v30+s10+$0x0], $0xffff  }
0x87: {  	v35 =	vld.idx.msk [tilespmem:v61+s11+$0x0], $0xffff;
	v30 =	vmov s19  }
0x88: {  	v40 =	vld.idx.msk [tilespmem:v61+s10+$0x0], $0xffff;
	v32 =	vshrl.u32 v30, $0x3;
	v30 =	vadd.s32 v17, v27  }
0x89: {  	v28 =	vld.idx.msk [tilespmem:v62+s11+$0x0], $0xffff;
	vm0 =	veq.s32 v29, $0x0  }
0x8a: {  	v36 =	vimm.f32 $0.0e+00;
	v39 =	vld.idx.msk [tilespmem:v62+s10+$0x0], $0xffff;
	v41 =	vsel vm0, $0x773A, v63  }
0x8b: {  	v34 =	vimm.f32 $0.0e+00;
	v37 =	vimm.f32 $0.0e+00;
	v27 =	vld.idx.msk [tilespmem:v31+s11+$0x0], $0xffff;
	vm0 =	veq.s32 v33, $0x0  }
.LBB2_4:
0x8c: {  	s19 =	sadd.s32 $0x8, s19;
	v32 =	vshll.u32 v32, $0x3;
	v38 =	vsel vm0, $0x773A, v38;
	v42 =	vld.idx.msk [tilespmem:v31+s10+$0x0], $0xffff  }
0x8d: {  	vm0 =	veq.s32 v35, $0x0;
	v31 =	vmov s19;
	p0 =	slt.u32 s19, $0xC0;
	v43 =	vbroadcast v32, $0x0;
	v44 =	vld.idx.msk [tilespmem:v30+s11+$0x0], $0xffff  }
0x8e: {  	v40 =	vsel vm0, $0x773A, v40;
	v32 =	vshrl.u32 v31, $0x3;
	v45 =	vld.idx.msk [tilespmem:v30+s10+$0x0], $0xffff  }
0x8f: {  	vm0 =	veq.s32 v28, $0x0;
	v46 =	vadd.s32 v18, v43;
	v47 =	vadd.s32 v19, v43;
	v41 =	vld.idx.msk [tilespmem:v41+s2+$0x0], $0xffff  }
0x90: {  	v31 =	vadd.s32 v16, v43;
	v30 =	vadd.s32 v17, v43;
	v39 =	vsel vm0, $0x773A, v39;
	v48 =	vld.idx.msk [tilespmem:v26+s10+$0x0], $0xffff;
	v26 =	vmovc v46  }
0x91: {  	v49 =	vadd.s32 v15, v43;
	v46 =	vadd.s32 v14, v43;
	vm0 =	veq.s32 v27, $0x0;
	v38 =	vld.idx.msk [tilespmem:v38+s2+$0x0], $0xffff  }
0x92: {  	v50 =	vadd.s32 v12, v43;
	v43 =	vadd.s32 v13, v43;
	v42 =	vsel vm0, $0x773A, v42;
	v51 =	vld.idx.msk [tilespmem:v25+s10+$0x0], $0xffff;
	v25 =	vmovc v47  }
0x93: {  	v35 =	vcvt.s32.f32 v35;
	vm0 =	veq.s32 v44, $0x0;
	v47 =	vcvt.s32.f32 v24;
	v40 =	vld.idx.msk [tilespmem:v40+s2+$0x0], $0xffff  }
0x94: {  	v33 =	vcvt.s32.f32 v33;
	v45 =	vsel vm0, $0x773A, v45;
	vm0 =	veq.s32 v24, $0x0  }
0x95: {  	v29 =	vcvt.s32.f32 v29;
	vm1 =	veq.s32 v23, $0x0;
	v24 =	vshll.u32 v41, $0x10;
	v39 =	vld.idx.msk [tilespmem:v39+s2+$0x0], $0xffff  }
0x96: {  	v41 =	vand.u32 $0xFFFF0000, v41;
	v34 =	vadd.f32 v24, v34;
	v48 =	vsel vm1, $0x773A, v48  }
0x97: {  	v29 =	vadd.f32 v29, v37;
	v36 =	vadd.f32 v41, v36;
	v37 =	vshll.u32 v38, $0x10;
	v41 =	vld.idx.msk [tilespmem:v42+s2+$0x0], $0xffff  }
0x98: {  	v38 =	vand.u32 $0xFFFF0000, v38;
	v34 =	vadd.f32 v37, v34;
	v37 =	vsel vm0, $0x773A, v51;
	v24 =	vld.idx.msk [tilespmem:v25+s11+$0x0], $0xffff  }
0x99: {  	v29 =	vadd.f32 v33, v29;
	v36 =	vadd.f32 v38, v36;
	v33 =	vshll.u32 v40, $0x10;
	v42 =	vld.idx.msk [tilespmem:v45+s2+$0x0], $0xffff  }
0x9a: {  	v28 =	vcvt.s32.f32 v28;
	v38 =	vand.u32 $0xFFFF0000, v40;
	v33 =	vadd.f32 v33, v34;
	v45 =	vld.idx.msk [tilespmem:v26+s11+$0x0], $0xffff  }
0x9b: {  	v35 =	vadd.f32 v35, v29;
	v34 =	vadd.f32 v38, v36;
	v36 =	vshll.u32 v39, $0x10;
	v48 =	vld.idx.msk [tilespmem:v48+s2+$0x0], $0xffff  }
0x9c: {  	v27 =	vcvt.s32.f32 v27;
	v38 =	vand.u32 $0xFFFF0000, v39;
	v33 =	vadd.f32 v36, v33;
	v29 =	vld.idx.msk [tilespmem:v50+s11+$0x0], $0xffff  }
0x9d: {  	v28 =	vadd.f32 v28, v35;
	v34 =	vadd.f32 v38, v34;
	v35 =	vshll.u32 v41, $0x10;
	v36 =	vld.idx.msk [tilespmem:v37+s2+$0x0], $0xffff  }
0x9e: {  	v39 =	vcvt.s32.f32 v44;
	v38 =	vand.u32 $0xFFFF0000, v41;
	v35 =	vadd.f32 v35, v33;
	v37 =	vld.idx.msk [tilespmem:v50+s10+$0x0], $0xffff  }
0x9f: {  	v27 =	vadd.f32 v27, v28;
	v34 =	vadd.f32 v38, v34;
	v28 =	vshll.u32 v42, $0x10;
	v33 =	vld.idx.msk [tilespmem:v43+s11+$0x0], $0xffff  }
0xa0: {  	v41 =	vcvt.s32.f32 v23;
	v40 =	vand.u32 $0xFFFF0000, v42;
	v28 =	vadd.f32 v28, v35;
	v23 =	vmovc v45;
	v38 =	vld.idx.msk [tilespmem:v43+s10+$0x0], $0xffff  }
.Ltmp1:
0xa1: {  	v27 =	vadd.f32 v39, v27;
	v34 =	vadd.f32 v40, v34;
	v39 =	vshll.u32 v48, $0x10;
	v35 =	vld.idx.msk [tilespmem:v46+s11+$0x0], $0xffff;
	(pc) =	sbr.rel @p0 .LBB2_4-.Ltmp1, $4  }
0xa2: {  	v42 =	vand.u32 $0xFFFF0000, v48;
	vm0 =	veq.s32 v29, $0x0;
	v43 =	vadd.f32 v39, v28;
	v40 =	vld.idx.msk [tilespmem:v46+s10+$0x0], $0xffff  }
0xa3: {  	v44 =	vadd.f32 v41, v27;
	v42 =	vadd.f32 v42, v34;
	v27 =	vshll.u32 v36, $0x10;
	v28 =	vld.idx.msk [tilespmem:v49+s11+$0x0], $0xffff  }
0xa4: {  	v36 =	vand.u32 $0xFFFF0000, v36;
	v41 =	vsel vm0, $0x773A, v37;
	v34 =	vadd.f32 v27, v43;
	v39 =	vld.idx.msk [tilespmem:v49+s10+$0x0], $0xffff  }
0xa5: {  	v36 =	vadd.f32 v36, v42;
	v37 =	vadd.f32 v47, v44;
	vm0 =	veq.s32 v33, $0x0;
	v27 =	vld.idx.msk [tilespmem:v31+s11+$0x0], $0xffff  }
0xa6: {  	_ =	sdelay $0x2  }
0xa7: {  	v32 =	vshll.u32 v32, $0x3  }
0xa8: {  	v31 =	vld.idx.msk [tilespmem:v31+s10+$0x0], $0xffff;
	v38 =	vsel vm0, $0x773A, v38;
	v29 =	vcvt.s32.f32 v29;
	v33 =	vcvt.s32.f32 v33  }
0xa9: {  	vm0 =	veq.s32 v35, $0x0;
	v42 =	vld.idx.msk [tilespmem:v30+s11+$0x0], $0xffff;
	v50 =	vcvt.s32.f32 v35;
	v32 =	vbroadcast v32, $0x0  }
0xaa: {  	v30 =	vld.idx.msk [tilespmem:v30+s10+$0x0], $0xffff;
	v40 =	vsel vm0, $0x773A, v40;
	vm0 =	veq.s32 v28, $0x0;
	v29 =	vadd.f32 v29, v37  }
0xab: {  	v41 =	vld.idx.msk [tilespmem:v41+s2+$0x0], $0xffff;
	v28 =	vcvt.s32.f32 v28;
	v43 =	vadd.s32 v18, v32;
	v39 =	vsel vm0, $0x773A, v39  }
0xac: {  	v26 =	vld.idx.msk [tilespmem:v26+s10+$0x0], $0xffff;
	v44 =	vadd.s32 v19, v32;
	v45 =	vadd.s32 v16, v32;
	v46 =	vadd.s32 v17, v32  }
0xad: {  	v25 =	vld.idx.msk [tilespmem:v25+s10+$0x0], $0xffff;
	v47 =	vadd.s32 v14, v32;
	v48 =	vadd.s32 v15, v32;
	v49 =	vadd.s32 v12, v32  }
0xae: {  	v32 =	vadd.s32 v13, v32;
	vm0 =	veq.s32 v27, $0x0;
	v29 =	vadd.f32 v33, v29;
	v38 =	vld.idx.msk [tilespmem:v38+s2+$0x0], $0xffff  }
0xaf: {  	v27 =	vcvt.s32.f32 v27;
	v31 =	vsel vm0, $0x773A, v31;
	vm0 =	veq.s32 v42, $0x0;
	v40 =	vld.idx.msk [tilespmem:v40+s2+$0x0], $0xffff  }
0xb0: {  	v51 =	vshll.u32 v41, $0x10;
	v41 =	vand.u32 $0xFFFF0000, v41;
	v62 =	vcvt.s32.f32 v42;
	v39 =	vld.idx.msk [tilespmem:v39+s2+$0x0], $0xffff  }
0xb1: {  	v30 =	vsel vm0, $0x773A, v30;
	vm0 =	veq.s32 v23, $0x0;
	v52 =	vadd.f32 v51, v34;
	v37 =	vld.idx.msk [tilespmem:v44+s11+$0x0], $0xffff  }
0xb2: {  	v53 =	vadd.f32 v41, v36;
	v29 =	vadd.f32 v50, v29;
	v23 =	vcvt.s32.f32 v23;
	v57 =	vld.idx.msk [tilespmem:v49+s11+$0x0], $0xffff  }
0xb3: {  	v26 =	vsel vm0, $0x773A, v26;
	vm0 =	veq.s32 v24, $0x0;
	v61 =	vld.idx.msk [tilespmem:v49+s10+$0x0], $0xffff;
	v54 =	vshll.u32 v38, $0x10  }
0xb4: {  	v28 =	vadd.f32 v28, v29;
	v31 =	vld.idx.msk [tilespmem:v31+s2+$0x0], $0xffff;
	v38 =	vand.u32 $0xFFFF0000, v38;
	v33 =	vadd.f32 v54, v52  }
0xb5: {  	v25 =	vsel vm0, $0x773A, v25;
	v42 =	vld.idx.msk [tilespmem:v47+s10+$0x0], $0xffff;
	v34 =	vadd.f32 v38, v53;
	v55 =	vshll.u32 v40, $0x10  }
0xb6: {  	v27 =	vadd.f32 v27, v28;
	v30 =	vld.idx.msk [tilespmem:v30+s2+$0x0], $0xffff;
	v56 =	vand.u32 $0xFFFF0000, v40;
	v29 =	vadd.f32 v55, v33  }
0xb7: {  	v24 =	vcvt.s32.f32 v24;
	v40 =	vld.idx.msk [tilespmem:v32+s11+$0x0], $0xffff;
	v58 =	vadd.f32 v56, v34;
	v59 =	vshll.u32 v39, $0x10  }
0xb8: {  	v26 =	vld.idx.msk [tilespmem:v26+s2+$0x0], $0xffff;
	v27 =	vadd.f32 v62, v27;
	v60 =	vand.u32 $0xFFFF0000, v39;
	v28 =	vadd.f32 v59, v29  }
0xb9: {  	v49 =	vld.idx.msk [tilespmem:v45+s10+$0x0], $0xffff;
	vm0 =	veq.s32 v57, $0x0;
	v29 =	vadd.f32 v60, v58;
	v63 =	vshll.u32 v31, $0x10  }
0xba: {  	v32 =	vld.idx.msk [tilespmem:v32+s10+$0x0], $0xffff;
	v23 =	vadd.f32 v23, v27;
	v31 =	vand.u32 $0xFFFF0000, v31;
	v28 =	vadd.f32 v63, v28  }
0xbb: {  	v25 =	vld.idx.msk [tilespmem:v25+s2+$0x0], $0xffff;
	v41 =	vshll.u32 v30, $0x10;
	v30 =	vand.u32 $0xFFFF0000, v30;
	v29 =	vadd.f32 v31, v29  }
0xbc: {  	v23 =	vadd.f32 v24, v23;
	v24 =	vcvt.s32.f32 v57;
	v31 =	vld.idx.msk [tilespmem:v47+s11+$0x0], $0xffff;
	v27 =	vadd.f32 v41, v28  }
0xbd: {  	v50 =	vld.idx.msk [tilespmem:v46+s11+$0x0], $0xffff;
	v34 =	vcvt.s32.f32 v40;
	v28 =	vadd.f32 v30, v29;
	v29 =	vshll.u32 v26, $0x10  }
0xbe: {  	v23 =	vadd.f32 v24, v23;
	v30 =	vld.idx.msk [tilespmem:v48+s11+$0x0], $0xffff;
	v27 =	vadd.f32 v29, v27;
	v29 =	vsel vm0, $0x773A, v61  }
0xbf: {  	v47 =	vld.idx.msk [tilespmem:v48+s10+$0x0], $0xffff;
	v26 =	vand.u32 $0xFFFF0000, v26;
	vm0 =	veq.s32 v40, $0x0  }
0xc0: {  	v48 =	vld.idx.msk [tilespmem:v45+s11+$0x0], $0xffff;
	v23 =	vadd.f32 v34, v23;
	v24 =	vadd.f32 v26, v28;
	v28 =	vsel vm0, $0x773A, v32  }
0xc1: {  	v51 =	vld.idx.msk [tilespmem:v46+s10+$0x0], $0xffff;
	v26 =	vshll.u32 v25, $0x10;
	vm0 =	veq.s32 v31, $0x0;
	v31 =	vcvt.s32.f32 v31  }
0xc2: {  	v52 =	vld.idx.msk [tilespmem:v43+s11+$0x0], $0xffff;
	v25 =	vand.u32 $0xFFFF0000, v25;
	v26 =	vadd.f32 v26, v27;
	v27 =	vsel vm0, $0x773A, v42  }
0xc3: {  	vm0 =	veq.s32 v30, $0x0;
	v30 =	vcvt.s32.f32 v30;
	v23 =	vadd.f32 v31, v23;
	v29 =	vld.idx.msk [tilespmem:v29+s2+$0x0], $0xffff  }
0xc4: {  	vm1 =	veq.s32 v50, $0x0;
	v24 =	vadd.f32 v25, v24;
	v31 =	vld.idx.msk [tilespmem:v43+s10+$0x0], $0xffff;
	v25 =	vsel vm0, $0x773A, v47  }
0xc5: {  	v53 =	vcvt.s32.f32 v48;
	vm0 =	veq.s32 v48, $0x0;
	v23 =	vadd.f32 v30, v23;
	v28 =	vld.idx.msk [tilespmem:v28+s2+$0x0], $0xffff  }
0xc6: {  	v54 =	vld.idx.msk [tilespmem:v44+s10+$0x0], $0xffff;
	v55 =	vcvt.s32.f32 v37;
	v56 =	vsel vm1, $0x773A, v51;
	v30 =	vsel vm0, $0x773A, v49  }
0xc7: {  	vm1 =	veq.s32 v52, $0x0;
	v32 =	vcvt.s32.f32 v50;
	v27 =	vld.idx.msk [tilespmem:v27+s2+$0x0], $0xffff;
	v23 =	vadd.f32 v53, v23  }
0xc8: {  	v58 =	vcvt.s32.f32 v52;
	vm0 =	veq.s32 v37, $0x0;
	v57 =	vshll.u32 v29, $0x10  }
0xc9: {  	v25 =	vld.idx.msk [tilespmem:v25+s2+$0x0], $0xffff;
	v23 =	vadd.f32 v32, v23;
	v29 =	vand.u32 $0xFFFF0000, v29;
	v26 =	vadd.f32 v57, v26  }
0xca: {  	v31 =	vsel vm1, $0x773A, v31;
	v24 =	vadd.f32 v29, v24;
	v29 =	vshll.u32 v28, $0x10  }
0xcb: {  	v30 =	vld.idx.msk [tilespmem:v30+s2+$0x0], $0xffff;
	v28 =	vand.u32 $0xFFFF0000, v28;
	v23 =	vadd.f32 v58, v23;
	v26 =	vadd.f32 v29, v26  }
0xcc: {  	v29 =	vsel vm0, $0x773A, v54;
	v24 =	vadd.f32 v28, v24;
	v28 =	vshll.u32 v27, $0x10  }
0xcd: {  	v59 =	vld.idx.msk [tilespmem:v56+s2+$0x0], $0xffff;
	v27 =	vand.u32 $0xFFFF0000, v27;
	v26 =	vadd.f32 v28, v26  }
0xce: {  	v23 =	vadd.f32 v55, v23;
	v24 =	vadd.f32 v27, v24;
	v27 =	vshll.u32 v25, $0x10  }
0xcf: {  	v28 =	vld.idx.msk [tilespmem:v31+s2+$0x0], $0xffff;
	v25 =	vand.u32 $0xFFFF0000, v25;
	v26 =	vadd.f32 v27, v26  }
0xd0: {  	(erf) = vrcp.f32 v23;
	v23 =	vadd.f32 v25, v24;
	v24 =	vshll.u32 v30, $0x10  }
0xd1: {  	v27 =	vand.u32 $0xFFFF0000, v30;
	v25 =	vld.idx.msk [tilespmem:v29+s2+$0x0], $0xffff;
	v24 =	vadd.f32 v24, v26  }
0xd2: {  	v23 =	vadd.f32 v27, v23;
	v26 =	vshll.u32 v59, $0x10  }
0xd3: {  	v27 =	vand.u32 $0xFFFF0000, v59;
	v24 =	vadd.f32 v26, v24  }
0xd4: {  	s19 =	simm.s32 $0x0;
	v23 =	vadd.f32 v27, v23;
	v26 =	vshll.u32 v28, $0x10  }
0xd5: {  	v27 =	vand.u32 $0xFFFF0000, v28;
	v24 =	vadd.f32 v26, v24;
	v26 =	vmov s19  }
0xd6: {  	v23 =	vadd.f32 v27, v23;
	v27 =	vshll.u32 v25, $0x10;
	v25 =	vand.u32 $0xFFFF0000, v25  }
0xd7: {  	v26 =	vshrl.u32 v26, $0x3  }
0xd8: {  	v24 =	vadd.f32 v27, v24;
	v26 =	vshll.u32 v26, $0x3  }
0xd9: {  	v23 =	vadd.f32 v25, v23;
	v25 =	vpop (erf);
	v60 =	vbroadcast v26, $0x0  }
0xda: {  	v31 =	vor.u32 $0x81, v5;
	v27 =	vadd.s32 $0x1907, v0;
	v26 =	vmul.f32 v25, v24  }
0xdb: {  	v28 =	vadd.s32 $0x1906, v0;
	v23 =	vmul.f32 v25, v23;
	v24 =	vadd.s32 v27, v60  }
0xdc: {  	v29 =	vadd.s32 $0x1900, v0;
	v25 =	vadd.s32 v28, v60;
	v26 =	vadd.f32 v21, v26  }
0xdd: {  	v61 =	vadd.s32 v29, v60;
	v23 =	vadd.f32 v22, v23  }
0xde: {  	v30 =	vadd.s32 $0x1901, v0;
	[tilespmem:v20+s16+$0x0] =	vst.idx.msk $0xffff, v26  }
0xdf: {  	v62 =	vadd.s32 v30, v60;
	[tilespmem:v31+s16+$0x0] =	vst.idx.msk $0xffff, v23  }
0xe0: {  	v32 =	vadd.s32 $0x1903, v0;
	v23 =	vld.idx.msk [tilespmem:v24+s11+$0x0], $0xffff  }
0xe1: {  	v36 =	vadd.s32 v32, v60;
	v31 =	vadd.s32 $0x1902, v0;
	v26 =	vld.idx.msk [tilespmem:v25+s11+$0x0], $0xffff  }
0xe2: {  	v63 =	vadd.s32 v31, v60;
	v38 =	vld.idx.msk [tilespmem:v61+s11+$0x0], $0xffff  }
0xe3: {  	v46 =	vld.idx.msk [tilespmem:v61+s10+$0x0], $0xffff  }
0xe4: {  	v34 =	vadd.s32 $0x1904, v0;
	v41 =	vld.idx.msk [tilespmem:v62+s11+$0x0], $0xffff  }
0xe5: {  	v35 =	vadd.s32 v34, v60;
	v44 =	vld.idx.msk [tilespmem:v62+s10+$0x0], $0xffff  }
0xe6: {  	v33 =	vadd.s32 $0x1905, v0;
	v40 =	vld.idx.msk [tilespmem:v36+s11+$0x0], $0xffff  }
0xe7: {  	v39 =	vimm.f32 $0.0e+00;
	v47 =	vadd.s32 v33, v60;
	v42 =	vld.idx.msk [tilespmem:v63+s11+$0x0], $0xffff  }
0xe8: {  	v43 =	vimm.f32 $0.0e+00;
	v37 =	vimm.f32 $0.0e+00;
	v45 =	vld.idx.msk [tilespmem:v63+s10+$0x0], $0xffff;
	vm0 =	veq.s32 v38, $0x0  }
.LBB2_6:
0xe9: {  	s19 =	sadd.s32 $0x8, s19;
	v46 =	vsel vm0, $0x773A, v46;
	v36 =	vld.idx.msk [tilespmem:v36+s10+$0x0], $0xffff  }
0xea: {  	vm0 =	veq.s32 v41, $0x0;
	v48 =	vmov s19;
	p0 =	slt.u32 s19, $0xC0;
	v49 =	vld.idx.msk [tilespmem:v35+s11+$0x0], $0xffff  }
0xeb: {  	v44 =	vsel vm0, $0x773A, v44;
	v48 =	vshrl.u32 v48, $0x3;
	v50 =	vld.idx.msk [tilespmem:v35+s10+$0x0], $0xffff  }
0xec: {  	vm0 =	veq.s32 v42, $0x0;
	v35 =	vshll.u32 v48, $0x3;
	v48 =	vld.idx.msk [tilespmem:v47+s11+$0x0], $0xffff  }
0xed: {  	v45 =	vsel vm0, $0x773A, v45;
	v51 =	vbroadcast v35, $0x0;
	v47 =	vld.idx.msk [tilespmem:v47+s10+$0x0], $0xffff  }
0xee: {  	vm0 =	veq.s32 v40, $0x0;
	v46 =	vld.idx.msk [tilespmem:v46+s2+$0x0], $0xffff  }
0xef: {  	v53 =	vsel vm0, $0x773A, v36;
	v52 =	vadd.s32 v27, v51;
	v54 =	vld.idx.msk [tilespmem:v25+s10+$0x0], $0xffff;
	v25 =	vadd.s32 v28, v51  }
0xf0: {  	v36 =	vadd.s32 v32, v51;
	v35 =	vadd.s32 v34, v51;
	vm0 =	veq.s32 v49, $0x0;
	v44 =	vld.idx.msk [tilespmem:v44+s2+$0x0], $0xffff  }
0xf1: {  	v55 =	vadd.s32 v30, v51;
	v56 =	vadd.s32 v31, v51;
	v50 =	vsel vm0, $0x773A, v50;
	v57 =	vld.idx.msk [tilespmem:v24+s10+$0x0], $0xffff;
	v24 =	vmovc v52  }
0xf2: {  	v42 =	vcvt.s32.f32 v42;
	v52 =	vadd.s32 v29, v51;
	vm0 =	veq.s32 v48, $0x0;
	v45 =	vld.idx.msk [tilespmem:v45+s2+$0x0], $0xffff  }
0xf3: {  	v41 =	vcvt.s32.f32 v41;
	v47 =	vsel vm0, $0x773A, v47;
	vm0 =	veq.s32 v23, $0x0  }
0xf4: {  	v38 =	vcvt.s32.f32 v38;
	vm1 =	veq.s32 v26, $0x0;
	v58 =	vshll.u32 v46, $0x10;
	v53 =	vld.idx.msk [tilespmem:v53+s2+$0x0], $0xffff  }
0xf5: {  	v46 =	vand.u32 $0xFFFF0000, v46;
	v37 =	vadd.f32 v58, v37;
	v54 =	vsel vm1, $0x773A, v54  }
0xf6: {  	v38 =	vadd.f32 v38, v43;
	v39 =	vadd.f32 v46, v39;
	v43 =	vshll.u32 v44, $0x10;
	v46 =	vld.idx.msk [tilespmem:v50+s2+$0x0], $0xffff  }
0xf7: {  	v44 =	vand.u32 $0xFFFF0000, v44;
	v37 =	vadd.f32 v43, v37;
	v43 =	vsel vm0, $0x773A, v57  }
0xf8: {  	v38 =	vadd.f32 v41, v38;
	v39 =	vadd.f32 v44, v39;
	v41 =	vshll.u32 v45, $0x10;
	v44 =	vld.idx.msk [tilespmem:v47+s2+$0x0], $0xffff  }
0xf9: {  	v40 =	vcvt.s32.f32 v40;
	v45 =	vand.u32 $0xFFFF0000, v45;
	v37 =	vadd.f32 v41, v37  }
0xfa: {  	v38 =	vadd.f32 v42, v38;
	v39 =	vadd.f32 v45, v39;
	v41 =	vshll.u32 v53, $0x10;
	v42 =	vld.idx.msk [tilespmem:v54+s2+$0x0], $0xffff  }
0xfb: {  	v47 =	vand.u32 $0xFFFF0000, v53;
	v37 =	vadd.f32 v41, v37;
	v41 =	vcvt.s32.f32 v49;
	v45 =	vld.idx.msk [tilespmem:v24+s11+$0x0], $0xffff  }
0xfc: {  	v40 =	vadd.f32 v40, v38;
	v39 =	vadd.f32 v47, v39;
	v38 =	vshll.u32 v46, $0x10;
	v43 =	vld.idx.msk [tilespmem:v43+s2+$0x0], $0xffff  }
0xfd: {  	v47 =	vcvt.s32.f32 v48;
	v46 =	vand.u32 $0xFFFF0000, v46;
	v37 =	vadd.f32 v38, v37;
	v49 =	vld.idx.msk [tilespmem:v25+s11+$0x0], $0xffff  }
0xfe: {  	v39 =	vadd.f32 v46, v39;
	v40 =	vadd.f32 v41, v40;
	v41 =	vshll.u32 v44, $0x10;
	v38 =	vld.idx.msk [tilespmem:v52+s11+$0x0], $0xffff  }
0xff: {  	v26 =	vcvt.s32.f32 v26;
	v44 =	vand.u32 $0xFFFF0000, v44;
	v37 =	vadd.f32 v41, v37;
	v46 =	vld.idx.msk [tilespmem:v52+s10+$0x0], $0xffff  }
.Ltmp2:
0x100: {  	v39 =	vadd.f32 v44, v39;
	v40 =	vadd.f32 v47, v40;
	v47 =	vshll.u32 v42, $0x10;
	v41 =	vld.idx.msk [tilespmem:v55+s11+$0x0], $0xffff;
	(pc) =	sbr.rel @p0 .LBB2_6-.Ltmp2, $4  }
0x101: {  	v50 =	vcvt.s32.f32 v23;
	v48 =	vand.u32 $0xFFFF0000, v42;
	v37 =	vadd.f32 v47, v37;
	v23 =	vmovc v45;
	v44 =	vld.idx.msk [tilespmem:v55+s10+$0x0], $0xffff  }
0x102: {  	v39 =	vadd.f32 v48, v39;
	v48 =	vadd.f32 v26, v40;
	v40 =	vshll.u32 v43, $0x10;
	v42 =	vld.idx.msk [tilespmem:v56+s11+$0x0], $0xffff  }
0x103: {  	v47 =	vadd.s32 v33, v51;
	v43 =	vand.u32 $0xFFFF0000, v43;
	v37 =	vadd.f32 v40, v37;
	v26 =	vmovc v49;
	v45 =	vld.idx.msk [tilespmem:v56+s10+$0x0], $0xffff  }
0x104: {  	v39 =	vadd.f32 v43, v39;
	v43 =	vadd.f32 v50, v48;
	vm0 =	veq.s32 v38, $0x0;
	v40 =	vld.idx.msk [tilespmem:v36+s11+$0x0], $0xffff  }
0x105: {  	_ =	sdelay $0x3  }
0x106: {  	v28 =	vld.idx.msk [tilespmem:v36+s10+$0x0], $0xffff  }
0x107: {  	v27 =	vsel vm0, $0x773A, v46;
	v29 =	vcvt.s32.f32 v38;
	v30 =	vld.idx.msk [tilespmem:v35+s11+$0x0], $0xffff  }
0x108: {  	vm0 =	veq.s32 v41, $0x0;
	v31 =	vld.idx.msk [tilespmem:v35+s10+$0x0], $0xffff  }
0x109: {  	v32 =	vcvt.s32.f32 v41;
	v34 =	vld.idx.msk [tilespmem:v47+s11+$0x0], $0xffff;
	v33 =	vsel vm0, $0x773A, v44;
	v29 =	vadd.f32 v29, v43  }
0x10a: {  	v53 =	vld.idx.msk [tilespmem:v47+s10+$0x0], $0xffff;
	vm0 =	veq.s32 v42, $0x0  }
0x10b: {  	v54 =	vcvt.s32.f32 v42;
	v55 =	vsel vm0, $0x773A, v45;
	v29 =	vadd.f32 v32, v29  }
0x10c: {  	vm0 =	veq.s32 v40, $0x0;
	v56 =	vcvt.s32.f32 v40;
	v27 =	vld.idx.msk [tilespmem:v27+s2+$0x0], $0xffff  }
0x10d: {  	v25 =	vld.idx.msk [tilespmem:v25+s10+$0x0], $0xffff;
	v28 =	vsel vm0, $0x773A, v28;
	vm0 =	veq.s32 v30, $0x0;
	v29 =	vadd.f32 v54, v29  }
0x10e: {  	vm1 =	veq.s32 v34, $0x0;
	v30 =	vcvt.s32.f32 v30;
	v34 =	vcvt.s32.f32 v34;
	v33 =	vld.idx.msk [tilespmem:v33+s2+$0x0], $0xffff  }
0x10f: {  	v24 =	vld.idx.msk [tilespmem:v24+s10+$0x0], $0xffff;
	v31 =	vsel vm0, $0x773A, v31;
	v35 =	vsel vm1, $0x773A, v53;
	v29 =	vadd.f32 v56, v29  }
0x110: {  	vm0 =	veq.s32 v23, $0x0;
	vm1 =	veq.s32 v26, $0x0;
	v26 =	vcvt.s32.f32 v26;
	v32 =	vld.idx.msk [tilespmem:v55+s2+$0x0], $0xffff  }
0x111: {  	v23 =	vcvt.s32.f32 v23;
	v57 =	vshll.u32 v27, $0x10;
	v29 =	vadd.f32 v30, v29  }
0x112: {  	v25 =	vsel vm1, $0x773A, v25;
	v27 =	vand.u32 $0xFFFF0000, v27;
	v28 =	vld.idx.msk [tilespmem:v28+s2+$0x0], $0xffff;
	v30 =	vadd.f32 v57, v37  }
0x113: {  	v27 =	vadd.f32 v27, v39;
	v58 =	vshll.u32 v33, $0x10;
	v29 =	vadd.f32 v34, v29  }
0x114: {  	v24 =	vsel vm0, $0x773A, v24;
	v33 =	vand.u32 $0xFFFF0000, v33;
	v31 =	vld.idx.msk [tilespmem:v31+s2+$0x0], $0xffff;
	v30 =	vadd.f32 v58, v30  }
0x115: {  	v27 =	vadd.f32 v33, v27;
	v26 =	vadd.f32 v26, v29;
	v29 =	vshll.u32 v32, $0x10  }
0x116: {  	v59 =	vld.idx.msk [tilespmem:v35+s2+$0x0], $0xffff;
	v32 =	vand.u32 $0xFFFF0000, v32;
	v29 =	vadd.f32 v29, v30  }
0x117: {  	v23 =	vadd.f32 v23, v26;
	v26 =	vadd.f32 v32, v27;
	v27 =	vshll.u32 v28, $0x10  }
0x118: {  	v25 =	vld.idx.msk [tilespmem:v25+s2+$0x0], $0xffff;
	v28 =	vand.u32 $0xFFFF0000, v28;
	v27 =	vadd.f32 v27, v29  }
0x119: {  	(erf) = vrcp.f32 v23;
	v23 =	vadd.f32 v28, v26;
	v26 =	vshll.u32 v31, $0x10  }
0x11a: {  	v24 =	vld.idx.msk [tilespmem:v24+s2+$0x0], $0xffff;
	v28 =	vand.u32 $0xFFFF0000, v31;
	v26 =	vadd.f32 v26, v27  }
0x11b: {  	v27 =	vshll.u32 v59, $0x10;
	v23 =	vadd.f32 v28, v23  }
0x11c: {  	v28 =	vand.u32 $0xFFFF0000, v59;
	v26 =	vadd.f32 v27, v26  }
0x11d: {  	s19 =	simm.s32 $0x0;
	v27 =	vshll.u32 v25, $0x10;
	v23 =	vadd.f32 v28, v23  }
0x11e: {  	v25 =	vand.u32 $0xFFFF0000, v25;
	v26 =	vadd.f32 v27, v26;
	v27 =	vmov s19  }
0x11f: {  	v23 =	vadd.f32 v25, v23;
	v25 =	vshll.u32 v24, $0x10;
	v24 =	vand.u32 $0xFFFF0000, v24  }
0x120: {  	v27 =	vshrl.u32 v27, $0x3  }
0x121: {  	v25 =	vadd.f32 v25, v26;
	v26 =	vshll.u32 v27, $0x3  }
0x122: {  	v30 =	vor.u32 $0x100, v5;
	v23 =	vadd.f32 v24, v23;
	v60 =	vbroadcast v26, $0x0;
	v24 =	vpop (erf)  }
0x123: {  	v27 =	vadd.s32 $0x2587, v0;
	v26 =	vor.u32 $0x101, v5;
	v25 =	vmul.f32 v24, v25  }
0x124: {  	v29 =	vadd.s32 $0x2580, v0;
	v23 =	vmul.f32 v24, v23;
	v24 =	vadd.s32 v27, v60  }
0x125: {  	v61 =	vadd.s32 v29, v60;
	v31 =	vadd.f32 v21, v25  }
0x126: {  	v32 =	vadd.s32 $0x2583, v0;
	v23 =	vadd.f32 v22, v23  }
0x127: {  	v28 =	vadd.s32 $0x2586, v0;
	v36 =	vadd.s32 v32, v60;
	[tilespmem:v30+s16+$0x0] =	vst.idx.msk $0xffff, v31  }
0x128: {  	v25 =	vadd.s32 v28, v60;
	v30 =	vadd.s32 $0x2581, v0;
	[tilespmem:v26+s16+$0x0] =	vst.idx.msk $0xffff, v23  }
0x129: {  	v62 =	vadd.s32 v30, v60;
	v23 =	vld.idx.msk [tilespmem:v24+s11+$0x0], $0xffff  }
0x12a: {  	v31 =	vadd.s32 $0x2582, v0;
	v38 =	vld.idx.msk [tilespmem:v61+s11+$0x0], $0xffff  }
0x12b: {  	v63 =	vadd.s32 v31, v60;
	v46 =	vld.idx.msk [tilespmem:v61+s10+$0x0], $0xffff  }
0x12c: {  	v40 =	vld.idx.msk [tilespmem:v36+s11+$0x0], $0xffff  }
0x12d: {  	v34 =	vadd.s32 $0x2584, v0;
	v26 =	vld.idx.msk [tilespmem:v25+s11+$0x0], $0xffff  }
0x12e: {  	v35 =	vadd.s32 v34, v60;
	v41 =	vld.idx.msk [tilespmem:v62+s11+$0x0], $0xffff  }
0x12f: {  	v33 =	vadd.s32 $0x2585, v0;
	v44 =	vld.idx.msk [tilespmem:v62+s10+$0x0], $0xffff  }
0x130: {  	v43 =	vimm.f32 $0.0e+00;
	v47 =	vadd.s32 v33, v60;
	v42 =	vld.idx.msk [tilespmem:v63+s11+$0x0], $0xffff  }
0x131: {  	v37 =	vimm.f32 $0.0e+00;
	v39 =	vimm.f32 $0.0e+00;
	v45 =	vld.idx.msk [tilespmem:v63+s10+$0x0], $0xffff;
	vm0 =	veq.s32 v38, $0x0  }
.LBB2_8:
0x132: {  	s19 =	sadd.s32 $0x8, s19;
	v46 =	vsel vm0, $0x773A, v46;
	v36 =	vld.idx.msk [tilespmem:v36+s10+$0x0], $0xffff  }
0x133: {  	vm0 =	veq.s32 v41, $0x0;
	v48 =	vmov s19;
	p0 =	slt.u32 s19, $0xC0;
	v49 =	vld.idx.msk [tilespmem:v35+s11+$0x0], $0xffff  }
0x134: {  	v44 =	vsel vm0, $0x773A, v44;
	v48 =	vshrl.u32 v48, $0x3;
	v50 =	vld.idx.msk [tilespmem:v35+s10+$0x0], $0xffff  }
0x135: {  	vm0 =	veq.s32 v42, $0x0;
	v35 =	vshll.u32 v48, $0x3;
	v48 =	vld.idx.msk [tilespmem:v47+s11+$0x0], $0xffff  }
0x136: {  	v45 =	vsel vm0, $0x773A, v45;
	v51 =	vbroadcast v35, $0x0;
	v47 =	vld.idx.msk [tilespmem:v47+s10+$0x0], $0xffff  }
0x137: {  	vm0 =	veq.s32 v40, $0x0;
	v46 =	vld.idx.msk [tilespmem:v46+s2+$0x0], $0xffff  }
0x138: {  	v53 =	vsel vm0, $0x773A, v36;
	v52 =	vadd.s32 v27, v51;
	v54 =	vld.idx.msk [tilespmem:v25+s10+$0x0], $0xffff;
	v25 =	vadd.s32 v28, v51  }
0x139: {  	v36 =	vadd.s32 v32, v51;
	v35 =	vadd.s32 v34, v51;
	vm0 =	veq.s32 v49, $0x0;
	v44 =	vld.idx.msk [tilespmem:v44+s2+$0x0], $0xffff  }
0x13a: {  	v55 =	vadd.s32 v30, v51;
	v56 =	vadd.s32 v31, v51;
	v50 =	vsel vm0, $0x773A, v50;
	v57 =	vld.idx.msk [tilespmem:v24+s10+$0x0], $0xffff;
	v24 =	vmovc v52  }
0x13b: {  	v42 =	vcvt.s32.f32 v42;
	v52 =	vadd.s32 v29, v51;
	vm0 =	veq.s32 v48, $0x0;
	v45 =	vld.idx.msk [tilespmem:v45+s2+$0x0], $0xffff  }
0x13c: {  	v41 =	vcvt.s32.f32 v41;
	v47 =	vsel vm0, $0x773A, v47;
	vm0 =	veq.s32 v23, $0x0  }
0x13d: {  	v38 =	vcvt.s32.f32 v38;
	vm1 =	veq.s32 v26, $0x0;
	v58 =	vshll.u32 v46, $0x10;
	v53 =	vld.idx.msk [tilespmem:v53+s2+$0x0], $0xffff  }
0x13e: {  	v46 =	vand.u32 $0xFFFF0000, v46;
	v37 =	vadd.f32 v58, v37;
	v54 =	vsel vm1, $0x773A, v54  }
0x13f: {  	v38 =	vadd.f32 v38, v43;
	v39 =	vadd.f32 v46, v39;
	v43 =	vshll.u32 v44, $0x10;
	v46 =	vld.idx.msk [tilespmem:v50+s2+$0x0], $0xffff  }
0x140: {  	v44 =	vand.u32 $0xFFFF0000, v44;
	v37 =	vadd.f32 v43, v37;
	v43 =	vsel vm0, $0x773A, v57  }
0x141: {  	v38 =	vadd.f32 v41, v38;
	v39 =	vadd.f32 v44, v39;
	v41 =	vshll.u32 v45, $0x10;
	v44 =	vld.idx.msk [tilespmem:v47+s2+$0x0], $0xffff  }
0x142: {  	v40 =	vcvt.s32.f32 v40;
	v45 =	vand.u32 $0xFFFF0000, v45;
	v37 =	vadd.f32 v41, v37  }
0x143: {  	v38 =	vadd.f32 v42, v38;
	v39 =	vadd.f32 v45, v39;
	v41 =	vshll.u32 v53, $0x10;
	v42 =	vld.idx.msk [tilespmem:v54+s2+$0x0], $0xffff  }
0x144: {  	v47 =	vand.u32 $0xFFFF0000, v53;
	v37 =	vadd.f32 v41, v37;
	v41 =	vcvt.s32.f32 v49;
	v45 =	vld.idx.msk [tilespmem:v24+s11+$0x0], $0xffff  }
0x145: {  	v40 =	vadd.f32 v40, v38;
	v39 =	vadd.f32 v47, v39;
	v38 =	vshll.u32 v46, $0x10;
	v43 =	vld.idx.msk [tilespmem:v43+s2+$0x0], $0xffff  }
0x146: {  	v47 =	vcvt.s32.f32 v48;
	v46 =	vand.u32 $0xFFFF0000, v46;
	v37 =	vadd.f32 v38, v37;
	v49 =	vld.idx.msk [tilespmem:v25+s11+$0x0], $0xffff  }
0x147: {  	v39 =	vadd.f32 v46, v39;
	v40 =	vadd.f32 v41, v40;
	v41 =	vshll.u32 v44, $0x10;
	v38 =	vld.idx.msk [tilespmem:v52+s11+$0x0], $0xffff  }
0x148: {  	v26 =	vcvt.s32.f32 v26;
	v44 =	vand.u32 $0xFFFF0000, v44;
	v37 =	vadd.f32 v41, v37;
	v46 =	vld.idx.msk [tilespmem:v52+s10+$0x0], $0xffff  }
.Ltmp3:
0x149: {  	v39 =	vadd.f32 v44, v39;
	v40 =	vadd.f32 v47, v40;
	v47 =	vshll.u32 v42, $0x10;
	v41 =	vld.idx.msk [tilespmem:v55+s11+$0x0], $0xffff;
	(pc) =	sbr.rel @p0 .LBB2_8-.Ltmp3, $4  }
0x14a: {  	v50 =	vcvt.s32.f32 v23;
	v48 =	vand.u32 $0xFFFF0000, v42;
	v37 =	vadd.f32 v47, v37;
	v23 =	vmovc v45;
	v44 =	vld.idx.msk [tilespmem:v55+s10+$0x0], $0xffff  }
0x14b: {  	v39 =	vadd.f32 v48, v39;
	v48 =	vadd.f32 v26, v40;
	v40 =	vshll.u32 v43, $0x10;
	v42 =	vld.idx.msk [tilespmem:v56+s11+$0x0], $0xffff  }
0x14c: {  	v47 =	vadd.s32 v33, v51;
	v43 =	vand.u32 $0xFFFF0000, v43;
	v37 =	vadd.f32 v40, v37;
	v26 =	vmovc v49;
	v45 =	vld.idx.msk [tilespmem:v56+s10+$0x0], $0xffff  }
0x14d: {  	v39 =	vadd.f32 v43, v39;
	v43 =	vadd.f32 v50, v48;
	vm0 =	veq.s32 v38, $0x0;
	v40 =	vld.idx.msk [tilespmem:v36+s11+$0x0], $0xffff  }
0x14e: {  	_ =	sdelay $0x3  }
0x14f: {  	v28 =	vld.idx.msk [tilespmem:v36+s10+$0x0], $0xffff  }
0x150: {  	v27 =	vsel vm0, $0x773A, v46;
	v29 =	vcvt.s32.f32 v38;
	v30 =	vld.idx.msk [tilespmem:v35+s11+$0x0], $0xffff  }
0x151: {  	vm0 =	veq.s32 v41, $0x0;
	v31 =	vld.idx.msk [tilespmem:v35+s10+$0x0], $0xffff  }
0x152: {  	v32 =	vcvt.s32.f32 v41;
	v34 =	vld.idx.msk [tilespmem:v47+s11+$0x0], $0xffff;
	v33 =	vsel vm0, $0x773A, v44;
	v29 =	vadd.f32 v29, v43  }
0x153: {  	v53 =	vld.idx.msk [tilespmem:v47+s10+$0x0], $0xffff;
	vm0 =	veq.s32 v42, $0x0  }
0x154: {  	v54 =	vcvt.s32.f32 v42;
	v55 =	vsel vm0, $0x773A, v45;
	v29 =	vadd.f32 v32, v29  }
0x155: {  	vm0 =	veq.s32 v40, $0x0;
	v56 =	vcvt.s32.f32 v40;
	v27 =	vld.idx.msk [tilespmem:v27+s2+$0x0], $0xffff  }
0x156: {  	v25 =	vld.idx.msk [tilespmem:v25+s10+$0x0], $0xffff;
	v28 =	vsel vm0, $0x773A, v28;
	vm0 =	veq.s32 v30, $0x0;
	v29 =	vadd.f32 v54, v29  }
0x157: {  	vm1 =	veq.s32 v34, $0x0;
	v30 =	vcvt.s32.f32 v30;
	v34 =	vcvt.s32.f32 v34;
	v33 =	vld.idx.msk [tilespmem:v33+s2+$0x0], $0xffff  }
0x158: {  	v24 =	vld.idx.msk [tilespmem:v24+s10+$0x0], $0xffff;
	v31 =	vsel vm0, $0x773A, v31;
	v35 =	vsel vm1, $0x773A, v53;
	v29 =	vadd.f32 v56, v29  }
0x159: {  	vm0 =	veq.s32 v23, $0x0;
	vm1 =	veq.s32 v26, $0x0;
	v26 =	vcvt.s32.f32 v26;
	v32 =	vld.idx.msk [tilespmem:v55+s2+$0x0], $0xffff  }
0x15a: {  	v23 =	vcvt.s32.f32 v23;
	v57 =	vshll.u32 v27, $0x10;
	v29 =	vadd.f32 v30, v29  }
0x15b: {  	v25 =	vsel vm1, $0x773A, v25;
	v27 =	vand.u32 $0xFFFF0000, v27;
	v28 =	vld.idx.msk [tilespmem:v28+s2+$0x0], $0xffff;
	v30 =	vadd.f32 v57, v37  }
0x15c: {  	v27 =	vadd.f32 v27, v39;
	v58 =	vshll.u32 v33, $0x10;
	v29 =	vadd.f32 v34, v29  }
0x15d: {  	v24 =	vsel vm0, $0x773A, v24;
	v33 =	vand.u32 $0xFFFF0000, v33;
	v31 =	vld.idx.msk [tilespmem:v31+s2+$0x0], $0xffff;
	v30 =	vadd.f32 v58, v30  }
0x15e: {  	v27 =	vadd.f32 v33, v27;
	v26 =	vadd.f32 v26, v29;
	v29 =	vshll.u32 v32, $0x10  }
0x15f: {  	v59 =	vld.idx.msk [tilespmem:v35+s2+$0x0], $0xffff;
	v32 =	vand.u32 $0xFFFF0000, v32;
	v29 =	vadd.f32 v29, v30  }
0x160: {  	v23 =	vadd.f32 v23, v26;
	v26 =	vadd.f32 v32, v27;
	v27 =	vshll.u32 v28, $0x10  }
0x161: {  	v25 =	vld.idx.msk [tilespmem:v25+s2+$0x0], $0xffff;
	v28 =	vand.u32 $0xFFFF0000, v28;
	v27 =	vadd.f32 v27, v29  }
0x162: {  	(erf) = vrcp.f32 v23;
	v23 =	vadd.f32 v28, v26;
	v26 =	vshll.u32 v31, $0x10  }
0x163: {  	v24 =	vld.idx.msk [tilespmem:v24+s2+$0x0], $0xffff;
	v28 =	vand.u32 $0xFFFF0000, v31;
	v26 =	vadd.f32 v26, v27  }
0x164: {  	v27 =	vshll.u32 v59, $0x10;
	v23 =	vadd.f32 v28, v23  }
0x165: {  	v28 =	vand.u32 $0xFFFF0000, v59;
	v26 =	vadd.f32 v27, v26  }
0x166: {  	v27 =	vshll.u32 v25, $0x10;
	v23 =	vadd.f32 v28, v23  }
0x167: {  	v25 =	vand.u32 $0xFFFF0000, v25;
	v26 =	vadd.f32 v27, v26  }
0x168: {  	v23 =	vadd.f32 v25, v23;
	v25 =	vshll.u32 v24, $0x10;
	v24 =	vand.u32 $0xFFFF0000, v24;
	_ =	sdelay $0x1  }
0x169: {  	v25 =	vadd.f32 v25, v26  }
0x16a: {  	v26 =	vor.u32 $0x180, v5;
	v23 =	vadd.f32 v24, v23;
	v24 =	vpop (erf)  }
0x16b: {  	v27 =	vor.u32 $0x181, v5;
	v25 =	vmul.f32 v24, v25  }
0x16c: {  	s19 =	simm.s32 $0x0;
	v23 =	vmul.f32 v24, v23  }
0x16d: {  	v24 =	vadd.f32 v21, v25;
	v25 =	vmov s19  }
0x16e: {  	v23 =	vadd.f32 v22, v23;
	v25 =	vshrl.u32 v25, $0x3  }
0x16f: {  	[tilespmem:v26+s16+$0x0] =	vst.idx.msk $0xffff, v24;
	v24 =	vshll.u32 v25, $0x3  }
0x170: {  	[tilespmem:v27+s16+$0x0] =	vst.idx.msk $0xffff, v23;
	v60 =	vbroadcast v24, $0x0  }
0x171: {  	v27 =	vadd.s32 $0x3207, v0;
	_ =	swait.ge [sflag:s15], $0x3200  }
0x172: {  	v28 =	vadd.s32 $0x3206, v0;
	[sflag:s15] =	ssyncset.done $0x0;
	v24 =	vadd.s32 v27, v60  }
0x173: {  	v29 =	vadd.s32 $0x3200, v0;
	v25 =	vadd.s32 v28, v60;
	[sflag:s15] =	ssyncadd.s32 $0xFFFFCE00  }
0x174: {  	v61 =	vadd.s32 v29, v60;
	_ =	swait.ge [sflag:s15], $0x3200  }
0x175: {  	v30 =	vadd.s32 $0x3201, v0;
	[sflag:s15] =	ssyncset.done $0x0  }
0x176: {  	v62 =	vadd.s32 v30, v60;
	[sflag:s15] =	ssyncadd.s32 $0xFFFFCE00  }
0x177: {  	v31 =	vadd.s32 $0x3202, v0;
	v23 =	vld.idx.msk [tilespmem:v24+s11+$0x0], $0xffff  }
0x178: {  	v63 =	vadd.s32 v31, v60;
	v26 =	vld.idx.msk [tilespmem:v25+s11+$0x0], $0xffff  }
0x179: {  	v32 =	vadd.s32 $0x3203, v0;
	v38 =	vld.idx.msk [tilespmem:v61+s11+$0x0], $0xffff  }
0x17a: {  	v36 =	vadd.s32 v32, v60;
	v46 =	vld.idx.msk [tilespmem:v61+s10+$0x0], $0xffff  }
0x17b: {  	v34 =	vadd.s32 $0x3204, v0;
	v41 =	vld.idx.msk [tilespmem:v62+s11+$0x0], $0xffff  }
0x17c: {  	v35 =	vadd.s32 v34, v60;
	v44 =	vld.idx.msk [tilespmem:v62+s10+$0x0], $0xffff  }
0x17d: {  	v33 =	vadd.s32 $0x3205, v0;
	v42 =	vld.idx.msk [tilespmem:v63+s11+$0x0], $0xffff  }
0x17e: {  	v43 =	vimm.f32 $0.0e+00;
	v47 =	vadd.s32 v33, v60;
	v45 =	vld.idx.msk [tilespmem:v63+s10+$0x0], $0xffff  }
0x17f: {  	v37 =	vimm.f32 $0.0e+00;
	v39 =	vimm.f32 $0.0e+00;
	v40 =	vld.idx.msk [tilespmem:v36+s11+$0x0], $0xffff;
	vm0 =	veq.s32 v38, $0x0  }
.LBB2_10:
0x180: {  	s19 =	sadd.s32 $0x8, s19;
	v46 =	vsel vm0, $0x773A, v46;
	v36 =	vld.idx.msk [tilespmem:v36+s10+$0x0], $0xffff  }
0x181: {  	vm0 =	veq.s32 v41, $0x0;
	v48 =	vmov s19;
	p0 =	slt.u32 s19, $0xC0;
	v49 =	vld.idx.msk [tilespmem:v35+s11+$0x0], $0xffff  }
0x182: {  	v44 =	vsel vm0, $0x773A, v44;
	v48 =	vshrl.u32 v48, $0x3;
	v50 =	vld.idx.msk [tilespmem:v35+s10+$0x0], $0xffff  }
0x183: {  	vm0 =	veq.s32 v42, $0x0;
	v35 =	vshll.u32 v48, $0x3;
	v48 =	vld.idx.msk [tilespmem:v47+s11+$0x0], $0xffff  }
0x184: {  	v45 =	vsel vm0, $0x773A, v45;
	v51 =	vbroadcast v35, $0x0;
	v47 =	vld.idx.msk [tilespmem:v47+s10+$0x0], $0xffff  }
0x185: {  	vm0 =	veq.s32 v40, $0x0;
	v46 =	vld.idx.msk [tilespmem:v46+s2+$0x0], $0xffff  }
0x186: {  	v53 =	vsel vm0, $0x773A, v36;
	v52 =	vadd.s32 v27, v51;
	v54 =	vld.idx.msk [tilespmem:v25+s10+$0x0], $0xffff;
	v25 =	vadd.s32 v28, v51  }
0x187: {  	v36 =	vadd.s32 v32, v51;
	v35 =	vadd.s32 v34, v51;
	vm0 =	veq.s32 v49, $0x0;
	v44 =	vld.idx.msk [tilespmem:v44+s2+$0x0], $0xffff  }
0x188: {  	v55 =	vadd.s32 v30, v51;
	v56 =	vadd.s32 v31, v51;
	v50 =	vsel vm0, $0x773A, v50;
	v57 =	vld.idx.msk [tilespmem:v24+s10+$0x0], $0xffff;
	v24 =	vmovc v52  }
0x189: {  	v42 =	vcvt.s32.f32 v42;
	v52 =	vadd.s32 v29, v51;
	vm0 =	veq.s32 v48, $0x0;
	v45 =	vld.idx.msk [tilespmem:v45+s2+$0x0], $0xffff  }
0x18a: {  	v41 =	vcvt.s32.f32 v41;
	v47 =	vsel vm0, $0x773A, v47;
	vm0 =	veq.s32 v23, $0x0  }
0x18b: {  	v38 =	vcvt.s32.f32 v38;
	vm1 =	veq.s32 v26, $0x0;
	v58 =	vshll.u32 v46, $0x10;
	v53 =	vld.idx.msk [tilespmem:v53+s2+$0x0], $0xffff  }
0x18c: {  	v46 =	vand.u32 $0xFFFF0000, v46;
	v37 =	vadd.f32 v58, v37;
	v54 =	vsel vm1, $0x773A, v54  }
0x18d: {  	v38 =	vadd.f32 v38, v43;
	v39 =	vadd.f32 v46, v39;
	v43 =	vshll.u32 v44, $0x10;
	v46 =	vld.idx.msk [tilespmem:v50+s2+$0x0], $0xffff  }
0x18e: {  	v44 =	vand.u32 $0xFFFF0000, v44;
	v37 =	vadd.f32 v43, v37;
	v43 =	vsel vm0, $0x773A, v57  }
0x18f: {  	v38 =	vadd.f32 v41, v38;
	v39 =	vadd.f32 v44, v39;
	v41 =	vshll.u32 v45, $0x10;
	v44 =	vld.idx.msk [tilespmem:v47+s2+$0x0], $0xffff  }
0x190: {  	v40 =	vcvt.s32.f32 v40;
	v45 =	vand.u32 $0xFFFF0000, v45;
	v37 =	vadd.f32 v41, v37  }
0x191: {  	v38 =	vadd.f32 v42, v38;
	v39 =	vadd.f32 v45, v39;
	v41 =	vshll.u32 v53, $0x10;
	v42 =	vld.idx.msk [tilespmem:v54+s2+$0x0], $0xffff  }
0x192: {  	v47 =	vand.u32 $0xFFFF0000, v53;
	v37 =	vadd.f32 v41, v37;
	v41 =	vcvt.s32.f32 v49;
	v45 =	vld.idx.msk [tilespmem:v24+s11+$0x0], $0xffff  }
0x193: {  	v40 =	vadd.f32 v40, v38;
	v39 =	vadd.f32 v47, v39;
	v38 =	vshll.u32 v46, $0x10;
	v43 =	vld.idx.msk [tilespmem:v43+s2+$0x0], $0xffff  }
0x194: {  	v47 =	vcvt.s32.f32 v48;
	v46 =	vand.u32 $0xFFFF0000, v46;
	v37 =	vadd.f32 v38, v37;
	v49 =	vld.idx.msk [tilespmem:v25+s11+$0x0], $0xffff  }
0x195: {  	v39 =	vadd.f32 v46, v39;
	v40 =	vadd.f32 v41, v40;
	v41 =	vshll.u32 v44, $0x10;
	v38 =	vld.idx.msk [tilespmem:v52+s11+$0x0], $0xffff  }
0x196: {  	v26 =	vcvt.s32.f32 v26;
	v44 =	vand.u32 $0xFFFF0000, v44;
	v37 =	vadd.f32 v41, v37;
	v46 =	vld.idx.msk [tilespmem:v52+s10+$0x0], $0xffff  }
.Ltmp4:
0x197: {  	v39 =	vadd.f32 v44, v39;
	v40 =	vadd.f32 v47, v40;
	v47 =	vshll.u32 v42, $0x10;
	v41 =	vld.idx.msk [tilespmem:v55+s11+$0x0], $0xffff;
	(pc) =	sbr.rel @p0 .LBB2_10-.Ltmp4, $4  }
0x198: {  	v50 =	vcvt.s32.f32 v23;
	v48 =	vand.u32 $0xFFFF0000, v42;
	v37 =	vadd.f32 v47, v37;
	v23 =	vmovc v45;
	v44 =	vld.idx.msk [tilespmem:v55+s10+$0x0], $0xffff  }
0x199: {  	v39 =	vadd.f32 v48, v39;
	v48 =	vadd.f32 v26, v40;
	v40 =	vshll.u32 v43, $0x10;
	v42 =	vld.idx.msk [tilespmem:v56+s11+$0x0], $0xffff  }
0x19a: {  	v47 =	vadd.s32 v33, v51;
	v43 =	vand.u32 $0xFFFF0000, v43;
	v37 =	vadd.f32 v40, v37;
	v26 =	vmovc v49;
	v45 =	vld.idx.msk [tilespmem:v56+s10+$0x0], $0xffff  }
0x19b: {  	v39 =	vadd.f32 v43, v39;
	v43 =	vadd.f32 v50, v48;
	vm0 =	veq.s32 v38, $0x0;
	v40 =	vld.idx.msk [tilespmem:v36+s11+$0x0], $0xffff  }
0x19c: {  	_ =	sdelay $0x3  }
0x19d: {  	v28 =	vld.idx.msk [tilespmem:v36+s10+$0x0], $0xffff  }
0x19e: {  	v27 =	vsel vm0, $0x773A, v46;
	v29 =	vcvt.s32.f32 v38;
	v30 =	vld.idx.msk [tilespmem:v35+s11+$0x0], $0xffff  }
0x19f: {  	vm0 =	veq.s32 v41, $0x0;
	v31 =	vld.idx.msk [tilespmem:v35+s10+$0x0], $0xffff  }
0x1a0: {  	v32 =	vcvt.s32.f32 v41;
	v34 =	vld.idx.msk [tilespmem:v47+s11+$0x0], $0xffff;
	v33 =	vsel vm0, $0x773A, v44;
	v29 =	vadd.f32 v29, v43  }
0x1a1: {  	v53 =	vld.idx.msk [tilespmem:v47+s10+$0x0], $0xffff;
	vm0 =	veq.s32 v42, $0x0  }
0x1a2: {  	v54 =	vcvt.s32.f32 v42;
	v55 =	vsel vm0, $0x773A, v45;
	v29 =	vadd.f32 v32, v29  }
0x1a3: {  	vm0 =	veq.s32 v40, $0x0;
	v56 =	vcvt.s32.f32 v40;
	v27 =	vld.idx.msk [tilespmem:v27+s2+$0x0], $0xffff  }
0x1a4: {  	v25 =	vld.idx.msk [tilespmem:v25+s10+$0x0], $0xffff;
	v28 =	vsel vm0, $0x773A, v28;
	vm0 =	veq.s32 v30, $0x0;
	v29 =	vadd.f32 v54, v29  }
0x1a5: {  	vm1 =	veq.s32 v34, $0x0;
	v30 =	vcvt.s32.f32 v30;
	v34 =	vcvt.s32.f32 v34;
	v33 =	vld.idx.msk [tilespmem:v33+s2+$0x0], $0xffff  }
0x1a6: {  	v24 =	vld.idx.msk [tilespmem:v24+s10+$0x0], $0xffff;
	v31 =	vsel vm0, $0x773A, v31;
	v35 =	vsel vm1, $0x773A, v53;
	v29 =	vadd.f32 v56, v29  }
0x1a7: {  	vm0 =	veq.s32 v23, $0x0;
	vm1 =	veq.s32 v26, $0x0;
	v26 =	vcvt.s32.f32 v26;
	v32 =	vld.idx.msk [tilespmem:v55+s2+$0x0], $0xffff  }
0x1a8: {  	v23 =	vcvt.s32.f32 v23;
	v57 =	vshll.u32 v27, $0x10;
	v29 =	vadd.f32 v30, v29  }
0x1a9: {  	v25 =	vsel vm1, $0x773A, v25;
	v27 =	vand.u32 $0xFFFF0000, v27;
	v28 =	vld.idx.msk [tilespmem:v28+s2+$0x0], $0xffff;
	v30 =	vadd.f32 v57, v37  }
0x1aa: {  	v27 =	vadd.f32 v27, v39;
	v58 =	vshll.u32 v33, $0x10;
	v29 =	vadd.f32 v34, v29  }
0x1ab: {  	v24 =	vsel vm0, $0x773A, v24;
	v33 =	vand.u32 $0xFFFF0000, v33;
	v31 =	vld.idx.msk [tilespmem:v31+s2+$0x0], $0xffff;
	v30 =	vadd.f32 v58, v30  }
0x1ac: {  	v27 =	vadd.f32 v33, v27;
	v26 =	vadd.f32 v26, v29;
	v29 =	vshll.u32 v32, $0x10  }
0x1ad: {  	v59 =	vld.idx.msk [tilespmem:v35+s2+$0x0], $0xffff;
	v32 =	vand.u32 $0xFFFF0000, v32;
	v29 =	vadd.f32 v29, v30  }
0x1ae: {  	v23 =	vadd.f32 v23, v26;
	v26 =	vadd.f32 v32, v27;
	v27 =	vshll.u32 v28, $0x10  }
0x1af: {  	v25 =	vld.idx.msk [tilespmem:v25+s2+$0x0], $0xffff;
	v28 =	vand.u32 $0xFFFF0000, v28;
	v27 =	vadd.f32 v27, v29  }
0x1b0: {  	(erf) = vrcp.f32 v23;
	v23 =	vadd.f32 v28, v26;
	v26 =	vshll.u32 v31, $0x10  }
0x1b1: {  	v24 =	vld.idx.msk [tilespmem:v24+s2+$0x0], $0xffff;
	v28 =	vand.u32 $0xFFFF0000, v31;
	v26 =	vadd.f32 v26, v27  }
0x1b2: {  	v27 =	vshll.u32 v59, $0x10;
	v23 =	vadd.f32 v28, v23  }
0x1b3: {  	v28 =	vand.u32 $0xFFFF0000, v59;
	v26 =	vadd.f32 v27, v26  }
0x1b4: {  	s19 =	simm.s32 $0x0;
	v27 =	vshll.u32 v25, $0x10;
	v23 =	vadd.f32 v28, v23  }
0x1b5: {  	v25 =	vand.u32 $0xFFFF0000, v25;
	v26 =	vadd.f32 v27, v26;
	v27 =	vmov s19  }
0x1b6: {  	v23 =	vadd.f32 v25, v23;
	v25 =	vshll.u32 v24, $0x10;
	v24 =	vand.u32 $0xFFFF0000, v24  }
0x1b7: {  	v27 =	vshrl.u32 v27, $0x3  }
0x1b8: {  	v25 =	vadd.f32 v25, v26;
	v26 =	vshll.u32 v27, $0x3  }
0x1b9: {  	v30 =	vor.u32 $0x200, v5;
	v23 =	vadd.f32 v24, v23;
	v60 =	vbroadcast v26, $0x0;
	v24 =	vpop (erf)  }
0x1ba: {  	v27 =	vadd.s32 $0x3E87, v0;
	v26 =	vor.u32 $0x201, v5;
	v25 =	vmul.f32 v24, v25  }
0x1bb: {  	v29 =	vadd.s32 $0x3E80, v0;
	v23 =	vmul.f32 v24, v23;
	v24 =	vadd.s32 v27, v60  }
0x1bc: {  	v61 =	vadd.s32 v29, v60;
	v31 =	vadd.f32 v21, v25  }
0x1bd: {  	v32 =	vadd.s32 $0x3E83, v0;
	v23 =	vadd.f32 v22, v23  }
0x1be: {  	v28 =	vadd.s32 $0x3E86, v0;
	v36 =	vadd.s32 v32, v60;
	[tilespmem:v30+s16+$0x0] =	vst.idx.msk $0xffff, v31  }
0x1bf: {  	v25 =	vadd.s32 v28, v60;
	v30 =	vadd.s32 $0x3E81, v0;
	[tilespmem:v26+s16+$0x0] =	vst.idx.msk $0xffff, v23  }
0x1c0: {  	v62 =	vadd.s32 v30, v60;
	v23 =	vld.idx.msk [tilespmem:v24+s11+$0x0], $0xffff  }
0x1c1: {  	v31 =	vadd.s32 $0x3E82, v0;
	v38 =	vld.idx.msk [tilespmem:v61+s11+$0x0], $0xffff  }
0x1c2: {  	v63 =	vadd.s32 v31, v60;
	v46 =	vld.idx.msk [tilespmem:v61+s10+$0x0], $0xffff  }
0x1c3: {  	v40 =	vld.idx.msk [tilespmem:v36+s11+$0x0], $0xffff  }
0x1c4: {  	v34 =	vadd.s32 $0x3E84, v0;
	v26 =	vld.idx.msk [tilespmem:v25+s11+$0x0], $0xffff  }
0x1c5: {  	v35 =	vadd.s32 v34, v60;
	v41 =	vld.idx.msk [tilespmem:v62+s11+$0x0], $0xffff  }
0x1c6: {  	v33 =	vadd.s32 $0x3E85, v0;
	v44 =	vld.idx.msk [tilespmem:v62+s10+$0x0], $0xffff  }
0x1c7: {  	v43 =	vimm.f32 $0.0e+00;
	v47 =	vadd.s32 v33, v60;
	v42 =	vld.idx.msk [tilespmem:v63+s11+$0x0], $0xffff  }
0x1c8: {  	v37 =	vimm.f32 $0.0e+00;
	v39 =	vimm.f32 $0.0e+00;
	v45 =	vld.idx.msk [tilespmem:v63+s10+$0x0], $0xffff;
	vm0 =	veq.s32 v38, $0x0  }
.LBB2_12:
0x1c9: {  	s19 =	sadd.s32 $0x8, s19;
	v46 =	vsel vm0, $0x773A, v46;
	v36 =	vld.idx.msk [tilespmem:v36+s10+$0x0], $0xffff  }
0x1ca: {  	vm0 =	veq.s32 v41, $0x0;
	v48 =	vmov s19;
	p0 =	slt.u32 s19, $0xC0;
	v49 =	vld.idx.msk [tilespmem:v35+s11+$0x0], $0xffff  }
0x1cb: {  	v44 =	vsel vm0, $0x773A, v44;
	v48 =	vshrl.u32 v48, $0x3;
	v50 =	vld.idx.msk [tilespmem:v35+s10+$0x0], $0xffff  }
0x1cc: {  	vm0 =	veq.s32 v42, $0x0;
	v35 =	vshll.u32 v48, $0x3;
	v48 =	vld.idx.msk [tilespmem:v47+s11+$0x0], $0xffff  }
0x1cd: {  	v45 =	vsel vm0, $0x773A, v45;
	v51 =	vbroadcast v35, $0x0;
	v47 =	vld.idx.msk [tilespmem:v47+s10+$0x0], $0xffff  }
0x1ce: {  	vm0 =	veq.s32 v40, $0x0;
	v46 =	vld.idx.msk [tilespmem:v46+s2+$0x0], $0xffff  }
0x1cf: {  	v53 =	vsel vm0, $0x773A, v36;
	v52 =	vadd.s32 v27, v51;
	v54 =	vld.idx.msk [tilespmem:v25+s10+$0x0], $0xffff;
	v25 =	vadd.s32 v28, v51  }
0x1d0: {  	v36 =	vadd.s32 v32, v51;
	v35 =	vadd.s32 v34, v51;
	vm0 =	veq.s32 v49, $0x0;
	v44 =	vld.idx.msk [tilespmem:v44+s2+$0x0], $0xffff  }
0x1d1: {  	v55 =	vadd.s32 v30, v51;
	v56 =	vadd.s32 v31, v51;
	v50 =	vsel vm0, $0x773A, v50;
	v57 =	vld.idx.msk [tilespmem:v24+s10+$0x0], $0xffff;
	v24 =	vmovc v52  }
0x1d2: {  	v42 =	vcvt.s32.f32 v42;
	v52 =	vadd.s32 v29, v51;
	vm0 =	veq.s32 v48, $0x0;
	v45 =	vld.idx.msk [tilespmem:v45+s2+$0x0], $0xffff  }
0x1d3: {  	v41 =	vcvt.s32.f32 v41;
	v47 =	vsel vm0, $0x773A, v47;
	vm0 =	veq.s32 v23, $0x0  }
0x1d4: {  	v38 =	vcvt.s32.f32 v38;
	vm1 =	veq.s32 v26, $0x0;
	v58 =	vshll.u32 v46, $0x10;
	v53 =	vld.idx.msk [tilespmem:v53+s2+$0x0], $0xffff  }
0x1d5: {  	v46 =	vand.u32 $0xFFFF0000, v46;
	v37 =	vadd.f32 v58, v37;
	v54 =	vsel vm1, $0x773A, v54  }
0x1d6: {  	v38 =	vadd.f32 v38, v43;
	v39 =	vadd.f32 v46, v39;
	v43 =	vshll.u32 v44, $0x10;
	v46 =	vld.idx.msk [tilespmem:v50+s2+$0x0], $0xffff  }
0x1d7: {  	v44 =	vand.u32 $0xFFFF0000, v44;
	v37 =	vadd.f32 v43, v37;
	v43 =	vsel vm0, $0x773A, v57  }
0x1d8: {  	v38 =	vadd.f32 v41, v38;
	v39 =	vadd.f32 v44, v39;
	v41 =	vshll.u32 v45, $0x10;
	v44 =	vld.idx.msk [tilespmem:v47+s2+$0x0], $0xffff  }
0x1d9: {  	v40 =	vcvt.s32.f32 v40;
	v45 =	vand.u32 $0xFFFF0000, v45;
	v37 =	vadd.f32 v41, v37  }
0x1da: {  	v38 =	vadd.f32 v42, v38;
	v39 =	vadd.f32 v45, v39;
	v41 =	vshll.u32 v53, $0x10;
	v42 =	vld.idx.msk [tilespmem:v54+s2+$0x0], $0xffff  }
0x1db: {  	v47 =	vand.u32 $0xFFFF0000, v53;
	v37 =	vadd.f32 v41, v37;
	v41 =	vcvt.s32.f32 v49;
	v45 =	vld.idx.msk [tilespmem:v24+s11+$0x0], $0xffff  }
0x1dc: {  	v40 =	vadd.f32 v40, v38;
	v39 =	vadd.f32 v47, v39;
	v38 =	vshll.u32 v46, $0x10;
	v43 =	vld.idx.msk [tilespmem:v43+s2+$0x0], $0xffff  }
0x1dd: {  	v47 =	vcvt.s32.f32 v48;
	v46 =	vand.u32 $0xFFFF0000, v46;
	v37 =	vadd.f32 v38, v37;
	v49 =	vld.idx.msk [tilespmem:v25+s11+$0x0], $0xffff  }
0x1de: {  	v39 =	vadd.f32 v46, v39;
	v40 =	vadd.f32 v41, v40;
	v41 =	vshll.u32 v44, $0x10;
	v38 =	vld.idx.msk [tilespmem:v52+s11+$0x0], $0xffff  }
0x1df: {  	v26 =	vcvt.s32.f32 v26;
	v44 =	vand.u32 $0xFFFF0000, v44;
	v37 =	vadd.f32 v41, v37;
	v46 =	vld.idx.msk [tilespmem:v52+s10+$0x0], $0xffff  }
.Ltmp5:
0x1e0: {  	v39 =	vadd.f32 v44, v39;
	v40 =	vadd.f32 v47, v40;
	v47 =	vshll.u32 v42, $0x10;
	v41 =	vld.idx.msk [tilespmem:v55+s11+$0x0], $0xffff;
	(pc) =	sbr.rel @p0 .LBB2_12-.Ltmp5, $4  }
0x1e1: {  	v50 =	vcvt.s32.f32 v23;
	v48 =	vand.u32 $0xFFFF0000, v42;
	v37 =	vadd.f32 v47, v37;
	v23 =	vmovc v45;
	v44 =	vld.idx.msk [tilespmem:v55+s10+$0x0], $0xffff  }
0x1e2: {  	v39 =	vadd.f32 v48, v39;
	v48 =	vadd.f32 v26, v40;
	v40 =	vshll.u32 v43, $0x10;
	v42 =	vld.idx.msk [tilespmem:v56+s11+$0x0], $0xffff  }
0x1e3: {  	v47 =	vadd.s32 v33, v51;
	v43 =	vand.u32 $0xFFFF0000, v43;
	v37 =	vadd.f32 v40, v37;
	v26 =	vmovc v49;
	v45 =	vld.idx.msk [tilespmem:v56+s10+$0x0], $0xffff  }
0x1e4: {  	v39 =	vadd.f32 v43, v39;
	v43 =	vadd.f32 v50, v48;
	vm0 =	veq.s32 v38, $0x0;
	v40 =	vld.idx.msk [tilespmem:v36+s11+$0x0], $0xffff  }
0x1e5: {  	_ =	sdelay $0x3  }
0x1e6: {  	v28 =	vld.idx.msk [tilespmem:v36+s10+$0x0], $0xffff  }
0x1e7: {  	v27 =	vsel vm0, $0x773A, v46;
	v29 =	vcvt.s32.f32 v38;
	v30 =	vld.idx.msk [tilespmem:v35+s11+$0x0], $0xffff  }
0x1e8: {  	vm0 =	veq.s32 v41, $0x0;
	v31 =	vld.idx.msk [tilespmem:v35+s10+$0x0], $0xffff  }
0x1e9: {  	v32 =	vcvt.s32.f32 v41;
	v34 =	vld.idx.msk [tilespmem:v47+s11+$0x0], $0xffff;
	v33 =	vsel vm0, $0x773A, v44;
	v29 =	vadd.f32 v29, v43  }
0x1ea: {  	v53 =	vld.idx.msk [tilespmem:v47+s10+$0x0], $0xffff;
	vm0 =	veq.s32 v42, $0x0  }
0x1eb: {  	v54 =	vcvt.s32.f32 v42;
	v55 =	vsel vm0, $0x773A, v45;
	v29 =	vadd.f32 v32, v29  }
0x1ec: {  	vm0 =	veq.s32 v40, $0x0;
	v56 =	vcvt.s32.f32 v40;
	v27 =	vld.idx.msk [tilespmem:v27+s2+$0x0], $0xffff  }
0x1ed: {  	v25 =	vld.idx.msk [tilespmem:v25+s10+$0x0], $0xffff;
	v28 =	vsel vm0, $0x773A, v28;
	vm0 =	veq.s32 v30, $0x0;
	v29 =	vadd.f32 v54, v29  }
0x1ee: {  	vm1 =	veq.s32 v34, $0x0;
	v30 =	vcvt.s32.f32 v30;
	v34 =	vcvt.s32.f32 v34;
	v33 =	vld.idx.msk [tilespmem:v33+s2+$0x0], $0xffff  }
0x1ef: {  	v24 =	vld.idx.msk [tilespmem:v24+s10+$0x0], $0xffff;
	v31 =	vsel vm0, $0x773A, v31;
	v35 =	vsel vm1, $0x773A, v53;
	v29 =	vadd.f32 v56, v29  }
0x1f0: {  	vm0 =	veq.s32 v23, $0x0;
	vm1 =	veq.s32 v26, $0x0;
	v26 =	vcvt.s32.f32 v26;
	v32 =	vld.idx.msk [tilespmem:v55+s2+$0x0], $0xffff  }
0x1f1: {  	v23 =	vcvt.s32.f32 v23;
	v57 =	vshll.u32 v27, $0x10;
	v29 =	vadd.f32 v30, v29  }
0x1f2: {  	v25 =	vsel vm1, $0x773A, v25;
	v27 =	vand.u32 $0xFFFF0000, v27;
	v28 =	vld.idx.msk [tilespmem:v28+s2+$0x0], $0xffff;
	v30 =	vadd.f32 v57, v37  }
0x1f3: {  	v27 =	vadd.f32 v27, v39;
	v58 =	vshll.u32 v33, $0x10;
	v29 =	vadd.f32 v34, v29  }
0x1f4: {  	v24 =	vsel vm0, $0x773A, v24;
	v33 =	vand.u32 $0xFFFF0000, v33;
	v31 =	vld.idx.msk [tilespmem:v31+s2+$0x0], $0xffff;
	v30 =	vadd.f32 v58, v30  }
0x1f5: {  	v27 =	vadd.f32 v33, v27;
	v26 =	vadd.f32 v26, v29;
	v29 =	vshll.u32 v32, $0x10  }
0x1f6: {  	v59 =	vld.idx.msk [tilespmem:v35+s2+$0x0], $0xffff;
	v32 =	vand.u32 $0xFFFF0000, v32;
	v29 =	vadd.f32 v29, v30  }
0x1f7: {  	v23 =	vadd.f32 v23, v26;
	v26 =	vadd.f32 v32, v27;
	v27 =	vshll.u32 v28, $0x10  }
0x1f8: {  	v25 =	vld.idx.msk [tilespmem:v25+s2+$0x0], $0xffff;
	v28 =	vand.u32 $0xFFFF0000, v28;
	v27 =	vadd.f32 v27, v29  }
0x1f9: {  	(erf) = vrcp.f32 v23;
	v23 =	vadd.f32 v28, v26;
	v26 =	vshll.u32 v31, $0x10  }
0x1fa: {  	v24 =	vld.idx.msk [tilespmem:v24+s2+$0x0], $0xffff;
	v28 =	vand.u32 $0xFFFF0000, v31;
	v26 =	vadd.f32 v26, v27  }
0x1fb: {  	v27 =	vshll.u32 v59, $0x10;
	v23 =	vadd.f32 v28, v23  }
0x1fc: {  	v28 =	vand.u32 $0xFFFF0000, v59;
	v26 =	vadd.f32 v27, v26  }
0x1fd: {  	s19 =	simm.s32 $0x0;
	v27 =	vshll.u32 v25, $0x10;
	v23 =	vadd.f32 v28, v23  }
0x1fe: {  	v25 =	vand.u32 $0xFFFF0000, v25;
	v26 =	vadd.f32 v27, v26;
	v27 =	vmov s19  }
0x1ff: {  	v23 =	vadd.f32 v25, v23;
	v25 =	vshll.u32 v24, $0x10;
	v24 =	vand.u32 $0xFFFF0000, v24  }
0x200: {  	v27 =	vshrl.u32 v27, $0x3  }
0x201: {  	v25 =	vadd.f32 v25, v26;
	v26 =	vshll.u32 v27, $0x3  }
0x202: {  	v30 =	vor.u32 $0x280, v5;
	v23 =	vadd.f32 v24, v23;
	v60 =	vbroadcast v26, $0x0;
	v24 =	vpop (erf)  }
0x203: {  	v27 =	vadd.s32 $0x4B07, v0;
	v26 =	vor.u32 $0x281, v5;
	v25 =	vmul.f32 v24, v25  }
0x204: {  	v29 =	vadd.s32 $0x4B00, v0;
	v23 =	vmul.f32 v24, v23;
	v24 =	vadd.s32 v27, v60  }
0x205: {  	v61 =	vadd.s32 v29, v60;
	v31 =	vadd.f32 v21, v25  }
0x206: {  	v32 =	vadd.s32 $0x4B03, v0;
	v23 =	vadd.f32 v22, v23  }
0x207: {  	v28 =	vadd.s32 $0x4B06, v0;
	v36 =	vadd.s32 v32, v60;
	[tilespmem:v30+s16+$0x0] =	vst.idx.msk $0xffff, v31  }
0x208: {  	v25 =	vadd.s32 v28, v60;
	v30 =	vadd.s32 $0x4B01, v0;
	[tilespmem:v26+s16+$0x0] =	vst.idx.msk $0xffff, v23  }
0x209: {  	v62 =	vadd.s32 v30, v60;
	v23 =	vld.idx.msk [tilespmem:v24+s11+$0x0], $0xffff  }
0x20a: {  	v31 =	vadd.s32 $0x4B02, v0;
	v38 =	vld.idx.msk [tilespmem:v61+s11+$0x0], $0xffff  }
0x20b: {  	v63 =	vadd.s32 v31, v60;
	v46 =	vld.idx.msk [tilespmem:v61+s10+$0x0], $0xffff  }
0x20c: {  	v40 =	vld.idx.msk [tilespmem:v36+s11+$0x0], $0xffff  }
0x20d: {  	v34 =	vadd.s32 $0x4B04, v0;
	v26 =	vld.idx.msk [tilespmem:v25+s11+$0x0], $0xffff  }
0x20e: {  	v35 =	vadd.s32 v34, v60;
	v41 =	vld.idx.msk [tilespmem:v62+s11+$0x0], $0xffff  }
0x20f: {  	v33 =	vadd.s32 $0x4B05, v0;
	v44 =	vld.idx.msk [tilespmem:v62+s10+$0x0], $0xffff  }
0x210: {  	v43 =	vimm.f32 $0.0e+00;
	v47 =	vadd.s32 v33, v60;
	v42 =	vld.idx.msk [tilespmem:v63+s11+$0x0], $0xffff  }
0x211: {  	v37 =	vimm.f32 $0.0e+00;
	v39 =	vimm.f32 $0.0e+00;
	v45 =	vld.idx.msk [tilespmem:v63+s10+$0x0], $0xffff;
	vm0 =	veq.s32 v38, $0x0  }
.LBB2_14:
0x212: {  	s19 =	sadd.s32 $0x8, s19;
	v46 =	vsel vm0, $0x773A, v46;
	v36 =	vld.idx.msk [tilespmem:v36+s10+$0x0], $0xffff  }
0x213: {  	vm0 =	veq.s32 v41, $0x0;
	v48 =	vmov s19;
	p0 =	slt.u32 s19, $0xC0;
	v49 =	vld.idx.msk [tilespmem:v35+s11+$0x0], $0xffff  }
0x214: {  	v44 =	vsel vm0, $0x773A, v44;
	v48 =	vshrl.u32 v48, $0x3;
	v50 =	vld.idx.msk [tilespmem:v35+s10+$0x0], $0xffff  }
0x215: {  	vm0 =	veq.s32 v42, $0x0;
	v35 =	vshll.u32 v48, $0x3;
	v48 =	vld.idx.msk [tilespmem:v47+s11+$0x0], $0xffff  }
0x216: {  	v45 =	vsel vm0, $0x773A, v45;
	v51 =	vbroadcast v35, $0x0;
	v47 =	vld.idx.msk [tilespmem:v47+s10+$0x0], $0xffff  }
0x217: {  	vm0 =	veq.s32 v40, $0x0;
	v46 =	vld.idx.msk [tilespmem:v46+s2+$0x0], $0xffff  }
0x218: {  	v53 =	vsel vm0, $0x773A, v36;
	v52 =	vadd.s32 v27, v51;
	v54 =	vld.idx.msk [tilespmem:v25+s10+$0x0], $0xffff;
	v25 =	vadd.s32 v28, v51  }
0x219: {  	v36 =	vadd.s32 v32, v51;
	v35 =	vadd.s32 v34, v51;
	vm0 =	veq.s32 v49, $0x0;
	v44 =	vld.idx.msk [tilespmem:v44+s2+$0x0], $0xffff  }
0x21a: {  	v55 =	vadd.s32 v30, v51;
	v56 =	vadd.s32 v31, v51;
	v50 =	vsel vm0, $0x773A, v50;
	v57 =	vld.idx.msk [tilespmem:v24+s10+$0x0], $0xffff;
	v24 =	vmovc v52  }
0x21b: {  	v42 =	vcvt.s32.f32 v42;
	v52 =	vadd.s32 v29, v51;
	vm0 =	veq.s32 v48, $0x0;
	v45 =	vld.idx.msk [tilespmem:v45+s2+$0x0], $0xffff  }
0x21c: {  	v41 =	vcvt.s32.f32 v41;
	v47 =	vsel vm0, $0x773A, v47;
	vm0 =	veq.s32 v23, $0x0  }
0x21d: {  	v38 =	vcvt.s32.f32 v38;
	vm1 =	veq.s32 v26, $0x0;
	v58 =	vshll.u32 v46, $0x10;
	v53 =	vld.idx.msk [tilespmem:v53+s2+$0x0], $0xffff  }
0x21e: {  	v46 =	vand.u32 $0xFFFF0000, v46;
	v37 =	vadd.f32 v58, v37;
	v54 =	vsel vm1, $0x773A, v54  }
0x21f: {  	v38 =	vadd.f32 v38, v43;
	v39 =	vadd.f32 v46, v39;
	v43 =	vshll.u32 v44, $0x10;
	v46 =	vld.idx.msk [tilespmem:v50+s2+$0x0], $0xffff  }
0x220: {  	v44 =	vand.u32 $0xFFFF0000, v44;
	v37 =	vadd.f32 v43, v37;
	v43 =	vsel vm0, $0x773A, v57  }
0x221: {  	v38 =	vadd.f32 v41, v38;
	v39 =	vadd.f32 v44, v39;
	v41 =	vshll.u32 v45, $0x10;
	v44 =	vld.idx.msk [tilespmem:v47+s2+$0x0], $0xffff  }
0x222: {  	v40 =	vcvt.s32.f32 v40;
	v45 =	vand.u32 $0xFFFF0000, v45;
	v37 =	vadd.f32 v41, v37  }
0x223: {  	v38 =	vadd.f32 v42, v38;
	v39 =	vadd.f32 v45, v39;
	v41 =	vshll.u32 v53, $0x10;
	v42 =	vld.idx.msk [tilespmem:v54+s2+$0x0], $0xffff  }
0x224: {  	v47 =	vand.u32 $0xFFFF0000, v53;
	v37 =	vadd.f32 v41, v37;
	v41 =	vcvt.s32.f32 v49;
	v45 =	vld.idx.msk [tilespmem:v24+s11+$0x0], $0xffff  }
0x225: {  	v40 =	vadd.f32 v40, v38;
	v39 =	vadd.f32 v47, v39;
	v38 =	vshll.u32 v46, $0x10;
	v43 =	vld.idx.msk [tilespmem:v43+s2+$0x0], $0xffff  }
0x226: {  	v47 =	vcvt.s32.f32 v48;
	v46 =	vand.u32 $0xFFFF0000, v46;
	v37 =	vadd.f32 v38, v37;
	v49 =	vld.idx.msk [tilespmem:v25+s11+$0x0], $0xffff  }
0x227: {  	v39 =	vadd.f32 v46, v39;
	v40 =	vadd.f32 v41, v40;
	v41 =	vshll.u32 v44, $0x10;
	v38 =	vld.idx.msk [tilespmem:v52+s11+$0x0], $0xffff  }
0x228: {  	v26 =	vcvt.s32.f32 v26;
	v44 =	vand.u32 $0xFFFF0000, v44;
	v37 =	vadd.f32 v41, v37;
	v46 =	vld.idx.msk [tilespmem:v52+s10+$0x0], $0xffff  }
.Ltmp6:
0x229: {  	v39 =	vadd.f32 v44, v39;
	v40 =	vadd.f32 v47, v40;
	v47 =	vshll.u32 v42, $0x10;
	v41 =	vld.idx.msk [tilespmem:v55+s11+$0x0], $0xffff;
	(pc) =	sbr.rel @p0 .LBB2_14-.Ltmp6, $4  }
0x22a: {  	v50 =	vcvt.s32.f32 v23;
	v48 =	vand.u32 $0xFFFF0000, v42;
	v37 =	vadd.f32 v47, v37;
	v23 =	vmovc v45;
	v44 =	vld.idx.msk [tilespmem:v55+s10+$0x0], $0xffff  }
0x22b: {  	v39 =	vadd.f32 v48, v39;
	v48 =	vadd.f32 v26, v40;
	v40 =	vshll.u32 v43, $0x10;
	v42 =	vld.idx.msk [tilespmem:v56+s11+$0x0], $0xffff  }
0x22c: {  	v47 =	vadd.s32 v33, v51;
	v43 =	vand.u32 $0xFFFF0000, v43;
	v37 =	vadd.f32 v40, v37;
	v26 =	vmovc v49;
	v45 =	vld.idx.msk [tilespmem:v56+s10+$0x0], $0xffff  }
0x22d: {  	v39 =	vadd.f32 v43, v39;
	v43 =	vadd.f32 v50, v48;
	vm0 =	veq.s32 v38, $0x0;
	v40 =	vld.idx.msk [tilespmem:v36+s11+$0x0], $0xffff  }
0x22e: {  	_ =	sdelay $0x3  }
0x22f: {  	v28 =	vld.idx.msk [tilespmem:v36+s10+$0x0], $0xffff  }
0x230: {  	v27 =	vsel vm0, $0x773A, v46;
	v29 =	vcvt.s32.f32 v38;
	v30 =	vld.idx.msk [tilespmem:v35+s11+$0x0], $0xffff  }
0x231: {  	vm0 =	veq.s32 v41, $0x0;
	v31 =	vld.idx.msk [tilespmem:v35+s10+$0x0], $0xffff  }
0x232: {  	v32 =	vcvt.s32.f32 v41;
	v34 =	vld.idx.msk [tilespmem:v47+s11+$0x0], $0xffff;
	v33 =	vsel vm0, $0x773A, v44;
	v29 =	vadd.f32 v29, v43  }
0x233: {  	v53 =	vld.idx.msk [tilespmem:v47+s10+$0x0], $0xffff;
	vm0 =	veq.s32 v42, $0x0  }
0x234: {  	v54 =	vcvt.s32.f32 v42;
	v55 =	vsel vm0, $0x773A, v45;
	v29 =	vadd.f32 v32, v29  }
0x235: {  	vm0 =	veq.s32 v40, $0x0;
	v56 =	vcvt.s32.f32 v40;
	v27 =	vld.idx.msk [tilespmem:v27+s2+$0x0], $0xffff  }
0x236: {  	v25 =	vld.idx.msk [tilespmem:v25+s10+$0x0], $0xffff;
	v28 =	vsel vm0, $0x773A, v28;
	vm0 =	veq.s32 v30, $0x0;
	v29 =	vadd.f32 v54, v29  }
0x237: {  	vm1 =	veq.s32 v34, $0x0;
	v30 =	vcvt.s32.f32 v30;
	v34 =	vcvt.s32.f32 v34;
	v33 =	vld.idx.msk [tilespmem:v33+s2+$0x0], $0xffff  }
0x238: {  	v24 =	vld.idx.msk [tilespmem:v24+s10+$0x0], $0xffff;
	v31 =	vsel vm0, $0x773A, v31;
	v35 =	vsel vm1, $0x773A, v53;
	v29 =	vadd.f32 v56, v29  }
0x239: {  	vm0 =	veq.s32 v23, $0x0;
	vm1 =	veq.s32 v26, $0x0;
	v26 =	vcvt.s32.f32 v26;
	v32 =	vld.idx.msk [tilespmem:v55+s2+$0x0], $0xffff  }
0x23a: {  	v23 =	vcvt.s32.f32 v23;
	v57 =	vshll.u32 v27, $0x10;
	v29 =	vadd.f32 v30, v29  }
0x23b: {  	v25 =	vsel vm1, $0x773A, v25;
	v27 =	vand.u32 $0xFFFF0000, v27;
	v28 =	vld.idx.msk [tilespmem:v28+s2+$0x0], $0xffff;
	v30 =	vadd.f32 v57, v37  }
0x23c: {  	v27 =	vadd.f32 v27, v39;
	v58 =	vshll.u32 v33, $0x10;
	v29 =	vadd.f32 v34, v29  }
0x23d: {  	v24 =	vsel vm0, $0x773A, v24;
	v33 =	vand.u32 $0xFFFF0000, v33;
	v31 =	vld.idx.msk [tilespmem:v31+s2+$0x0], $0xffff;
	v30 =	vadd.f32 v58, v30  }
0x23e: {  	v27 =	vadd.f32 v33, v27;
	v26 =	vadd.f32 v26, v29;
	v29 =	vshll.u32 v32, $0x10  }
0x23f: {  	v59 =	vld.idx.msk [tilespmem:v35+s2+$0x0], $0xffff;
	v32 =	vand.u32 $0xFFFF0000, v32;
	v29 =	vadd.f32 v29, v30  }
0x240: {  	v23 =	vadd.f32 v23, v26;
	v26 =	vadd.f32 v32, v27;
	v27 =	vshll.u32 v28, $0x10  }
0x241: {  	v25 =	vld.idx.msk [tilespmem:v25+s2+$0x0], $0xffff;
	v28 =	vand.u32 $0xFFFF0000, v28;
	v27 =	vadd.f32 v27, v29  }
0x242: {  	(erf) = vrcp.f32 v23;
	v23 =	vadd.f32 v28, v26;
	v26 =	vshll.u32 v31, $0x10  }
0x243: {  	v24 =	vld.idx.msk [tilespmem:v24+s2+$0x0], $0xffff;
	v28 =	vand.u32 $0xFFFF0000, v31;
	v26 =	vadd.f32 v26, v27  }
0x244: {  	v27 =	vshll.u32 v59, $0x10;
	v23 =	vadd.f32 v28, v23  }
0x245: {  	v28 =	vand.u32 $0xFFFF0000, v59;
	v26 =	vadd.f32 v27, v26  }
0x246: {  	s19 =	simm.s32 $0x0;
	v27 =	vshll.u32 v25, $0x10;
	v23 =	vadd.f32 v28, v23  }
0x247: {  	v25 =	vand.u32 $0xFFFF0000, v25;
	v26 =	vadd.f32 v27, v26;
	v27 =	vmov s19  }
0x248: {  	v23 =	vadd.f32 v25, v23;
	v25 =	vshll.u32 v24, $0x10;
	v24 =	vand.u32 $0xFFFF0000, v24  }
0x249: {  	v27 =	vshrl.u32 v27, $0x3  }
0x24a: {  	v25 =	vadd.f32 v25, v26;
	v26 =	vshll.u32 v27, $0x3  }
0x24b: {  	v30 =	vor.u32 $0x300, v5;
	v23 =	vadd.f32 v24, v23;
	v60 =	vbroadcast v26, $0x0;
	v24 =	vpop (erf)  }
0x24c: {  	v27 =	vadd.s32 $0x5787, v0;
	v26 =	vor.u32 $0x301, v5;
	v25 =	vmul.f32 v24, v25  }
0x24d: {  	v29 =	vadd.s32 $0x5780, v0;
	v23 =	vmul.f32 v24, v23;
	v24 =	vadd.s32 v27, v60  }
0x24e: {  	v61 =	vadd.s32 v29, v60;
	v31 =	vadd.f32 v21, v25  }
0x24f: {  	v32 =	vadd.s32 $0x5783, v0;
	v23 =	vadd.f32 v22, v23  }
0x250: {  	v28 =	vadd.s32 $0x5786, v0;
	v36 =	vadd.s32 v32, v60;
	[tilespmem:v30+s16+$0x0] =	vst.idx.msk $0xffff, v31  }
0x251: {  	v25 =	vadd.s32 v28, v60;
	v30 =	vadd.s32 $0x5781, v0;
	[tilespmem:v26+s16+$0x0] =	vst.idx.msk $0xffff, v23  }
0x252: {  	v62 =	vadd.s32 v30, v60;
	v23 =	vld.idx.msk [tilespmem:v24+s11+$0x0], $0xffff  }
0x253: {  	v31 =	vadd.s32 $0x5782, v0;
	v38 =	vld.idx.msk [tilespmem:v61+s11+$0x0], $0xffff  }
0x254: {  	v63 =	vadd.s32 v31, v60;
	v46 =	vld.idx.msk [tilespmem:v61+s10+$0x0], $0xffff  }
0x255: {  	v40 =	vld.idx.msk [tilespmem:v36+s11+$0x0], $0xffff  }
0x256: {  	v34 =	vadd.s32 $0x5784, v0;
	v26 =	vld.idx.msk [tilespmem:v25+s11+$0x0], $0xffff  }
0x257: {  	v35 =	vadd.s32 v34, v60;
	v41 =	vld.idx.msk [tilespmem:v62+s11+$0x0], $0xffff  }
0x258: {  	v33 =	vadd.s32 $0x5785, v0;
	v44 =	vld.idx.msk [tilespmem:v62+s10+$0x0], $0xffff  }
0x259: {  	v43 =	vimm.f32 $0.0e+00;
	v47 =	vadd.s32 v33, v60;
	v42 =	vld.idx.msk [tilespmem:v63+s11+$0x0], $0xffff  }
0x25a: {  	v37 =	vimm.f32 $0.0e+00;
	v39 =	vimm.f32 $0.0e+00;
	v45 =	vld.idx.msk [tilespmem:v63+s10+$0x0], $0xffff;
	vm0 =	veq.s32 v38, $0x0  }
.LBB2_16:
0x25b: {  	s19 =	sadd.s32 $0x8, s19;
	v46 =	vsel vm0, $0x773A, v46;
	v36 =	vld.idx.msk [tilespmem:v36+s10+$0x0], $0xffff  }
0x25c: {  	vm0 =	veq.s32 v41, $0x0;
	v48 =	vmov s19;
	p0 =	slt.u32 s19, $0xC0;
	v49 =	vld.idx.msk [tilespmem:v35+s11+$0x0], $0xffff  }
0x25d: {  	v44 =	vsel vm0, $0x773A, v44;
	v48 =	vshrl.u32 v48, $0x3;
	v50 =	vld.idx.msk [tilespmem:v35+s10+$0x0], $0xffff  }
0x25e: {  	vm0 =	veq.s32 v42, $0x0;
	v35 =	vshll.u32 v48, $0x3;
	v48 =	vld.idx.msk [tilespmem:v47+s11+$0x0], $0xffff  }
0x25f: {  	v45 =	vsel vm0, $0x773A, v45;
	v51 =	vbroadcast v35, $0x0;
	v47 =	vld.idx.msk [tilespmem:v47+s10+$0x0], $0xffff  }
0x260: {  	vm0 =	veq.s32 v40, $0x0;
	v46 =	vld.idx.msk [tilespmem:v46+s2+$0x0], $0xffff  }
0x261: {  	v53 =	vsel vm0, $0x773A, v36;
	v52 =	vadd.s32 v27, v51;
	v54 =	vld.idx.msk [tilespmem:v25+s10+$0x0], $0xffff;
	v25 =	vadd.s32 v28, v51  }
0x262: {  	v36 =	vadd.s32 v32, v51;
	v35 =	vadd.s32 v34, v51;
	vm0 =	veq.s32 v49, $0x0;
	v44 =	vld.idx.msk [tilespmem:v44+s2+$0x0], $0xffff  }
0x263: {  	v55 =	vadd.s32 v30, v51;
	v56 =	vadd.s32 v31, v51;
	v50 =	vsel vm0, $0x773A, v50;
	v57 =	vld.idx.msk [tilespmem:v24+s10+$0x0], $0xffff;
	v24 =	vmovc v52  }
0x264: {  	v42 =	vcvt.s32.f32 v42;
	v52 =	vadd.s32 v29, v51;
	vm0 =	veq.s32 v48, $0x0;
	v45 =	vld.idx.msk [tilespmem:v45+s2+$0x0], $0xffff  }
0x265: {  	v41 =	vcvt.s32.f32 v41;
	v47 =	vsel vm0, $0x773A, v47;
	vm0 =	veq.s32 v23, $0x0  }
0x266: {  	v38 =	vcvt.s32.f32 v38;
	vm1 =	veq.s32 v26, $0x0;
	v58 =	vshll.u32 v46, $0x10;
	v53 =	vld.idx.msk [tilespmem:v53+s2+$0x0], $0xffff  }
0x267: {  	v46 =	vand.u32 $0xFFFF0000, v46;
	v37 =	vadd.f32 v58, v37;
	v54 =	vsel vm1, $0x773A, v54  }
0x268: {  	v38 =	vadd.f32 v38, v43;
	v39 =	vadd.f32 v46, v39;
	v43 =	vshll.u32 v44, $0x10;
	v46 =	vld.idx.msk [tilespmem:v50+s2+$0x0], $0xffff  }
0x269: {  	v44 =	vand.u32 $0xFFFF0000, v44;
	v37 =	vadd.f32 v43, v37;
	v43 =	vsel vm0, $0x773A, v57  }
0x26a: {  	v38 =	vadd.f32 v41, v38;
	v39 =	vadd.f32 v44, v39;
	v41 =	vshll.u32 v45, $0x10;
	v44 =	vld.idx.msk [tilespmem:v47+s2+$0x0], $0xffff  }
0x26b: {  	v40 =	vcvt.s32.f32 v40;
	v45 =	vand.u32 $0xFFFF0000, v45;
	v37 =	vadd.f32 v41, v37  }
0x26c: {  	v38 =	vadd.f32 v42, v38;
	v39 =	vadd.f32 v45, v39;
	v41 =	vshll.u32 v53, $0x10;
	v42 =	vld.idx.msk [tilespmem:v54+s2+$0x0], $0xffff  }
0x26d: {  	v47 =	vand.u32 $0xFFFF0000, v53;
	v37 =	vadd.f32 v41, v37;
	v41 =	vcvt.s32.f32 v49;
	v45 =	vld.idx.msk [tilespmem:v24+s11+$0x0], $0xffff  }
0x26e: {  	v40 =	vadd.f32 v40, v38;
	v39 =	vadd.f32 v47, v39;
	v38 =	vshll.u32 v46, $0x10;
	v43 =	vld.idx.msk [tilespmem:v43+s2+$0x0], $0xffff  }
0x26f: {  	v47 =	vcvt.s32.f32 v48;
	v46 =	vand.u32 $0xFFFF0000, v46;
	v37 =	vadd.f32 v38, v37;
	v49 =	vld.idx.msk [tilespmem:v25+s11+$0x0], $0xffff  }
0x270: {  	v39 =	vadd.f32 v46, v39;
	v40 =	vadd.f32 v41, v40;
	v41 =	vshll.u32 v44, $0x10;
	v38 =	vld.idx.msk [tilespmem:v52+s11+$0x0], $0xffff  }
0x271: {  	v26 =	vcvt.s32.f32 v26;
	v44 =	vand.u32 $0xFFFF0000, v44;
	v37 =	vadd.f32 v41, v37;
	v46 =	vld.idx.msk [tilespmem:v52+s10+$0x0], $0xffff  }
.Ltmp7:
0x272: {  	v39 =	vadd.f32 v44, v39;
	v40 =	vadd.f32 v47, v40;
	v47 =	vshll.u32 v42, $0x10;
	v41 =	vld.idx.msk [tilespmem:v55+s11+$0x0], $0xffff;
	(pc) =	sbr.rel @p0 .LBB2_16-.Ltmp7, $4  }
0x273: {  	v50 =	vcvt.s32.f32 v23;
	v48 =	vand.u32 $0xFFFF0000, v42;
	v37 =	vadd.f32 v47, v37;
	v23 =	vmovc v45;
	v44 =	vld.idx.msk [tilespmem:v55+s10+$0x0], $0xffff  }
0x274: {  	v39 =	vadd.f32 v48, v39;
	v48 =	vadd.f32 v26, v40;
	v40 =	vshll.u32 v43, $0x10;
	v42 =	vld.idx.msk [tilespmem:v56+s11+$0x0], $0xffff  }
0x275: {  	v47 =	vadd.s32 v33, v51;
	v43 =	vand.u32 $0xFFFF0000, v43;
	v37 =	vadd.f32 v40, v37;
	v26 =	vmovc v49;
	v45 =	vld.idx.msk [tilespmem:v56+s10+$0x0], $0xffff  }
0x276: {  	v39 =	vadd.f32 v43, v39;
	v43 =	vadd.f32 v50, v48;
	vm0 =	veq.s32 v38, $0x0;
	v40 =	vld.idx.msk [tilespmem:v36+s11+$0x0], $0xffff  }
0x277: {  	_ =	sdelay $0x2  }
0x278: {  	v29 =	vcvt.s32.f32 v38  }
0x279: {  	v27 =	vsel vm0, $0x773A, v46;
	v28 =	vld.idx.msk [tilespmem:v36+s10+$0x0], $0xffff  }
0x27a: {  	v30 =	vld.idx.msk [tilespmem:v35+s11+$0x0], $0xffff;
	vm10 =	veq.s32 v41, $0x0;
	v32 =	vcvt.s32.f32 v41;
	v29 =	vadd.f32 v29, v43  }
0x27b: {  	v31 =	vld.idx.msk [tilespmem:v35+s10+$0x0], $0xffff;
	v33 =	vsel vm10, $0x773A, v44  }
0x27c: {  	v34 =	vld.idx.msk [tilespmem:v47+s11+$0x0], $0xffff;
	vm11 =	veq.s32 v42, $0x0;
	v44 =	vcvt.s32.f32 v42;
	v29 =	vadd.f32 v32, v29  }
0x27d: {  	v43 =	vld.idx.msk [tilespmem:v47+s10+$0x0], $0xffff;
	v45 =	vsel vm11, $0x773A, v45  }
0x27e: {  	vm12 =	veq.s32 v40, $0x0;
	v46 =	vcvt.s32.f32 v40;
	v27 =	vld.idx.msk [tilespmem:v27+s2+$0x0], $0xffff;
	v29 =	vadd.f32 v44, v29  }
0x27f: {  	v25 =	vld.idx.msk [tilespmem:v25+s10+$0x0], $0xffff;
	vm14 =	veq.s32 v23, $0x0;
	v28 =	vsel vm12, $0x773A, v28  }
0x280: {  	vm13 =	veq.s32 v30, $0x0;
	v30 =	vcvt.s32.f32 v30;
	v33 =	vld.idx.msk [tilespmem:v33+s2+$0x0], $0xffff;
	v29 =	vadd.f32 v46, v29  }
0x281: {  	v24 =	vld.idx.msk [tilespmem:v24+s10+$0x0], $0xffff;
	vm15 =	veq.s32 v26, $0x0;
	v49 =	vcvt.s32.f32 v26;
	v31 =	vsel vm13, $0x773A, v31  }
0x282: {  	vm1 =	veq.s32 v34, $0x0;
	v34 =	vcvt.s32.f32 v34;
	v32 =	vld.idx.msk [tilespmem:v45+s2+$0x0], $0xffff;
	v29 =	vadd.f32 v30, v29  }
0x283: {  	v23 =	vcvt.s32.f32 v23;
	v35 =	vsel vm1, $0x773A, v43;
	v47 =	vshll.u32 v27, $0x10  }
0x284: {  	v27 =	vand.u32 $0xFFFF0000, v27;
	v28 =	vld.idx.msk [tilespmem:v28+s2+$0x0], $0xffff;
	v48 =	vadd.f32 v47, v37;
	v29 =	vadd.f32 v34, v29  }
0x285: {  	v25 =	vsel vm15, $0x773A, v25;
	v27 =	vadd.f32 v27, v39;
	v50 =	vshll.u32 v33, $0x10  }
0x286: {  	v33 =	vand.u32 $0xFFFF0000, v33;
	v31 =	vld.idx.msk [tilespmem:v31+s2+$0x0], $0xffff;
	v30 =	vadd.f32 v50, v48;
	v26 =	vadd.f32 v49, v29  }
0x287: {  	v24 =	vsel vm14, $0x773A, v24;
	v27 =	vadd.f32 v33, v27;
	v51 =	vshll.u32 v32, $0x10  }
0x288: {  	v52 =	vld.idx.msk [tilespmem:v35+s2+$0x0], $0xffff;
	v32 =	vand.u32 $0xFFFF0000, v32;
	v29 =	vadd.f32 v51, v30;
	v23 =	vadd.f32 v23, v26  }
0x289: {  	v53 =	vadd.f32 v32, v27;
	v54 =	vshll.u32 v28, $0x10  }
0x28a: {  	v25 =	vld.idx.msk [tilespmem:v25+s2+$0x0], $0xffff;
	v28 =	vand.u32 $0xFFFF0000, v28;
	v27 =	vadd.f32 v54, v29;
	(erf) = vrcp.f32 v23  }
0x28b: {  	v55 =	vshll.u32 v31, $0x10;
	v23 =	vadd.f32 v28, v53  }
0x28c: {  	v24 =	vld.idx.msk [tilespmem:v24+s2+$0x0], $0xffff;
	v56 =	vand.u32 $0xFFFF0000, v31;
	v26 =	vadd.f32 v55, v27  }
0x28d: {  	v57 =	vshll.u32 v52, $0x10;
	v23 =	vadd.f32 v56, v23  }
0x28e: {  	v58 =	vand.u32 $0xFFFF0000, v52;
	v26 =	vadd.f32 v57, v26  }
0x28f: {  	v59 =	vshll.u32 v25, $0x10;
	v23 =	vadd.f32 v58, v23  }
0x290: {  	v25 =	vand.u32 $0xFFFF0000, v25;
	v26 =	vadd.f32 v59, v26  }
0x291: {  	v60 =	vshll.u32 v24, $0x10;
	v23 =	vadd.f32 v25, v23  }
0x292: {  	v24 =	vand.u32 $0xFFFF0000, v24;
	v25 =	vadd.f32 v60, v26  }
0x293: {  	v62 =	vor.u32 $0x380, v5;
	v23 =	vadd.f32 v24, v23;
	v61 =	vpop (erf)  }
0x294: {  	v63 =	vor.u32 $0x381, v5;
	v25 =	vmul.f32 v61, v25  }
0x295: {  	v23 =	vmul.f32 v61, v23  }
0x296: {  	v21 =	vadd.f32 v21, v25  }
0x297: {  	s18 =	sadd.s32 $0x1, s18;
	v22 =	vadd.f32 v22, v23  }
0x298: {  	p0 =	sne.s32 s18, s9;
	[tilespmem:v62+s16+$0x0] =	vst.idx.msk $0xffff, v21  }
.Ltmp8:
0x299: {  	[tilespmem:v63+s16+$0x0] =	vst.idx.msk $0xffff, v22;
	(pc) =	sbr.rel @p0 .LBB2_1-.Ltmp8, $4  }
0x29a: {  	[hbm4b:s8+s2] =	stream.linear.scatter [tilespmem:s16], [sflag:$0x3], $0x400, $0x38;
	[tilespmem:$0x14348] =	vst v63  }
0x29b: {  	_ =	swait.ge [sflag:s17], $0x400  }
0x29c: {  	[sflag:s17] =	ssyncset.done $0x0  }
0x29d: {  	[sflag:s17] =	ssyncadd.s32 $0xFFFFFC00  }
0x29e: {  	_ =	sfence.sel $0x180000  }
0x29f: {  	[bflag:$0x0] =	sbarrier.arrive $0xFFFF  }
0x2a0: {  	p0 =	sne.s32 s1, $0x0;
	_ =	strace $0x90000047  }
0x2a1: {  	s0 =	sadd.s32 @!p0 $0x100000, s0;
	[bflag:$0x2] =	sbarrier.arrive $0xFFFF  }
0x2a2: {  	[sflag:s0] =	ssyncadd.tile.s32 @!p0 $0x1;
	_ =	shalt  }
.Lfunc_end2:
_tile_overlayer_lowered:
.L_overlay_start_2:
0x2a3: {  	(tag) =	ssettag $0x2  }
0x2a4: {  	s0 =	rddreg [dreg:$0x0];
	s2 =	stileid.u32  }
0x2a5: {  	s1 =	rddreg [dreg:$0x1];
	p0 =	sne.s32 s2, $0x0  }
0x2a6: {  	s3 =	rddreg [dreg:$0x2];
	[bflag:$0x3] =	sbarrier.arrive $0xFFFF;
	s2 =	simm.s32 @!p0 $0x1C03  }
0x2a7: {  	[timem:s3], [sflag:s2] =	dma.local @!p0 [hbm:s0], s1  }
0x2a8: {  	s0 =	simm.s32 @!p0 $0x3  }
0x2a9: {  	_ =	swait.ge @!p0 [sflag:s0], s1  }
0x2aa: {  	s1 =	ssub.s32 @!p0 $0x0, s1;
	[sflag:s0] =	ssyncset.done @!p0 $0x0  }
0x2ab: {  	[sflag:s0] =	ssyncadd.s32 @!p0 s1  }
0x2ac: {  	[bflag:$0x3] =	sbarrier.arrive $0xFFFF  }
0x2ad: {  	_ =	shalt  }

</sc_bundles>
